<compile_context>
chip_gen: v7x
topology: tpu7x:2x2x1
jax: 0.10.2.dev20260603
libtpu: 0.0.44.dev20260713+nightly
codegen_flags: <defaults>
</compile_context>

<pallas_src>
import functools

import jax
import jax.numpy as jnp
from jax import lax
from jax.experimental import pallas as pl
from jax.experimental.pallas import tpu as pltpu
from jax.experimental.pallas import tpu_sc as plsc

N = 10000
E = 320000
D = 128
H = 3 * D
DW = 16
NP = 10112
NC = 2
NS = 16
NW = NC * NS
EPW = E // NW
K = 40
CH = EPW // K
ROWS_PER_TILE = NP // NS

NB = 6
LA = 4
CHS = 50
NSEG = CH // CHS
NT = CH % NB
IT = (CH - NT) // NB


def _sc_body(ns_ref, fi_ref, ti_ref, zs_ref, zd_ref, oh_ref, out_ref, outd_ref,
             s_sh, d_sh, fidx, tidx, rows, ones, isems, gsems, ssems):
    cid = lax.axis_index("c")
    sid = lax.axis_index("s")
    wid = cid * NS + sid
    slab0 = sid * ROWS_PER_TILE

    pltpu.async_copy(zs_ref.at[pl.ds(slab0, ROWS_PER_TILE)],
                     s_sh.at[pl.ds(slab0, ROWS_PER_TILE)], gsems[0])
    pltpu.async_copy(zd_ref.at[pl.ds(slab0, ROWS_PER_TILE)],
                     d_sh.at[pl.ds(slab0, ROWS_PER_TILE)], gsems[1])
    pltpu.async_copy(oh_ref, ones, gsems[2])
    pltpu.async_copy(fi_ref.at[wid, pl.ds(0, CHS)], fidx.at[0], isems[0])
    pltpu.async_copy(ti_ref.at[wid, pl.ds(0, CHS)], tidx.at[0], isems[1])
    pltpu.async_copy(fi_ref.at[wid, pl.ds(CHS, CHS)], fidx.at[1], isems[0])
    pltpu.async_copy(ti_ref.at[wid, pl.ds(CHS, CHS)], tidx.at[1], isems[1])
    pltpu.make_async_copy(zs_ref.at[pl.ds(slab0, ROWS_PER_TILE)],
                          s_sh.at[pl.ds(slab0, ROWS_PER_TILE)], gsems[0]).wait()
    pltpu.make_async_copy(zd_ref.at[pl.ds(slab0, ROWS_PER_TILE)],
                          d_sh.at[pl.ds(slab0, ROWS_PER_TILE)], gsems[1]).wait()
    pltpu.make_async_copy(oh_ref, ones, gsems[2]).wait()
    for _ in range(2):
        pltpu.make_async_copy(fi_ref.at[wid, pl.ds(0, CHS)], fidx.at[0],
                              isems[0]).wait()
        pltpu.make_async_copy(ti_ref.at[wid, pl.ds(0, CHS)], tidx.at[0],
                              isems[1]).wait()
    plsc.subcore_barrier()

    def _gather(c, b):
        hp = (c // CHS) % 2
        lc = c % CHS
        pltpu.async_copy(ns_ref.at[fidx.at[hp, lc]], rows[b], gsems[b])

    def _wait_gather(b):
        pltpu.make_async_copy(ns_ref.at[fidx.at[0, 0]], rows[b],
                              gsems[b]).wait()

    def _scatter(c, b):
        hp = (c // CHS) % 2
        lc = c % CHS
        pltpu.async_copy(rows[b], s_sh.at[tidx.at[hp, lc]], ssems[b], add=True)
        pltpu.async_copy(ones, d_sh.at[tidx.at[hp, lc]], ssems[b], add=True)

    def _wait_scatter(b):
        pltpu.make_async_copy(rows[b], s_sh.at[tidx.at[0, 0]], ssems[b]).wait()
        pltpu.make_async_copy(ones, d_sh.at[tidx.at[0, 0]], ssems[b]).wait()

    def _chunk_traced(c, j):
        _wait_gather(j)
        _scatter(c, j)
        m = c % CHS

        @pl.when(c + LA < CH)
        def _refill():
            bn = (j + LA) % NB

            @pl.when(c >= NB - LA)
            def _drain():
                _wait_scatter(bn)

            _gather(c + LA, bn)

        @pl.when(jnp.logical_and(m == 30, c < CHS * (NSEG - 1)))
        def _reload():
            nsg = c // CHS + 1
            pltpu.async_copy(fi_ref.at[wid, pl.ds(nsg * CHS, CHS)],
                             fidx.at[nsg % 2], isems[0])
            pltpu.async_copy(ti_ref.at[wid, pl.ds(nsg * CHS, CHS)],
                             tidx.at[nsg % 2], isems[1])

        @pl.when(jnp.logical_and(m == CHS - LA - 1, c < CHS * (NSEG - 1)))
        def _reload_wait():
            pltpu.make_async_copy(fi_ref.at[wid, pl.ds(0, CHS)], fidx.at[0],
                                  isems[0]).wait()
            pltpu.make_async_copy(ti_ref.at[wid, pl.ds(0, CHS)], tidx.at[0],
                                  isems[1]).wait()

    for c in range(LA):
        _gather(c, c)

    def _body(i, carry):
        for j in range(NB):
            _chunk_traced(NB * i + j, j)
        return carry

    lax.fori_loop(0, IT, _body, 0)
    for t in range(NT):
        c = CH - NT + t
        _wait_gather(c % NB)
        _scatter(c, c % NB)
    for j in range(NB):
        _wait_scatter(j)
    plsc.subcore_barrier()

    out_row = cid * NP + slab0
    pltpu.sync_copy(s_sh.at[pl.ds(slab0, ROWS_PER_TILE)],
                    out_ref.at[pl.ds(out_row, ROWS_PER_TILE)])
    pltpu.sync_copy(d_sh.at[pl.ds(slab0, ROWS_PER_TILE)],
                    outd_ref.at[pl.ds(out_row, ROWS_PER_TILE)])


@functools.partial(
    pl.kernel,
    out_type=(jax.ShapeDtypeStruct((NC * NP, D), jnp.float32),
              jax.ShapeDtypeStruct((NC * NP, DW), jnp.float32)),
    mesh=plsc.VectorSubcoreMesh(core_axis_name="c", subcore_axis_name="s"),
    compiler_params=pltpu.CompilerParams(use_tc_tiling_on_sc=False),
    scratch_types=[
        pltpu.VMEM_SHARED((NP, D), jnp.float32),
        pltpu.VMEM_SHARED((NP, DW), jnp.float32),
        pltpu.VMEM((2, CHS, K), jnp.int32),
        pltpu.VMEM((2, CHS, K), jnp.int32),
        [pltpu.VMEM((K, D), jnp.float32)] * NB,
        pltpu.VMEM((K, DW), jnp.float32),
        [pltpu.SemaphoreType.DMA] * 2,
        [pltpu.SemaphoreType.DMA] * NB,
        [pltpu.SemaphoreType.DMA] * NB,
    ],
)
def _sc_scatter(ns_ref, fi_ref, ti_ref, zs_ref, zd_ref, oh_ref, out_ref,
                outd_ref, s_sh, d_sh, fidx, tidx, rows, ones, isems, gsems,
                ssems):
    _sc_body(ns_ref, fi_ref, ti_ref, zs_ref, zd_ref, oh_ref, out_ref, outd_ref,
             s_sh, d_sh, fidx, tidx, rows, ones, isems, gsems, ssems)


BN = 2000


def _tc_body(p0_ref, p1_ref, d0_ref, d1_ref, ns_ref, wmsg_ref, wih_ref,
             whh_ref, bmsg_ref, bih_ref, bhh_ref, out_ref):
    sf = p0_ref[...] + p1_ref[...]
    deg = (d0_ref[...] + d1_ref[...])[:, :1]
    h = ns_ref[...]
    wf = wmsg_ref[:, :D]
    wt = wmsg_ref[:, D:]
    dn = (((1,), (1,)), ((), ()))
    t2 = lax.dot_general(h, wt, dn, preferred_element_type=jnp.float32) + bmsg_ref[...]
    agg = lax.dot_general(sf, wf, dn, preferred_element_type=jnp.float32) + deg * t2
    gi = lax.dot_general(agg, wih_ref[...], dn, preferred_element_type=jnp.float32) + bih_ref[...]
    gh = lax.dot_general(h, whh_ref[...], dn, preferred_element_type=jnp.float32) + bhh_ref[...]
    r = jax.nn.sigmoid(gi[:, :D] + gh[:, :D])
    z = jax.nn.sigmoid(gi[:, D:2 * D] + gh[:, D:2 * D])
    nn = jnp.tanh(gi[:, 2 * D:] + r * gh[:, 2 * D:])
    out_ref[...] = (1.0 - z) * nn + z * h


def _tc_dense(parts, degp, node_states, W_msg, W_ih, W_hh, b_msg, b_ih, b_hh):
    grid = (N // BN,)
    return pl.pallas_call(
        _tc_body,
        grid=grid,
        in_specs=[
            pl.BlockSpec((BN, D), lambda i: (i, 0)),
            pl.BlockSpec((BN, D), lambda i: (i, 0)),
            pl.BlockSpec((BN, DW), lambda i: (i, 0)),
            pl.BlockSpec((BN, DW), lambda i: (i, 0)),
            pl.BlockSpec((BN, D), lambda i: (i, 0)),
            pl.BlockSpec((H, 2 * D), lambda i: (0, 0)),
            pl.BlockSpec((H, H), lambda i: (0, 0)),
            pl.BlockSpec((H, D), lambda i: (0, 0)),
            pl.BlockSpec((1, H), lambda i: (0, 0)),
            pl.BlockSpec((1, H), lambda i: (0, 0)),
            pl.BlockSpec((1, H), lambda i: (0, 0)),
        ],
        out_specs=pl.BlockSpec((BN, D), lambda i: (i, 0)),
        out_shape=jax.ShapeDtypeStruct((N, D), jnp.float32),
    )(parts[0], parts[1], degp[0], degp[1], node_states, W_msg, W_ih, W_hh,
      b_msg, b_ih, b_hh)


def kernel(node_states, from_idx, to_idx, W_msg, b_msg, W_ih, W_hh, b_ih, b_hh):
    zs = jnp.zeros((NP, D), jnp.float32)
    zd = jnp.zeros((NP, DW), jnp.float32)
    oh = jnp.zeros((K, DW), jnp.float32).at[:, 0].set(1.0)
    parts, degp = _sc_scatter(node_states, from_idx.reshape(NW, CH, K),
                              to_idx.reshape(NW, CH, K), zs, zd, oh)
    return _tc_dense(parts.reshape(NC, NP, D), degp.reshape(NC, NP, DW),
                     node_states, W_msg, W_ih, W_hh,
                     b_msg.reshape(1, H), b_ih.reshape(1, H), b_hh.reshape(1, H))

# --- scband reference (transcript-rebuilt; emitter-appended) ---
"""Pipeline reference for scband-graph-prop-layer-21105469293020 (READ-ONLY COPY).

The authoritative reference and input builder live on the scoring server;
editing this copy changes nothing except your own understanding.
"""

import jax, jax.numpy as jnp
import numpy as np

N = 10000
E = 320000
D = 128
H = 3 * D  # edge_hidden_sizes[-1] == 3*node_state_dim so GRU input matches with node_features=None


def setup_inputs(seed: int = 0) -> dict:
    key = jax.random.key(seed)
    ks = jax.random.split(key, 9)
    node_states = jax.random.normal(ks[0], (N, D), dtype=jnp.float32)
    from_idx = jax.random.randint(ks[1], (E,), 0, N)
    to_idx = jax.random.randint(ks[2], (E,), 0, N)
    # message net: single Linear(2D -> H), torch weight layout [out, in]
    W_msg = jax.random.normal(ks[3], (H, 2 * D), dtype=jnp.float32) * 0.05
    b_msg = jnp.zeros((H,), dtype=jnp.float32)
    # GRU(input=3D, hidden=D): W_ih [3D, 3D], W_hh [3D, D], biases [3D]
    W_ih = jax.random.normal(ks[4], (3 * D, H), dtype=jnp.float32) * 0.05
    W_hh = jax.random.normal(ks[5], (3 * D, D), dtype=jnp.float32) * 0.05
    b_ih = jnp.zeros((3 * D,), dtype=jnp.float32)
    b_hh = jnp.zeros((3 * D,), dtype=jnp.float32)
    return {"node_states": node_states, "from_idx": from_idx, "to_idx": to_idx,
            "W_msg": W_msg, "b_msg": b_msg, "W_ih": W_ih, "W_hh": W_hh,
            "b_ih": b_ih, "b_hh": b_hh}


def reference(node_states, from_idx, to_idx, W_msg, b_msg, W_ih, W_hh, b_ih, b_hh):
    # graph_prop_once (forward direction only; use_reverse_direction=False)
    from_states = jnp.take(node_states, from_idx, axis=0)
    to_states = jnp.take(node_states, to_idx, axis=0)
    edge_inputs = jnp.concatenate([from_states, to_states], axis=-1)  # [E, 2D]
    messages = edge_inputs @ W_msg.T + b_msg  # [E, H]
    agg = jnp.zeros((node_states.shape[0], messages.shape[1]), dtype=messages.dtype).at[to_idx].add(messages)
    # single-step GRU (torch nn.GRU semantics, seq_len=1)
    gi = agg @ W_ih.T + b_ih  # [N, 3D]
    gh = node_states @ W_hh.T + b_hh  # [N, 3D]
    i_r, i_z, i_n = jnp.split(gi, 3, axis=-1)
    h_r, h_z, h_n = jnp.split(gh, 3, axis=-1)
    r = jax.nn.sigmoid(i_r + h_r)
    z = jax.nn.sigmoid(i_z + h_z)
    n = jnp.tanh(i_n + r * h_n)
    new_node_states = (1.0 - z) * n + z * node_states
    return new_node_states

if __name__ == "__main__":
    import jax
    _d = setup_inputs()
    print(jax.jit(kernel)(*tuple(_d.values())))

</pallas_src>

<mosaic_0001>
#map = affine_map<(d0, d1) -> (0, 0)>
#map1 = affine_map<(d0, d1) -> (0, 0, 0)>
module attributes {stable_mosaic.version = 14 : i64} {
  func.func @_sc_scatter(%arg0: i32, %arg1: i32, %arg2: memref<10000x128xf32, #tpu.memory_space<hbm>>, %arg3: memref<32x250x40xi32, #tpu.memory_space<hbm>>, %arg4: memref<32x250x40xi32, #tpu.memory_space<hbm>>, %arg5: memref<10112x128xf32, #tpu.memory_space<hbm>>, %arg6: memref<10112x16xf32, #tpu.memory_space<hbm>>, %arg7: memref<40x16xf32, #tpu.memory_space<hbm>>, %arg8: memref<20224x128xf32, #tpu.memory_space<hbm>>, %arg9: memref<20224x16xf32, #tpu.memory_space<hbm>>, %arg10: memref<10112x128xf32, #tpu.memory_space<vmem_shared>>, %arg11: memref<10112x16xf32, #tpu.memory_space<vmem_shared>>, %arg12: memref<2x50x40xi32, #tpu.memory_space<vmem>>, %arg13: memref<2x50x40xi32, #tpu.memory_space<vmem>>, %arg14: memref<40x128xf32, #tpu.memory_space<vmem>>, %arg15: memref<40x128xf32, #tpu.memory_space<vmem>>, %arg16: memref<40x128xf32, #tpu.memory_space<vmem>>, %arg17: memref<40x128xf32, #tpu.memory_space<vmem>>, %arg18: memref<40x128xf32, #tpu.memory_space<vmem>>, %arg19: memref<40x128xf32, #tpu.memory_space<vmem>>, %arg20: memref<40x16xf32, #tpu.memory_space<vmem>>, %arg21: memref<!tpu.dma_semaphore, #tpu.memory_space<semaphore_mem>>, %arg22: memref<!tpu.dma_semaphore, #tpu.memory_space<semaphore_mem>>, %arg23: memref<!tpu.dma_semaphore, #tpu.memory_space<semaphore_mem>>, %arg24: memref<!tpu.dma_semaphore, #tpu.memory_space<semaphore_mem>>, %arg25: memref<!tpu.dma_semaphore, #tpu.memory_space<semaphore_mem>>, %arg26: memref<!tpu.dma_semaphore, #tpu.memory_space<semaphore_mem>>, %arg27: memref<!tpu.dma_semaphore, #tpu.memory_space<semaphore_mem>>, %arg28: memref<!tpu.dma_semaphore, #tpu.memory_space<semaphore_mem>>, %arg29: memref<!tpu.dma_semaphore, #tpu.memory_space<semaphore_mem>>, %arg30: memref<!tpu.dma_semaphore, #tpu.memory_space<semaphore_mem>>, %arg31: memref<!tpu.dma_semaphore, #tpu.memory_space<semaphore_mem>>, %arg32: memref<!tpu.dma_semaphore, #tpu.memory_space<semaphore_mem>>, %arg33: memref<!tpu.dma_semaphore, #tpu.memory_space<semaphore_mem>>, %arg34: memref<!tpu.dma_semaphore, #tpu.memory_space<semaphore_mem>>) attributes {dimension_semantics = [#tpu.dimension_semantics<core_parallel>, #tpu.dimension_semantics<subcore_parallel>], iteration_bounds = array<i64: 2, 16>, scalar_prefetch = 0 : i64, scratch_operands = 25 : i64, tpu.core_type = #tpu.core_type<sc_vector_subcore>, window_params = [{transform_indices = #map}, {transform_indices = #map1}, {transform_indices = #map1}, {transform_indices = #map}, {transform_indices = #map}, {transform_indices = #map}, {transform_indices = #map}, {transform_indices = #map}]} {
    %mul3A = arith.constant 16 : i32
    %mul3A_0 = arith.muli %arg0, %mul3A : i32
    %add3A = arith.addi %mul3A_0, %arg1 : i32
    %mul3A_1 = arith.constant 632 : i32
    %mul3A_2 = arith.muli %arg1, %mul3A_1 : i32
    %dma_start3A = arith.constant 0 : i32
    %dma_start3A_3 = tpu.memref_slice %arg10[%mul3A_2, %dma_start3A] : memref<10112x128xf32, #tpu.memory_space<vmem_shared>> -> memref<632x128xf32, #tpu.memory_space<vmem_shared>>
    %dma_start3A_4 = arith.constant 0 : i32
    %dma_start3A_5 = tpu.memref_slice %arg5[%mul3A_2, %dma_start3A_4] : memref<10112x128xf32, #tpu.memory_space<hbm>> -> memref<632x128xf32, #tpu.memory_space<hbm>>
    tpu.enqueue_dma source(%dma_start3A_5 : memref<632x128xf32, #tpu.memory_space<hbm>>) target(%dma_start3A_3 : memref<632x128xf32, #tpu.memory_space<vmem_shared>>) target_semaphore(%arg23 : memref<!tpu.dma_semaphore, #tpu.memory_space<semaphore_mem>>)
    %dma_start3A_6 = arith.constant 0 : i32
    %dma_start3A_7 = tpu.memref_slice %arg11[%mul3A_2, %dma_start3A_6] : memref<10112x16xf32, #tpu.memory_space<vmem_shared>> -> memref<632x16xf32, #tpu.memory_space<vmem_shared>>
    %dma_start3A_8 = arith.constant 0 : i32
    %dma_start3A_9 = tpu.memref_slice %arg6[%mul3A_2, %dma_start3A_8] : memref<10112x16xf32, #tpu.memory_space<hbm>> -> memref<632x16xf32, #tpu.memory_space<hbm>>
    tpu.enqueue_dma source(%dma_start3A_9 : memref<632x16xf32, #tpu.memory_space<hbm>>) target(%dma_start3A_7 : memref<632x16xf32, #tpu.memory_space<vmem_shared>>) target_semaphore(%arg24 : memref<!tpu.dma_semaphore, #tpu.memory_space<semaphore_mem>>)
    tpu.enqueue_dma source(%arg7 : memref<40x16xf32, #tpu.memory_space<hbm>>) target(%arg20 : memref<40x16xf32, #tpu.memory_space<vmem>>) target_semaphore(%arg25 : memref<!tpu.dma_semaphore, #tpu.memory_space<semaphore_mem>>)
    %dma_start3A_10 = arith.constant 0 : i32
    %dma_start3A_11 = arith.constant 0 : i32
    %dma_start3A_12 = arith.constant 0 : i32
    %dma_start3A_13 = tpu.memref_slice %arg12[%dma_start3A_10, %dma_start3A_11, %dma_start3A_12] : memref<2x50x40xi32, #tpu.memory_space<vmem>> -> memref<1x50x40xi32, #tpu.memory_space<vmem>>
    %dma_start3A_14 = tpu.memref_squeeze %dma_start3A_13 : memref<1x50x40xi32, #tpu.memory_space<vmem>> -> memref<50x40xi32, #tpu.memory_space<vmem>>
    %dma_start3A_15 = arith.constant 0 : i32
    %dma_start3A_16 = arith.constant 0 : i32
    %dma_start3A_17 = tpu.memref_slice %arg3[%add3A, %dma_start3A_15, %dma_start3A_16] : memref<32x250x40xi32, #tpu.memory_space<hbm>> -> memref<1x50x40xi32, #tpu.memory_space<hbm>>
    %dma_start3A_18 = tpu.memref_squeeze %dma_start3A_17 : memref<1x50x40xi32, #tpu.memory_space<hbm>> -> memref<50x40xi32, #tpu.memory_space<hbm>>
    %dma_start3A_19 = arith.constant 0 : i32
    %dma_start3A_20 = arith.constant 0 : i32
    %dma_start3A_21 = tpu.memref_slice %arg12[%dma_start3A_10, %dma_start3A_19, %dma_start3A_20] : memref<2x50x40xi32, #tpu.memory_space<vmem>> -> memref<1x50x40xi32, #tpu.memory_space<vmem>>
    %dma_start3A_22 = tpu.memref_squeeze %dma_start3A_21 : memref<1x50x40xi32, #tpu.memory_space<vmem>> -> memref<50x40xi32, #tpu.memory_space<vmem>>
    %dma_start3A_23 = arith.constant 0 : i32
    %dma_start3A_24 = arith.constant 0 : i32
    %dma_start3A_25 = tpu.memref_slice %arg3[%add3A, %dma_start3A_23, %dma_start3A_24] : memref<32x250x40xi32, #tpu.memory_space<hbm>> -> memref<1x50x40xi32, #tpu.memory_space<hbm>>
    %dma_start3A_26 = tpu.memref_squeeze %dma_start3A_25 : memref<1x50x40xi32, #tpu.memory_space<hbm>> -> memref<50x40xi32, #tpu.memory_space<hbm>>
    tpu.enqueue_dma source(%dma_start3A_26 : memref<50x40xi32, #tpu.memory_space<hbm>>) target(%dma_start3A_22 : memref<50x40xi32, #tpu.memory_space<vmem>>) target_semaphore(%arg21 : memref<!tpu.dma_semaphore, #tpu.memory_space<semaphore_mem>>)
    %dma_start3A_27 = arith.constant 0 : i32
    %dma_start3A_28 = arith.constant 0 : i32
    %dma_start3A_29 = arith.constant 0 : i32
    %dma_start3A_30 = tpu.memref_slice %arg13[%dma_start3A_27, %dma_start3A_28, %dma_start3A_29] : memref<2x50x40xi32, #tpu.memory_space<vmem>> -> memref<1x50x40xi32, #tpu.memory_space<vmem>>
    %dma_start3A_31 = tpu.memref_squeeze %dma_start3A_30 : memref<1x50x40xi32, #tpu.memory_space<vmem>> -> memref<50x40xi32, #tpu.memory_space<vmem>>
    %dma_start3A_32 = arith.constant 0 : i32
    %dma_start3A_33 = arith.constant 0 : i32
    %dma_start3A_34 = tpu.memref_slice %arg4[%add3A, %dma_start3A_32, %dma_start3A_33] : memref<32x250x40xi32, #tpu.memory_space<hbm>> -> memref<1x50x40xi32, #tpu.memory_space<hbm>>
    %dma_start3A_35 = tpu.memref_squeeze %dma_start3A_34 : memref<1x50x40xi32, #tpu.memory_space<hbm>> -> memref<50x40xi32, #tpu.memory_space<hbm>>
    %dma_start3A_36 = arith.constant 0 : i32
    %dma_start3A_37 = arith.constant 0 : i32
    %dma_start3A_38 = tpu.memref_slice %arg13[%dma_start3A_27, %dma_start3A_36, %dma_start3A_37] : memref<2x50x40xi32, #tpu.memory_space<vmem>> -> memref<1x50x40xi32, #tpu.memory_space<vmem>>
    %dma_start3A_39 = tpu.memref_squeeze %dma_start3A_38 : memref<1x50x40xi32, #tpu.memory_space<vmem>> -> memref<50x40xi32, #tpu.memory_space<vmem>>
    %dma_start3A_40 = arith.constant 0 : i32
    %dma_start3A_41 = arith.constant 0 : i32
    %dma_start3A_42 = tpu.memref_slice %arg4[%add3A, %dma_start3A_40, %dma_start3A_41] : memref<32x250x40xi32, #tpu.memory_space<hbm>> -> memref<1x50x40xi32, #tpu.memory_space<hbm>>
    %dma_start3A_43 = tpu.memref_squeeze %dma_start3A_42 : memref<1x50x40xi32, #tpu.memory_space<hbm>> -> memref<50x40xi32, #tpu.memory_space<hbm>>
    tpu.enqueue_dma source(%dma_start3A_43 : memref<50x40xi32, #tpu.memory_space<hbm>>) target(%dma_start3A_39 : memref<50x40xi32, #tpu.memory_space<vmem>>) target_semaphore(%arg22 : memref<!tpu.dma_semaphore, #tpu.memory_space<semaphore_mem>>)
    %dma_start3A_44 = arith.constant 1 : i32
    %dma_start3A_45 = arith.constant 0 : i32
    %dma_start3A_46 = arith.constant 0 : i32
    %dma_start3A_47 = tpu.memref_slice %arg12[%dma_start3A_44, %dma_start3A_45, %dma_start3A_46] : memref<2x50x40xi32, #tpu.memory_space<vmem>> -> memref<1x50x40xi32, #tpu.memory_space<vmem>>
    %dma_start3A_48 = tpu.memref_squeeze %dma_start3A_47 : memref<1x50x40xi32, #tpu.memory_space<vmem>> -> memref<50x40xi32, #tpu.memory_space<vmem>>
    %dma_start3A_49 = arith.constant 50 : i32
    %dma_start3A_50 = arith.constant 0 : i32
    %dma_start3A_51 = tpu.memref_slice %arg3[%add3A, %dma_start3A_49, %dma_start3A_50] : memref<32x250x40xi32, #tpu.memory_space<hbm>> -> memref<1x50x40xi32, #tpu.memory_space<hbm>>
    %dma_start3A_52 = tpu.memref_squeeze %dma_start3A_51 : memref<1x50x40xi32, #tpu.memory_space<hbm>> -> memref<50x40xi32, #tpu.memory_space<hbm>>
    %dma_start3A_53 = arith.constant 0 : i32
    %dma_start3A_54 = arith.constant 0 : i32
    %dma_start3A_55 = tpu.memref_slice %arg12[%dma_start3A_44, %dma_start3A_53, %dma_start3A_54] : memref<2x50x40xi32, #tpu.memory_space<vmem>> -> memref<1x50x40xi32, #tpu.memory_space<vmem>>
    %dma_start3A_56 = tpu.memref_squeeze %dma_start3A_55 : memref<1x50x40xi32, #tpu.memory_space<vmem>> -> memref<50x40xi32, #tpu.memory_space<vmem>>
    %dma_start3A_57 = arith.constant 50 : i32
    %dma_start3A_58 = arith.constant 0 : i32
    %dma_start3A_59 = tpu.memref_slice %arg3[%add3A, %dma_start3A_57, %dma_start3A_58] : memref<32x250x40xi32, #tpu.memory_space<hbm>> -> memref<1x50x40xi32, #tpu.memory_space<hbm>>
    %dma_start3A_60 = tpu.memref_squeeze %dma_start3A_59 : memref<1x50x40xi32, #tpu.memory_space<hbm>> -> memref<50x40xi32, #tpu.memory_space<hbm>>
    tpu.enqueue_dma source(%dma_start3A_60 : memref<50x40xi32, #tpu.memory_space<hbm>>) target(%dma_start3A_56 : memref<50x40xi32, #tpu.memory_space<vmem>>) target_semaphore(%arg21 : memref<!tpu.dma_semaphore, #tpu.memory_space<semaphore_mem>>)
    %dma_start3A_61 = arith.constant 1 : i32
    %dma_start3A_62 = arith.constant 0 : i32
    %dma_start3A_63 = arith.constant 0 : i32
    %dma_start3A_64 = tpu.memref_slice %arg13[%dma_start3A_61, %dma_start3A_62, %dma_start3A_63] : memref<2x50x40xi32, #tpu.memory_space<vmem>> -> memref<1x50x40xi32, #tpu.memory_space<vmem>>
    %dma_start3A_65 = tpu.memref_squeeze %dma_start3A_64 : memref<1x50x40xi32, #tpu.memory_space<vmem>> -> memref<50x40xi32, #tpu.memory_space<vmem>>
    %dma_start3A_66 = arith.constant 50 : i32
    %dma_start3A_67 = arith.constant 0 : i32
    %dma_start3A_68 = tpu.memref_slice %arg4[%add3A, %dma_start3A_66, %dma_start3A_67] : memref<32x250x40xi32, #tpu.memory_space<hbm>> -> memref<1x50x40xi32, #tpu.memory_space<hbm>>
    %dma_start3A_69 = tpu.memref_squeeze %dma_start3A_68 : memref<1x50x40xi32, #tpu.memory_space<hbm>> -> memref<50x40xi32, #tpu.memory_space<hbm>>
    %dma_start3A_70 = arith.constant 0 : i32
    %dma_start3A_71 = arith.constant 0 : i32
    %dma_start3A_72 = tpu.memref_slice %arg13[%dma_start3A_61, %dma_start3A_70, %dma_start3A_71] : memref<2x50x40xi32, #tpu.memory_space<vmem>> -> memref<1x50x40xi32, #tpu.memory_space<vmem>>
    %dma_start3A_73 = tpu.memref_squeeze %dma_start3A_72 : memref<1x50x40xi32, #tpu.memory_space<vmem>> -> memref<50x40xi32, #tpu.memory_space<vmem>>
    %dma_start3A_74 = arith.constant 50 : i32
    %dma_start3A_75 = arith.constant 0 : i32
    %dma_start3A_76 = tpu.memref_slice %arg4[%add3A, %dma_start3A_74, %dma_start3A_75] : memref<32x250x40xi32, #tpu.memory_space<hbm>> -> memref<1x50x40xi32, #tpu.memory_space<hbm>>
    %dma_start3A_77 = tpu.memref_squeeze %dma_start3A_76 : memref<1x50x40xi32, #tpu.memory_space<hbm>> -> memref<50x40xi32, #tpu.memory_space<hbm>>
    tpu.enqueue_dma source(%dma_start3A_77 : memref<50x40xi32, #tpu.memory_space<hbm>>) target(%dma_start3A_73 : memref<50x40xi32, #tpu.memory_space<vmem>>) target_semaphore(%arg22 : memref<!tpu.dma_semaphore, #tpu.memory_space<semaphore_mem>>)
    %dma_wait3A = arith.constant 0 : i32
    %dma_wait3A_78 = tpu.memref_slice %arg10[%mul3A_2, %dma_wait3A] : memref<10112x128xf32, #tpu.memory_space<vmem_shared>> -> memref<632x128xf32, #tpu.memory_space<vmem_shared>>
    %dma_wait3A_79 = arith.constant 0 : i32
    %dma_wait3A_80 = tpu.memref_slice %arg5[%mul3A_2, %dma_wait3A_79] : memref<10112x128xf32, #tpu.memory_space<hbm>> -> memref<632x128xf32, #tpu.memory_space<hbm>>
    tpu.wait_dma2 semaphore(%arg23 : memref<!tpu.dma_semaphore, #tpu.memory_space<semaphore_mem>>) src(%dma_wait3A_80 : memref<632x128xf32, #tpu.memory_space<hbm>>) dst(%dma_wait3A_78 : memref<632x128xf32, #tpu.memory_space<vmem_shared>>)
    %dma_wait3A_81 = arith.constant 0 : i32
    %dma_wait3A_82 = tpu.memref_slice %arg11[%mul3A_2, %dma_wait3A_81] : memref<10112x16xf32, #tpu.memory_space<vmem_shared>> -> memref<632x16xf32, #tpu.memory_space<vmem_shared>>
    %dma_wait3A_83 = arith.constant 0 : i32
    %dma_wait3A_84 = tpu.memref_slice %arg6[%mul3A_2, %dma_wait3A_83] : memref<10112x16xf32, #tpu.memory_space<hbm>> -> memref<632x16xf32, #tpu.memory_space<hbm>>
    tpu.wait_dma2 semaphore(%arg24 : memref<!tpu.dma_semaphore, #tpu.memory_space<semaphore_mem>>) src(%dma_wait3A_84 : memref<632x16xf32, #tpu.memory_space<hbm>>) dst(%dma_wait3A_82 : memref<632x16xf32, #tpu.memory_space<vmem_shared>>)
    tpu.wait_dma2 semaphore(%arg25 : memref<!tpu.dma_semaphore, #tpu.memory_space<semaphore_mem>>) src(%arg7 : memref<40x16xf32, #tpu.memory_space<hbm>>) dst(%arg20 : memref<40x16xf32, #tpu.memory_space<vmem>>)
    %dma_wait3A_85 = arith.constant 0 : i32
    %dma_wait3A_86 = arith.constant 0 : i32
    %dma_wait3A_87 = arith.constant 0 : i32
    %dma_wait3A_88 = tpu.memref_slice %arg12[%dma_wait3A_85, %dma_wait3A_86, %dma_wait3A_87] : memref<2x50x40xi32, #tpu.memory_space<vmem>> -> memref<1x50x40xi32, #tpu.memory_space<vmem>>
    %dma_wait3A_89 = tpu.memref_squeeze %dma_wait3A_88 : memref<1x50x40xi32, #tpu.memory_space<vmem>> -> memref<50x40xi32, #tpu.memory_space<vmem>>
    %dma_wait3A_90 = arith.constant 0 : i32
    %dma_wait3A_91 = arith.constant 0 : i32
    %dma_wait3A_92 = tpu.memref_slice %arg3[%add3A, %dma_wait3A_90, %dma_wait3A_91] : memref<32x250x40xi32, #tpu.memory_space<hbm>> -> memref<1x50x40xi32, #tpu.memory_space<hbm>>
    %dma_wait3A_93 = tpu.memref_squeeze %dma_wait3A_92 : memref<1x50x40xi32, #tpu.memory_space<hbm>> -> memref<50x40xi32, #tpu.memory_space<hbm>>
    %dma_wait3A_94 = arith.constant 0 : i32
    %dma_wait3A_95 = arith.constant 0 : i32
    %dma_wait3A_96 = tpu.memref_slice %arg12[%dma_wait3A_85, %dma_wait3A_94, %dma_wait3A_95] : memref<2x50x40xi32, #tpu.memory_space<vmem>> -> memref<1x50x40xi32, #tpu.memory_space<vmem>>
    %dma_wait3A_97 = tpu.memref_squeeze %dma_wait3A_96 : memref<1x50x40xi32, #tpu.memory_space<vmem>> -> memref<50x40xi32, #tpu.memory_space<vmem>>
    %dma_wait3A_98 = arith.constant 0 : i32
    %dma_wait3A_99 = arith.constant 0 : i32
    %dma_wait3A_100 = tpu.memref_slice %arg3[%add3A, %dma_wait3A_98, %dma_wait3A_99] : memref<32x250x40xi32, #tpu.memory_space<hbm>> -> memref<1x50x40xi32, #tpu.memory_space<hbm>>
    %dma_wait3A_101 = tpu.memref_squeeze %dma_wait3A_100 : memref<1x50x40xi32, #tpu.memory_space<hbm>> -> memref<50x40xi32, #tpu.memory_space<hbm>>
    tpu.wait_dma2 semaphore(%arg21 : memref<!tpu.dma_semaphore, #tpu.memory_space<semaphore_mem>>) src(%dma_wait3A_101 : memref<50x40xi32, #tpu.memory_space<hbm>>) dst(%dma_wait3A_97 : memref<50x40xi32, #tpu.memory_space<vmem>>)
    %dma_wait3A_102 = arith.constant 0 : i32
    %dma_wait3A_103 = arith.constant 0 : i32
    %dma_wait3A_104 = arith.constant 0 : i32
    %dma_wait3A_105 = tpu.memref_slice %arg13[%dma_wait3A_102, %dma_wait3A_103, %dma_wait3A_104] : memref<2x50x40xi32, #tpu.memory_space<vmem>> -> memref<1x50x40xi32, #tpu.memory_space<vmem>>
    %dma_wait3A_106 = tpu.memref_squeeze %dma_wait3A_105 : memref<1x50x40xi32, #tpu.memory_space<vmem>> -> memref<50x40xi32, #tpu.memory_space<vmem>>
    %dma_wait3A_107 = arith.constant 0 : i32
    %dma_wait3A_108 = arith.constant 0 : i32
    %dma_wait3A_109 = tpu.memref_slice %arg4[%add3A, %dma_wait3A_107, %dma_wait3A_108] : memref<32x250x40xi32, #tpu.memory_space<hbm>> -> memref<1x50x40xi32, #tpu.memory_space<hbm>>
    %dma_wait3A_110 = tpu.memref_squeeze %dma_wait3A_109 : memref<1x50x40xi32, #tpu.memory_space<hbm>> -> memref<50x40xi32, #tpu.memory_space<hbm>>
    %dma_wait3A_111 = arith.constant 0 : i32
    %dma_wait3A_112 = arith.constant 0 : i32
    %dma_wait3A_113 = tpu.memref_slice %arg13[%dma_wait3A_102, %dma_wait3A_111, %dma_wait3A_112] : memref<2x50x40xi32, #tpu.memory_space<vmem>> -> memref<1x50x40xi32, #tpu.memory_space<vmem>>
    %dma_wait3A_114 = tpu.memref_squeeze %dma_wait3A_113 : memref<1x50x40xi32, #tpu.memory_space<vmem>> -> memref<50x40xi32, #tpu.memory_space<vmem>>
    %dma_wait3A_115 = arith.constant 0 : i32
    %dma_wait3A_116 = arith.constant 0 : i32
    %dma_wait3A_117 = tpu.memref_slice %arg4[%add3A, %dma_wait3A_115, %dma_wait3A_116] : memref<32x250x40xi32, #tpu.memory_space<hbm>> -> memref<1x50x40xi32, #tpu.memory_space<hbm>>
    %dma_wait3A_118 = tpu.memref_squeeze %dma_wait3A_117 : memref<1x50x40xi32, #tpu.memory_space<hbm>> -> memref<50x40xi32, #tpu.memory_space<hbm>>
    tpu.wait_dma2 semaphore(%arg22 : memref<!tpu.dma_semaphore, #tpu.memory_space<semaphore_mem>>) src(%dma_wait3A_118 : memref<50x40xi32, #tpu.memory_space<hbm>>) dst(%dma_wait3A_114 : memref<50x40xi32, #tpu.memory_space<vmem>>)
    %dma_wait3A_119 = arith.constant 0 : i32
    %dma_wait3A_120 = arith.constant 0 : i32
    %dma_wait3A_121 = arith.constant 0 : i32
    %dma_wait3A_122 = tpu.memref_slice %arg12[%dma_wait3A_119, %dma_wait3A_120, %dma_wait3A_121] : memref<2x50x40xi32, #tpu.memory_space<vmem>> -> memref<1x50x40xi32, #tpu.memory_space<vmem>>
    %dma_wait3A_123 = tpu.memref_squeeze %dma_wait3A_122 : memref<1x50x40xi32, #tpu.memory_space<vmem>> -> memref<50x40xi32, #tpu.memory_space<vmem>>
    %dma_wait3A_124 = arith.constant 0 : i32
    %dma_wait3A_125 = arith.constant 0 : i32
    %dma_wait3A_126 = tpu.memref_slice %arg3[%add3A, %dma_wait3A_124, %dma_wait3A_125] : memref<32x250x40xi32, #tpu.memory_space<hbm>> -> memref<1x50x40xi32, #tpu.memory_space<hbm>>
    %dma_wait3A_127 = tpu.memref_squeeze %dma_wait3A_126 : memref<1x50x40xi32, #tpu.memory_space<hbm>> -> memref<50x40xi32, #tpu.memory_space<hbm>>
    %dma_wait3A_128 = arith.constant 0 : i32
    %dma_wait3A_129 = arith.constant 0 : i32
    %dma_wait3A_130 = tpu.memref_slice %arg12[%dma_wait3A_119, %dma_wait3A_128, %dma_wait3A_129] : memref<2x50x40xi32, #tpu.memory_space<vmem>> -> memref<1x50x40xi32, #tpu.memory_space<vmem>>
    %dma_wait3A_131 = tpu.memref_squeeze %dma_wait3A_130 : memref<1x50x40xi32, #tpu.memory_space<vmem>> -> memref<50x40xi32, #tpu.memory_space<vmem>>
    %dma_wait3A_132 = arith.constant 0 : i32
    %dma_wait3A_133 = arith.constant 0 : i32
    %dma_wait3A_134 = tpu.memref_slice %arg3[%add3A, %dma_wait3A_132, %dma_wait3A_133] : memref<32x250x40xi32, #tpu.memory_space<hbm>> -> memref<1x50x40xi32, #tpu.memory_space<hbm>>
    %dma_wait3A_135 = tpu.memref_squeeze %dma_wait3A_134 : memref<1x50x40xi32, #tpu.memory_space<hbm>> -> memref<50x40xi32, #tpu.memory_space<hbm>>
    tpu.wait_dma2 semaphore(%arg21 : memref<!tpu.dma_semaphore, #tpu.memory_space<semaphore_mem>>) src(%dma_wait3A_135 : memref<50x40xi32, #tpu.memory_space<hbm>>) dst(%dma_wait3A_131 : memref<50x40xi32, #tpu.memory_space<vmem>>)
    %dma_wait3A_136 = arith.constant 0 : i32
    %dma_wait3A_137 = arith.constant 0 : i32
    %dma_wait3A_138 = arith.constant 0 : i32
    %dma_wait3A_139 = tpu.memref_slice %arg13[%dma_wait3A_136, %dma_wait3A_137, %dma_wait3A_138] : memref<2x50x40xi32, #tpu.memory_space<vmem>> -> memref<1x50x40xi32, #tpu.memory_space<vmem>>
    %dma_wait3A_140 = tpu.memref_squeeze %dma_wait3A_139 : memref<1x50x40xi32, #tpu.memory_space<vmem>> -> memref<50x40xi32, #tpu.memory_space<vmem>>
    %dma_wait3A_141 = arith.constant 0 : i32
    %dma_wait3A_142 = arith.constant 0 : i32
    %dma_wait3A_143 = tpu.memref_slice %arg4[%add3A, %dma_wait3A_141, %dma_wait3A_142] : memref<32x250x40xi32, #tpu.memory_space<hbm>> -> memref<1x50x40xi32, #tpu.memory_space<hbm>>
    %dma_wait3A_144 = tpu.memref_squeeze %dma_wait3A_143 : memref<1x50x40xi32, #tpu.memory_space<hbm>> -> memref<50x40xi32, #tpu.memory_space<hbm>>
    %dma_wait3A_145 = arith.constant 0 : i32
    %dma_wait3A_146 = arith.constant 0 : i32
    %dma_wait3A_147 = tpu.memref_slice %arg13[%dma_wait3A_136, %dma_wait3A_145, %dma_wait3A_146] : memref<2x50x40xi32, #tpu.memory_space<vmem>> -> memref<1x50x40xi32, #tpu.memory_space<vmem>>
    %dma_wait3A_148 = tpu.memref_squeeze %dma_wait3A_147 : memref<1x50x40xi32, #tpu.memory_space<vmem>> -> memref<50x40xi32, #tpu.memory_space<vmem>>
    %dma_wait3A_149 = arith.constant 0 : i32
    %dma_wait3A_150 = arith.constant 0 : i32
    %dma_wait3A_151 = tpu.memref_slice %arg4[%add3A, %dma_wait3A_149, %dma_wait3A_150] : memref<32x250x40xi32, #tpu.memory_space<hbm>> -> memref<1x50x40xi32, #tpu.memory_space<hbm>>
    %dma_wait3A_152 = tpu.memref_squeeze %dma_wait3A_151 : memref<1x50x40xi32, #tpu.memory_space<hbm>> -> memref<50x40xi32, #tpu.memory_space<hbm>>
    tpu.wait_dma2 semaphore(%arg22 : memref<!tpu.dma_semaphore, #tpu.memory_space<semaphore_mem>>) src(%dma_wait3A_152 : memref<50x40xi32, #tpu.memory_space<hbm>>) dst(%dma_wait3A_148 : memref<50x40xi32, #tpu.memory_space<vmem>>)
    %barrier3A = arith.constant 0 : index
    tpu.barrier barrier_id(%barrier3A)
    %dma_start3A_153 = arith.constant 0 : i32
    %dma_start3A_154 = arith.constant 0 : i32
    %dma_start3A_155 = arith.constant 0 : i32
    %dma_start3A_156 = tpu.memref_slice %arg12[%dma_start3A_153, %dma_start3A_154, %dma_start3A_155] : memref<2x50x40xi32, #tpu.memory_space<vmem>> -> memref<1x1x40xi32, #tpu.memory_space<vmem>>
    %dma_start3A_157 = tpu.memref_squeeze %dma_start3A_156 : memref<1x1x40xi32, #tpu.memory_space<vmem>> -> memref<40xi32, #tpu.memory_space<vmem>>
    %dma_start3A_158 = arith.constant 0 : i32
    %dma_start3A_159 = arith.constant 0 : i32
    %dma_start3A_160 = tpu.memref_slice %arg2[%dma_start3A_158, %dma_start3A_159] : memref<10000x128xf32, #tpu.memory_space<hbm>> -> memref<10000x128xf32, #tpu.memory_space<hbm>>
    tpu.enqueue_indirect_dma source(%dma_start3A_160 : memref<10000x128xf32, #tpu.memory_space<hbm>>) target(%arg14 : memref<40x128xf32, #tpu.memory_space<vmem>>) offsets(%dma_start3A_157 : memref<40xi32, #tpu.memory_space<vmem>>) semaphore(%arg23 : memref<!tpu.dma_semaphore, #tpu.memory_space<semaphore_mem>>)
    %dma_start3A_161 = arith.constant 0 : i32
    %dma_start3A_162 = arith.constant 1 : i32
    %dma_start3A_163 = arith.constant 0 : i32
    %dma_start3A_164 = tpu.memref_slice %arg12[%dma_start3A_161, %dma_start3A_162, %dma_start3A_163] : memref<2x50x40xi32, #tpu.memory_space<vmem>> -> memref<1x1x40xi32, #tpu.memory_space<vmem>>
    %dma_start3A_165 = tpu.memref_squeeze %dma_start3A_164 : memref<1x1x40xi32, #tpu.memory_space<vmem>> -> memref<40xi32, #tpu.memory_space<vmem>>
    %dma_start3A_166 = arith.constant 0 : i32
    %dma_start3A_167 = arith.constant 0 : i32
    %dma_start3A_168 = tpu.memref_slice %arg2[%dma_start3A_166, %dma_start3A_167] : memref<10000x128xf32, #tpu.memory_space<hbm>> -> memref<10000x128xf32, #tpu.memory_space<hbm>>
    tpu.enqueue_indirect_dma source(%dma_start3A_168 : memref<10000x128xf32, #tpu.memory_space<hbm>>) target(%arg15 : memref<40x128xf32, #tpu.memory_space<vmem>>) offsets(%dma_start3A_165 : memref<40xi32, #tpu.memory_space<vmem>>) semaphore(%arg24 : memref<!tpu.dma_semaphore, #tpu.memory_space<semaphore_mem>>)
    %dma_start3A_169 = arith.constant 0 : i32
    %dma_start3A_170 = arith.constant 2 : i32
    %dma_start3A_171 = arith.constant 0 : i32
    %dma_start3A_172 = tpu.memref_slice %arg12[%dma_start3A_169, %dma_start3A_170, %dma_start3A_171] : memref<2x50x40xi32, #tpu.memory_space<vmem>> -> memref<1x1x40xi32, #tpu.memory_space<vmem>>
    %dma_start3A_173 = tpu.memref_squeeze %dma_start3A_172 : memref<1x1x40xi32, #tpu.memory_space<vmem>> -> memref<40xi32, #tpu.memory_space<vmem>>
    %dma_start3A_174 = arith.constant 0 : i32
    %dma_start3A_175 = arith.constant 0 : i32
    %dma_start3A_176 = tpu.memref_slice %arg2[%dma_start3A_174, %dma_start3A_175] : memref<10000x128xf32, #tpu.memory_space<hbm>> -> memref<10000x128xf32, #tpu.memory_space<hbm>>
    tpu.enqueue_indirect_dma source(%dma_start3A_176 : memref<10000x128xf32, #tpu.memory_space<hbm>>) target(%arg16 : memref<40x128xf32, #tpu.memory_space<vmem>>) offsets(%dma_start3A_173 : memref<40xi32, #tpu.memory_space<vmem>>) semaphore(%arg25 : memref<!tpu.dma_semaphore, #tpu.memory_space<semaphore_mem>>)
    %dma_start3A_177 = arith.constant 0 : i32
    %dma_start3A_178 = arith.constant 3 : i32
    %dma_start3A_179 = arith.constant 0 : i32
    %dma_start3A_180 = tpu.memref_slice %arg12[%dma_start3A_177, %dma_start3A_178, %dma_start3A_179] : memref<2x50x40xi32, #tpu.memory_space<vmem>> -> memref<1x1x40xi32, #tpu.memory_space<vmem>>
    %dma_start3A_181 = tpu.memref_squeeze %dma_start3A_180 : memref<1x1x40xi32, #tpu.memory_space<vmem>> -> memref<40xi32, #tpu.memory_space<vmem>>
    %dma_start3A_182 = arith.constant 0 : i32
    %dma_start3A_183 = arith.constant 0 : i32
    %dma_start3A_184 = tpu.memref_slice %arg2[%dma_start3A_182, %dma_start3A_183] : memref<10000x128xf32, #tpu.memory_space<hbm>> -> memref<10000x128xf32, #tpu.memory_space<hbm>>
    tpu.enqueue_indirect_dma source(%dma_start3A_184 : memref<10000x128xf32, #tpu.memory_space<hbm>>) target(%arg17 : memref<40x128xf32, #tpu.memory_space<vmem>>) offsets(%dma_start3A_181 : memref<40xi32, #tpu.memory_space<vmem>>) semaphore(%arg26 : memref<!tpu.dma_semaphore, #tpu.memory_space<semaphore_mem>>)
    %scan3A = arith.constant 0 : i32
    %scan3A_185 = arith.constant 0 : i32
    %scan3A_186 = arith.constant 41 : i32
    %scan3A_187 = arith.addi %scan3A_185, %scan3A_186 : i32
    %scan3A_188 = arith.constant 1 : i32
    scf.for %scan3A_386 = %scan3A_185 to %scan3A_187 step %scan3A_188  : i32 {
      %mul3A_387 = arith.constant 6 : i32
      %mul3A_388 = arith.muli %mul3A_387, %scan3A_386 : i32
      %add3A_389 = arith.constant 0 : i32
      %add3A_390 = arith.addi %mul3A_388, %add3A_389 : i32
      %dma_wait3A_391 = arith.constant 0 : i32
      %dma_wait3A_392 = arith.constant 0 : i32
      %dma_wait3A_393 = arith.constant 0 : i32
      %dma_wait3A_394 = tpu.memref_slice %arg12[%dma_wait3A_391, %dma_wait3A_392, %dma_wait3A_393] : memref<2x50x40xi32, #tpu.memory_space<vmem>> -> memref<1x1x40xi32, #tpu.memory_space<vmem>>
      %dma_wait3A_395 = tpu.memref_squeeze %dma_wait3A_394 : memref<1x1x40xi32, #tpu.memory_space<vmem>> -> memref<40xi32, #tpu.memory_space<vmem>>
      %dma_wait3A_396 = arith.constant 0 : i32
      %dma_wait3A_397 = arith.constant 0 : i32
      %dma_wait3A_398 = tpu.memref_slice %arg2[%dma_wait3A_396, %dma_wait3A_397] : memref<10000x128xf32, #tpu.memory_space<hbm>> -> memref<10000x128xf32, #tpu.memory_space<hbm>>
      tpu.wait_indirect_dma semaphore(%arg23 : memref<!tpu.dma_semaphore, #tpu.memory_space<semaphore_mem>>) src(%dma_wait3A_398 : memref<10000x128xf32, #tpu.memory_space<hbm>>) dst(%arg14 : memref<40x128xf32, #tpu.memory_space<vmem>>)
      %jit3A = arith.constant 50 : i32
      %div3A = arith.divsi %add3A_390, %jit3A : i32
      %sign3A = arith.constant 0 : i32
      %sign3A_399 = arith.cmpi sgt, %add3A_390, %sign3A : i32
      %sign3A_400 = arith.extui %sign3A_399 : i1 to i32
      %sign3A_401 = arith.constant 0 : i32
      %sign3A_402 = arith.cmpi slt, %add3A_390, %sign3A_401 : i32
      %sign3A_403 = arith.extui %sign3A_402 : i1 to i32
      %sign3A_404 = arith.subi %sign3A_400, %sign3A_403 : i32
      %sign3A_405 = arith.constant 0 : i32
      %sign3A_406 = arith.cmpi sgt, %jit3A, %sign3A_405 : i32
      %sign3A_407 = arith.extui %sign3A_406 : i1 to i32
      %sign3A_408 = arith.constant 0 : i32
      %sign3A_409 = arith.cmpi slt, %jit3A, %sign3A_408 : i32
      %sign3A_410 = arith.extui %sign3A_409 : i1 to i32
      %sign3A_411 = arith.subi %sign3A_407, %sign3A_410 : i32
      %ne3A = arith.cmpi ne, %sign3A_404, %sign3A_411 : i32
      %rem3A = arith.remsi %add3A_390, %jit3A : i32
      %ne3A_412 = arith.constant 0 : i32
      %ne3A_413 = arith.cmpi ne, %rem3A, %ne3A_412 : i32
      %and3A = arith.andi %ne3A, %ne3A_413 : i1
      %sub3A = arith.constant 1 : i32
      %sub3A_414 = arith.subi %div3A, %sub3A : i32
      %select_n3A = arith.select %and3A, %sub3A_414, %div3A : i32
      %jit3A_415 = arith.constant 2 : i32
      %eq3A = arith.constant 0 : i32
      %eq3A_416 = arith.cmpi eq, %jit3A_415, %eq3A : i32
      %jit3A_417 = arith.constant 1 : i32
      %select_n3A_418 = arith.select %eq3A_416, %jit3A_417, %jit3A_415 : i32
      %rem3A_419 = arith.remsi %select_n3A, %select_n3A_418 : i32
      %ne3A_420 = arith.constant 0 : i32
      %ne3A_421 = arith.cmpi ne, %rem3A_419, %ne3A_420 : i32
      %lt3A = arith.constant 0 : i32
      %lt3A_422 = arith.cmpi slt, %rem3A_419, %lt3A : i32
      %lt3A_423 = arith.constant 0 : i32
      %lt3A_424 = arith.cmpi slt, %select_n3A_418, %lt3A_423 : i32
      %ne3A_425 = arith.xori %lt3A_422, %lt3A_424 : i1
      %and3A_426 = arith.andi %ne3A_425, %ne3A_421 : i1
      %add3A_427 = arith.addi %rem3A_419, %select_n3A_418 : i32
      %select_n3A_428 = arith.select %and3A_426, %add3A_427, %rem3A_419 : i32
      %jit3A_429 = arith.constant 50 : i32
      %eq3A_430 = arith.constant 0 : i32
      %eq3A_431 = arith.cmpi eq, %jit3A_429, %eq3A_430 : i32
      %jit3A_432 = arith.constant 1 : i32
      %select_n3A_433 = arith.select %eq3A_431, %jit3A_432, %jit3A_429 : i32
      %rem3A_434 = arith.remsi %add3A_390, %select_n3A_433 : i32
      %ne3A_435 = arith.constant 0 : i32
      %ne3A_436 = arith.cmpi ne, %rem3A_434, %ne3A_435 : i32
      %lt3A_437 = arith.constant 0 : i32
      %lt3A_438 = arith.cmpi slt, %rem3A_434, %lt3A_437 : i32
      %lt3A_439 = arith.constant 0 : i32
      %lt3A_440 = arith.cmpi slt, %select_n3A_433, %lt3A_439 : i32
      %ne3A_441 = arith.xori %lt3A_438, %lt3A_440 : i1
      %and3A_442 = arith.andi %ne3A_441, %ne3A_436 : i1
      %add3A_443 = arith.addi %rem3A_434, %select_n3A_433 : i32
      %select_n3A_444 = arith.select %and3A_442, %add3A_443, %rem3A_434 : i32
      %dma_start3A_445 = arith.constant 0 : i32
      %dma_start3A_446 = tpu.memref_slice %arg13[%select_n3A_428, %select_n3A_444, %dma_start3A_445] : memref<2x50x40xi32, #tpu.memory_space<vmem>> -> memref<1x1x40xi32, #tpu.memory_space<vmem>>
      %dma_start3A_447 = tpu.memref_squeeze %dma_start3A_446 : memref<1x1x40xi32, #tpu.memory_space<vmem>> -> memref<40xi32, #tpu.memory_space<vmem>>
      %dma_start3A_448 = arith.constant 0 : i32
      %dma_start3A_449 = arith.constant 0 : i32
      %dma_start3A_450 = tpu.memref_slice %arg10[%dma_start3A_448, %dma_start3A_449] : memref<10112x128xf32, #tpu.memory_space<vmem_shared>> -> memref<10112x128xf32, #tpu.memory_space<vmem_shared>>
      tpu.enqueue_indirect_dma source(%arg14 : memref<40x128xf32, #tpu.memory_space<vmem>>) target(%dma_start3A_450 : memref<10112x128xf32, #tpu.memory_space<vmem_shared>>) offsets(%dma_start3A_447 : memref<40xi32, #tpu.memory_space<vmem>>) semaphore(%arg29 : memref<!tpu.dma_semaphore, #tpu.memory_space<semaphore_mem>>) {add = true}
      %dma_start3A_451 = arith.constant 0 : i32
      %dma_start3A_452 = tpu.memref_slice %arg13[%select_n3A_428, %select_n3A_444, %dma_start3A_451] : memref<2x50x40xi32, #tpu.memory_space<vmem>> -> memref<1x1x40xi32, #tpu.memory_space<vmem>>
      %dma_start3A_453 = tpu.memref_squeeze %dma_start3A_452 : memref<1x1x40xi32, #tpu.memory_space<vmem>> -> memref<40xi32, #tpu.memory_space<vmem>>
      %dma_start3A_454 = arith.constant 0 : i32
      %dma_start3A_455 = arith.constant 0 : i32
      %dma_start3A_456 = tpu.memref_slice %arg11[%dma_start3A_454, %dma_start3A_455] : memref<10112x16xf32, #tpu.memory_space<vmem_shared>> -> memref<10112x16xf32, #tpu.memory_space<vmem_shared>>
      tpu.enqueue_indirect_dma source(%arg20 : memref<40x16xf32, #tpu.memory_space<vmem>>) target(%dma_start3A_456 : memref<10112x16xf32, #tpu.memory_space<vmem_shared>>) offsets(%dma_start3A_453 : memref<40xi32, #tpu.memory_space<vmem>>) semaphore(%arg29 : memref<!tpu.dma_semaphore, #tpu.memory_space<semaphore_mem>>) {add = true}
      %jit3A_457 = arith.constant 50 : i32
      %eq3A_458 = arith.constant 0 : i32
      %eq3A_459 = arith.cmpi eq, %jit3A_457, %eq3A_458 : i32
      %jit3A_460 = arith.constant 1 : i32
      %select_n3A_461 = arith.select %eq3A_459, %jit3A_460, %jit3A_457 : i32
      %rem3A_462 = arith.remsi %add3A_390, %select_n3A_461 : i32
      %ne3A_463 = arith.constant 0 : i32
      %ne3A_464 = arith.cmpi ne, %rem3A_462, %ne3A_463 : i32
      %lt3A_465 = arith.constant 0 : i32
      %lt3A_466 = arith.cmpi slt, %rem3A_462, %lt3A_465 : i32
      %lt3A_467 = arith.constant 0 : i32
      %lt3A_468 = arith.cmpi slt, %select_n3A_461, %lt3A_467 : i32
      %ne3A_469 = arith.xori %lt3A_466, %lt3A_468 : i1
      %and3A_470 = arith.andi %ne3A_469, %ne3A_464 : i1
      %add3A_471 = arith.addi %rem3A_462, %select_n3A_461 : i32
      %select_n3A_472 = arith.select %and3A_470, %add3A_471, %rem3A_462 : i32
      %add3A_473 = arith.constant 4 : i32
      %add3A_474 = arith.addi %add3A_390, %add3A_473 : i32
      %lt3A_475 = arith.constant 250 : i32
      %lt3A_476 = arith.cmpi slt, %add3A_474, %lt3A_475 : i32
      %convert_element_type3A = arith.extui %lt3A_476 : i1 to i32
      %cond3A = arith.constant 0 : i32
      %cond3A_477 = arith.cmpi ne, %convert_element_type3A, %cond3A : i32
      scf.if %cond3A_477 {
        %ge3A = arith.constant 2 : i32
        %ge3A_1089 = arith.cmpi sge, %add3A_390, %ge3A : i32
        %convert_element_type3A_1090 = arith.extui %ge3A_1089 : i1 to i32
        %cond3A_1091 = arith.constant 0 : i32
        %cond3A_1092 = arith.cmpi ne, %convert_element_type3A_1090, %cond3A_1091 : i32
        scf.if %cond3A_1092 {
          %dma_wait3A_1157 = arith.constant 0 : i32
          %dma_wait3A_1158 = arith.constant 0 : i32
          %dma_wait3A_1159 = arith.constant 0 : i32
          %dma_wait3A_1160 = tpu.memref_slice %arg13[%dma_wait3A_1157, %dma_wait3A_1158, %dma_wait3A_1159] : memref<2x50x40xi32, #tpu.memory_space<vmem>> -> memref<1x1x40xi32, #tpu.memory_space<vmem>>
          %dma_wait3A_1161 = tpu.memref_squeeze %dma_wait3A_1160 : memref<1x1x40xi32, #tpu.memory_space<vmem>> -> memref<40xi32, #tpu.memory_space<vmem>>
          %dma_wait3A_1162 = arith.constant 0 : i32
          %dma_wait3A_1163 = arith.constant 0 : i32
          %dma_wait3A_1164 = tpu.memref_slice %arg10[%dma_wait3A_1162, %dma_wait3A_1163] : memref<10112x128xf32, #tpu.memory_space<vmem_shared>> -> memref<10112x128xf32, #tpu.memory_space<vmem_shared>>
          tpu.wait_indirect_dma semaphore(%arg33 : memref<!tpu.dma_semaphore, #tpu.memory_space<semaphore_mem>>) src(%arg18 : memref<40x128xf32, #tpu.memory_space<vmem>>) dst(%dma_wait3A_1164 : memref<10112x128xf32, #tpu.memory_space<vmem_shared>>)
          %dma_wait3A_1165 = arith.constant 0 : i32
          %dma_wait3A_1166 = arith.constant 0 : i32
          %dma_wait3A_1167 = arith.constant 0 : i32
          %dma_wait3A_1168 = tpu.memref_slice %arg13[%dma_wait3A_1165, %dma_wait3A_1166, %dma_wait3A_1167] : memref<2x50x40xi32, #tpu.memory_space<vmem>> -> memref<1x1x40xi32, #tpu.memory_space<vmem>>
          %dma_wait3A_1169 = tpu.memref_squeeze %dma_wait3A_1168 : memref<1x1x40xi32, #tpu.memory_space<vmem>> -> memref<40xi32, #tpu.memory_space<vmem>>
          %dma_wait3A_1170 = arith.constant 0 : i32
          %dma_wait3A_1171 = arith.constant 0 : i32
          %dma_wait3A_1172 = tpu.memref_slice %arg11[%dma_wait3A_1170, %dma_wait3A_1171] : memref<10112x16xf32, #tpu.memory_space<vmem_shared>> -> memref<10112x16xf32, #tpu.memory_space<vmem_shared>>
          tpu.wait_indirect_dma semaphore(%arg33 : memref<!tpu.dma_semaphore, #tpu.memory_space<semaphore_mem>>) src(%arg20 : memref<40x16xf32, #tpu.memory_space<vmem>>) dst(%dma_wait3A_1172 : memref<10112x16xf32, #tpu.memory_space<vmem_shared>>)
        } else {
        }
        %add3A_1093 = arith.constant 4 : i32
        %add3A_1094 = arith.addi %add3A_390, %add3A_1093 : i32
        %jit3A_1095 = arith.constant 50 : i32
        %div3A_1096 = arith.divsi %add3A_1094, %jit3A_1095 : i32
        %sign3A_1097 = arith.constant 0 : i32
        %sign3A_1098 = arith.cmpi sgt, %add3A_1094, %sign3A_1097 : i32
        %sign3A_1099 = arith.extui %sign3A_1098 : i1 to i32
        %sign3A_1100 = arith.constant 0 : i32
        %sign3A_1101 = arith.cmpi slt, %add3A_1094, %sign3A_1100 : i32
        %sign3A_1102 = arith.extui %sign3A_1101 : i1 to i32
        %sign3A_1103 = arith.subi %sign3A_1099, %sign3A_1102 : i32
        %sign3A_1104 = arith.constant 0 : i32
        %sign3A_1105 = arith.cmpi sgt, %jit3A_1095, %sign3A_1104 : i32
        %sign3A_1106 = arith.extui %sign3A_1105 : i1 to i32
        %sign3A_1107 = arith.constant 0 : i32
        %sign3A_1108 = arith.cmpi slt, %jit3A_1095, %sign3A_1107 : i32
        %sign3A_1109 = arith.extui %sign3A_1108 : i1 to i32
        %sign3A_1110 = arith.subi %sign3A_1106, %sign3A_1109 : i32
        %ne3A_1111 = arith.cmpi ne, %sign3A_1103, %sign3A_1110 : i32
        %rem3A_1112 = arith.remsi %add3A_1094, %jit3A_1095 : i32
        %ne3A_1113 = arith.constant 0 : i32
        %ne3A_1114 = arith.cmpi ne, %rem3A_1112, %ne3A_1113 : i32
        %and3A_1115 = arith.andi %ne3A_1111, %ne3A_1114 : i1
        %sub3A_1116 = arith.constant 1 : i32
        %sub3A_1117 = arith.subi %div3A_1096, %sub3A_1116 : i32
        %select_n3A_1118 = arith.select %and3A_1115, %sub3A_1117, %div3A_1096 : i32
        %jit3A_1119 = arith.constant 2 : i32
        %eq3A_1120 = arith.constant 0 : i32
        %eq3A_1121 = arith.cmpi eq, %jit3A_1119, %eq3A_1120 : i32
        %jit3A_1122 = arith.constant 1 : i32
        %select_n3A_1123 = arith.select %eq3A_1121, %jit3A_1122, %jit3A_1119 : i32
        %rem3A_1124 = arith.remsi %select_n3A_1118, %select_n3A_1123 : i32
        %ne3A_1125 = arith.constant 0 : i32
        %ne3A_1126 = arith.cmpi ne, %rem3A_1124, %ne3A_1125 : i32
        %lt3A_1127 = arith.constant 0 : i32
        %lt3A_1128 = arith.cmpi slt, %rem3A_1124, %lt3A_1127 : i32
        %lt3A_1129 = arith.constant 0 : i32
        %lt3A_1130 = arith.cmpi slt, %select_n3A_1123, %lt3A_1129 : i32
        %ne3A_1131 = arith.xori %lt3A_1128, %lt3A_1130 : i1
        %and3A_1132 = arith.andi %ne3A_1131, %ne3A_1126 : i1
        %add3A_1133 = arith.addi %rem3A_1124, %select_n3A_1123 : i32
        %select_n3A_1134 = arith.select %and3A_1132, %add3A_1133, %rem3A_1124 : i32
        %jit3A_1135 = arith.constant 50 : i32
        %eq3A_1136 = arith.constant 0 : i32
        %eq3A_1137 = arith.cmpi eq, %jit3A_1135, %eq3A_1136 : i32
        %jit3A_1138 = arith.constant 1 : i32
        %select_n3A_1139 = arith.select %eq3A_1137, %jit3A_1138, %jit3A_1135 : i32
        %rem3A_1140 = arith.remsi %add3A_1094, %select_n3A_1139 : i32
        %ne3A_1141 = arith.constant 0 : i32
        %ne3A_1142 = arith.cmpi ne, %rem3A_1140, %ne3A_1141 : i32
        %lt3A_1143 = arith.constant 0 : i32
        %lt3A_1144 = arith.cmpi slt, %rem3A_1140, %lt3A_1143 : i32
        %lt3A_1145 = arith.constant 0 : i32
        %lt3A_1146 = arith.cmpi slt, %select_n3A_1139, %lt3A_1145 : i32
        %ne3A_1147 = arith.xori %lt3A_1144, %lt3A_1146 : i1
        %and3A_1148 = arith.andi %ne3A_1147, %ne3A_1142 : i1
        %add3A_1149 = arith.addi %rem3A_1140, %select_n3A_1139 : i32
        %select_n3A_1150 = arith.select %and3A_1148, %add3A_1149, %rem3A_1140 : i32
        %dma_start3A_1151 = arith.constant 0 : i32
        %dma_start3A_1152 = tpu.memref_slice %arg12[%select_n3A_1134, %select_n3A_1150, %dma_start3A_1151] : memref<2x50x40xi32, #tpu.memory_space<vmem>> -> memref<1x1x40xi32, #tpu.memory_space<vmem>>
        %dma_start3A_1153 = tpu.memref_squeeze %dma_start3A_1152 : memref<1x1x40xi32, #tpu.memory_space<vmem>> -> memref<40xi32, #tpu.memory_space<vmem>>
        %dma_start3A_1154 = arith.constant 0 : i32
        %dma_start3A_1155 = arith.constant 0 : i32
        %dma_start3A_1156 = tpu.memref_slice %arg2[%dma_start3A_1154, %dma_start3A_1155] : memref<10000x128xf32, #tpu.memory_space<hbm>> -> memref<10000x128xf32, #tpu.memory_space<hbm>>
        tpu.enqueue_indirect_dma source(%dma_start3A_1156 : memref<10000x128xf32, #tpu.memory_space<hbm>>) target(%arg18 : memref<40x128xf32, #tpu.memory_space<vmem>>) offsets(%dma_start3A_1153 : memref<40xi32, #tpu.memory_space<vmem>>) semaphore(%arg27 : memref<!tpu.dma_semaphore, #tpu.memory_space<semaphore_mem>>)
      } else {
      }
      %eq3A_478 = arith.constant 30 : i32
      %eq3A_479 = arith.cmpi eq, %select_n3A_472, %eq3A_478 : i32
      %lt3A_480 = arith.constant 200 : i32
      %lt3A_481 = arith.cmpi slt, %add3A_390, %lt3A_480 : i32
      %and3A_482 = arith.andi %eq3A_479, %lt3A_481 : i1
      %convert_element_type3A_483 = arith.extui %and3A_482 : i1 to i32
      %cond3A_484 = arith.constant 0 : i32
      %cond3A_485 = arith.cmpi ne, %convert_element_type3A_483, %cond3A_484 : i32
      scf.if %cond3A_485 {
        %jit3A_1089 = arith.constant 50 : i32
        %div3A_1090 = arith.divsi %add3A_390, %jit3A_1089 : i32
        %sign3A_1091 = arith.constant 0 : i32
        %sign3A_1092 = arith.cmpi sgt, %add3A_390, %sign3A_1091 : i32
        %sign3A_1093 = arith.extui %sign3A_1092 : i1 to i32
        %sign3A_1094 = arith.constant 0 : i32
        %sign3A_1095 = arith.cmpi slt, %add3A_390, %sign3A_1094 : i32
        %sign3A_1096 = arith.extui %sign3A_1095 : i1 to i32
        %sign3A_1097 = arith.subi %sign3A_1093, %sign3A_1096 : i32
        %sign3A_1098 = arith.constant 0 : i32
        %sign3A_1099 = arith.cmpi sgt, %jit3A_1089, %sign3A_1098 : i32
        %sign3A_1100 = arith.extui %sign3A_1099 : i1 to i32
        %sign3A_1101 = arith.constant 0 : i32
        %sign3A_1102 = arith.cmpi slt, %jit3A_1089, %sign3A_1101 : i32
        %sign3A_1103 = arith.extui %sign3A_1102 : i1 to i32
        %sign3A_1104 = arith.subi %sign3A_1100, %sign3A_1103 : i32
        %ne3A_1105 = arith.cmpi ne, %sign3A_1097, %sign3A_1104 : i32
        %rem3A_1106 = arith.remsi %add3A_390, %jit3A_1089 : i32
        %ne3A_1107 = arith.constant 0 : i32
        %ne3A_1108 = arith.cmpi ne, %rem3A_1106, %ne3A_1107 : i32
        %and3A_1109 = arith.andi %ne3A_1105, %ne3A_1108 : i1
        %sub3A_1110 = arith.constant 1 : i32
        %sub3A_1111 = arith.subi %div3A_1090, %sub3A_1110 : i32
        %select_n3A_1112 = arith.select %and3A_1109, %sub3A_1111, %div3A_1090 : i32
        %add3A_1113 = arith.constant 1 : i32
        %add3A_1114 = arith.addi %select_n3A_1112, %add3A_1113 : i32
        %mul3A_1115 = arith.constant 50 : i32
        %mul3A_1116 = arith.muli %add3A_1114, %mul3A_1115 : i32
        %jit3A_1117 = arith.constant 2 : i32
        %eq3A_1118 = arith.constant 0 : i32
        %eq3A_1119 = arith.cmpi eq, %jit3A_1117, %eq3A_1118 : i32
        %jit3A_1120 = arith.constant 1 : i32
        %select_n3A_1121 = arith.select %eq3A_1119, %jit3A_1120, %jit3A_1117 : i32
        %rem3A_1122 = arith.remsi %add3A_1114, %select_n3A_1121 : i32
        %ne3A_1123 = arith.constant 0 : i32
        %ne3A_1124 = arith.cmpi ne, %rem3A_1122, %ne3A_1123 : i32
        %lt3A_1125 = arith.constant 0 : i32
        %lt3A_1126 = arith.cmpi slt, %rem3A_1122, %lt3A_1125 : i32
        %lt3A_1127 = arith.constant 0 : i32
        %lt3A_1128 = arith.cmpi slt, %select_n3A_1121, %lt3A_1127 : i32
        %ne3A_1129 = arith.xori %lt3A_1126, %lt3A_1128 : i1
        %and3A_1130 = arith.andi %ne3A_1129, %ne3A_1124 : i1
        %add3A_1131 = arith.addi %rem3A_1122, %select_n3A_1121 : i32
        %select_n3A_1132 = arith.select %and3A_1130, %add3A_1131, %rem3A_1122 : i32
        %dma_start3A_1133 = arith.constant 0 : i32
        %dma_start3A_1134 = arith.constant 0 : i32
        %dma_start3A_1135 = tpu.memref_slice %arg12[%select_n3A_1132, %dma_start3A_1133, %dma_start3A_1134] : memref<2x50x40xi32, #tpu.memory_space<vmem>> -> memref<1x50x40xi32, #tpu.memory_space<vmem>>
        %dma_start3A_1136 = tpu.memref_squeeze %dma_start3A_1135 : memref<1x50x40xi32, #tpu.memory_space<vmem>> -> memref<50x40xi32, #tpu.memory_space<vmem>>
        %dma_start3A_1137 = arith.constant 0 : i32
        %dma_start3A_1138 = tpu.memref_slice %arg3[%add3A, %mul3A_1116, %dma_start3A_1137] : memref<32x250x40xi32, #tpu.memory_space<hbm>> -> memref<1x50x40xi32, #tpu.memory_space<hbm>>
        %dma_start3A_1139 = tpu.memref_squeeze %dma_start3A_1138 : memref<1x50x40xi32, #tpu.memory_space<hbm>> -> memref<50x40xi32, #tpu.memory_space<hbm>>
        %dma_start3A_1140 = arith.constant 0 : i32
        %dma_start3A_1141 = arith.constant 0 : i32
        %dma_start3A_1142 = tpu.memref_slice %arg12[%select_n3A_1132, %dma_start3A_1140, %dma_start3A_1141] : memref<2x50x40xi32, #tpu.memory_space<vmem>> -> memref<1x50x40xi32, #tpu.memory_space<vmem>>
        %dma_start3A_1143 = tpu.memref_squeeze %dma_start3A_1142 : memref<1x50x40xi32, #tpu.memory_space<vmem>> -> memref<50x40xi32, #tpu.memory_space<vmem>>
        %dma_start3A_1144 = arith.constant 0 : i32
        %dma_start3A_1145 = tpu.memref_slice %arg3[%add3A, %mul3A_1116, %dma_start3A_1144] : memref<32x250x40xi32, #tpu.memory_space<hbm>> -> memref<1x50x40xi32, #tpu.memory_space<hbm>>
        %dma_start3A_1146 = tpu.memref_squeeze %dma_start3A_1145 : memref<1x50x40xi32, #tpu.memory_space<hbm>> -> memref<50x40xi32, #tpu.memory_space<hbm>>
        tpu.enqueue_dma source(%dma_start3A_1146 : memref<50x40xi32, #tpu.memory_space<hbm>>) target(%dma_start3A_1143 : memref<50x40xi32, #tpu.memory_space<vmem>>) target_semaphore(%arg21 : memref<!tpu.dma_semaphore, #tpu.memory_space<semaphore_mem>>)
        %mul3A_1147 = arith.constant 50 : i32
        %mul3A_1148 = arith.muli %add3A_1114, %mul3A_1147 : i32
        %jit3A_1149 = arith.constant 2 : i32
        %eq3A_1150 = arith.constant 0 : i32
        %eq3A_1151 = arith.cmpi eq, %jit3A_1149, %eq3A_1150 : i32
        %jit3A_1152 = arith.constant 1 : i32
        %select_n3A_1153 = arith.select %eq3A_1151, %jit3A_1152, %jit3A_1149 : i32
        %rem3A_1154 = arith.remsi %add3A_1114, %select_n3A_1153 : i32
        %ne3A_1155 = arith.constant 0 : i32
        %ne3A_1156 = arith.cmpi ne, %rem3A_1154, %ne3A_1155 : i32
        %lt3A_1157 = arith.constant 0 : i32
        %lt3A_1158 = arith.cmpi slt, %rem3A_1154, %lt3A_1157 : i32
        %lt3A_1159 = arith.constant 0 : i32
        %lt3A_1160 = arith.cmpi slt, %select_n3A_1153, %lt3A_1159 : i32
        %ne3A_1161 = arith.xori %lt3A_1158, %lt3A_1160 : i1
        %and3A_1162 = arith.andi %ne3A_1161, %ne3A_1156 : i1
        %add3A_1163 = arith.addi %rem3A_1154, %select_n3A_1153 : i32
        %select_n3A_1164 = arith.select %and3A_1162, %add3A_1163, %rem3A_1154 : i32
        %dma_start3A_1165 = arith.constant 0 : i32
        %dma_start3A_1166 = arith.constant 0 : i32
        %dma_start3A_1167 = tpu.memref_slice %arg13[%select_n3A_1164, %dma_start3A_1165, %dma_start3A_1166] : memref<2x50x40xi32, #tpu.memory_space<vmem>> -> memref<1x50x40xi32, #tpu.memory_space<vmem>>
        %dma_start3A_1168 = tpu.memref_squeeze %dma_start3A_1167 : memref<1x50x40xi32, #tpu.memory_space<vmem>> -> memref<50x40xi32, #tpu.memory_space<vmem>>
        %dma_start3A_1169 = arith.constant 0 : i32
        %dma_start3A_1170 = tpu.memref_slice %arg4[%add3A, %mul3A_1148, %dma_start3A_1169] : memref<32x250x40xi32, #tpu.memory_space<hbm>> -> memref<1x50x40xi32, #tpu.memory_space<hbm>>
        %dma_start3A_1171 = tpu.memref_squeeze %dma_start3A_1170 : memref<1x50x40xi32, #tpu.memory_space<hbm>> -> memref<50x40xi32, #tpu.memory_space<hbm>>
        %dma_start3A_1172 = arith.constant 0 : i32
        %dma_start3A_1173 = arith.constant 0 : i32
        %dma_start3A_1174 = tpu.memref_slice %arg13[%select_n3A_1164, %dma_start3A_1172, %dma_start3A_1173] : memref<2x50x40xi32, #tpu.memory_space<vmem>> -> memref<1x50x40xi32, #tpu.memory_space<vmem>>
        %dma_start3A_1175 = tpu.memref_squeeze %dma_start3A_1174 : memref<1x50x40xi32, #tpu.memory_space<vmem>> -> memref<50x40xi32, #tpu.memory_space<vmem>>
        %dma_start3A_1176 = arith.constant 0 : i32
        %dma_start3A_1177 = tpu.memref_slice %arg4[%add3A, %mul3A_1148, %dma_start3A_1176] : memref<32x250x40xi32, #tpu.memory_space<hbm>> -> memref<1x50x40xi32, #tpu.memory_space<hbm>>
        %dma_start3A_1178 = tpu.memref_squeeze %dma_start3A_1177 : memref<1x50x40xi32, #tpu.memory_space<hbm>> -> memref<50x40xi32, #tpu.memory_space<hbm>>
        tpu.enqueue_dma source(%dma_start3A_1178 : memref<50x40xi32, #tpu.memory_space<hbm>>) target(%dma_start3A_1175 : memref<50x40xi32, #tpu.memory_space<vmem>>) target_semaphore(%arg22 : memref<!tpu.dma_semaphore, #tpu.memory_space<semaphore_mem>>)
      } else {
      }
      %eq3A_486 = arith.constant 45 : i32
      %eq3A_487 = arith.cmpi eq, %select_n3A_472, %eq3A_486 : i32
      %lt3A_488 = arith.constant 200 : i32
      %lt3A_489 = arith.cmpi slt, %add3A_390, %lt3A_488 : i32
      %and3A_490 = arith.andi %eq3A_487, %lt3A_489 : i1
      %convert_element_type3A_491 = arith.extui %and3A_490 : i1 to i32
      %cond3A_492 = arith.constant 0 : i32
      %cond3A_493 = arith.cmpi ne, %convert_element_type3A_491, %cond3A_492 : i32
      scf.if %cond3A_493 {
        %dma_wait3A_1089 = arith.constant 0 : i32
        %dma_wait3A_1090 = arith.constant 0 : i32
        %dma_wait3A_1091 = arith.constant 0 : i32
        %dma_wait3A_1092 = tpu.memref_slice %arg12[%dma_wait3A_1089, %dma_wait3A_1090, %dma_wait3A_1091] : memref<2x50x40xi32, #tpu.memory_space<vmem>> -> memref<1x50x40xi32, #tpu.memory_space<vmem>>
        %dma_wait3A_1093 = tpu.memref_squeeze %dma_wait3A_1092 : memref<1x50x40xi32, #tpu.memory_space<vmem>> -> memref<50x40xi32, #tpu.memory_space<vmem>>
        %dma_wait3A_1094 = arith.constant 0 : i32
        %dma_wait3A_1095 = arith.constant 0 : i32
        %dma_wait3A_1096 = tpu.memref_slice %arg3[%add3A, %dma_wait3A_1094, %dma_wait3A_1095] : memref<32x250x40xi32, #tpu.memory_space<hbm>> -> memref<1x50x40xi32, #tpu.memory_space<hbm>>
        %dma_wait3A_1097 = tpu.memref_squeeze %dma_wait3A_1096 : memref<1x50x40xi32, #tpu.memory_space<hbm>> -> memref<50x40xi32, #tpu.memory_space<hbm>>
        %dma_wait3A_1098 = arith.constant 0 : i32
        %dma_wait3A_1099 = arith.constant 0 : i32
        %dma_wait3A_1100 = tpu.memref_slice %arg12[%dma_wait3A_1089, %dma_wait3A_1098, %dma_wait3A_1099] : memref<2x50x40xi32, #tpu.memory_space<vmem>> -> memref<1x50x40xi32, #tpu.memory_space<vmem>>
        %dma_wait3A_1101 = tpu.memref_squeeze %dma_wait3A_1100 : memref<1x50x40xi32, #tpu.memory_space<vmem>> -> memref<50x40xi32, #tpu.memory_space<vmem>>
        %dma_wait3A_1102 = arith.constant 0 : i32
        %dma_wait3A_1103 = arith.constant 0 : i32
        %dma_wait3A_1104 = tpu.memref_slice %arg3[%add3A, %dma_wait3A_1102, %dma_wait3A_1103] : memref<32x250x40xi32, #tpu.memory_space<hbm>> -> memref<1x50x40xi32, #tpu.memory_space<hbm>>
        %dma_wait3A_1105 = tpu.memref_squeeze %dma_wait3A_1104 : memref<1x50x40xi32, #tpu.memory_space<hbm>> -> memref<50x40xi32, #tpu.memory_space<hbm>>
        tpu.wait_dma2 semaphore(%arg21 : memref<!tpu.dma_semaphore, #tpu.memory_space<semaphore_mem>>) src(%dma_wait3A_1105 : memref<50x40xi32, #tpu.memory_space<hbm>>) dst(%dma_wait3A_1101 : memref<50x40xi32, #tpu.memory_space<vmem>>)
        %dma_wait3A_1106 = arith.constant 0 : i32
        %dma_wait3A_1107 = arith.constant 0 : i32
        %dma_wait3A_1108 = arith.constant 0 : i32
        %dma_wait3A_1109 = tpu.memref_slice %arg13[%dma_wait3A_1106, %dma_wait3A_1107, %dma_wait3A_1108] : memref<2x50x40xi32, #tpu.memory_space<vmem>> -> memref<1x50x40xi32, #tpu.memory_space<vmem>>
        %dma_wait3A_1110 = tpu.memref_squeeze %dma_wait3A_1109 : memref<1x50x40xi32, #tpu.memory_space<vmem>> -> memref<50x40xi32, #tpu.memory_space<vmem>>
        %dma_wait3A_1111 = arith.constant 0 : i32
        %dma_wait3A_1112 = arith.constant 0 : i32
        %dma_wait3A_1113 = tpu.memref_slice %arg4[%add3A, %dma_wait3A_1111, %dma_wait3A_1112] : memref<32x250x40xi32, #tpu.memory_space<hbm>> -> memref<1x50x40xi32, #tpu.memory_space<hbm>>
        %dma_wait3A_1114 = tpu.memref_squeeze %dma_wait3A_1113 : memref<1x50x40xi32, #tpu.memory_space<hbm>> -> memref<50x40xi32, #tpu.memory_space<hbm>>
        %dma_wait3A_1115 = arith.constant 0 : i32
        %dma_wait3A_1116 = arith.constant 0 : i32
        %dma_wait3A_1117 = tpu.memref_slice %arg13[%dma_wait3A_1106, %dma_wait3A_1115, %dma_wait3A_1116] : memref<2x50x40xi32, #tpu.memory_space<vmem>> -> memref<1x50x40xi32, #tpu.memory_space<vmem>>
        %dma_wait3A_1118 = tpu.memref_squeeze %dma_wait3A_1117 : memref<1x50x40xi32, #tpu.memory_space<vmem>> -> memref<50x40xi32, #tpu.memory_space<vmem>>
        %dma_wait3A_1119 = arith.constant 0 : i32
        %dma_wait3A_1120 = arith.constant 0 : i32
        %dma_wait3A_1121 = tpu.memref_slice %arg4[%add3A, %dma_wait3A_1119, %dma_wait3A_1120] : memref<32x250x40xi32, #tpu.memory_space<hbm>> -> memref<1x50x40xi32, #tpu.memory_space<hbm>>
        %dma_wait3A_1122 = tpu.memref_squeeze %dma_wait3A_1121 : memref<1x50x40xi32, #tpu.memory_space<hbm>> -> memref<50x40xi32, #tpu.memory_space<hbm>>
        tpu.wait_dma2 semaphore(%arg22 : memref<!tpu.dma_semaphore, #tpu.memory_space<semaphore_mem>>) src(%dma_wait3A_1122 : memref<50x40xi32, #tpu.memory_space<hbm>>) dst(%dma_wait3A_1118 : memref<50x40xi32, #tpu.memory_space<vmem>>)
      } else {
      }
      %mul3A_494 = arith.constant 6 : i32
      %mul3A_495 = arith.muli %mul3A_494, %scan3A_386 : i32
      %add3A_496 = arith.constant 1 : i32
      %add3A_497 = arith.addi %mul3A_495, %add3A_496 : i32
      %dma_wait3A_498 = arith.constant 0 : i32
      %dma_wait3A_499 = arith.constant 0 : i32
      %dma_wait3A_500 = arith.constant 0 : i32
      %dma_wait3A_501 = tpu.memref_slice %arg12[%dma_wait3A_498, %dma_wait3A_499, %dma_wait3A_500] : memref<2x50x40xi32, #tpu.memory_space<vmem>> -> memref<1x1x40xi32, #tpu.memory_space<vmem>>
      %dma_wait3A_502 = tpu.memref_squeeze %dma_wait3A_501 : memref<1x1x40xi32, #tpu.memory_space<vmem>> -> memref<40xi32, #tpu.memory_space<vmem>>
      %dma_wait3A_503 = arith.constant 0 : i32
      %dma_wait3A_504 = arith.constant 0 : i32
      %dma_wait3A_505 = tpu.memref_slice %arg2[%dma_wait3A_503, %dma_wait3A_504] : memref<10000x128xf32, #tpu.memory_space<hbm>> -> memref<10000x128xf32, #tpu.memory_space<hbm>>
      tpu.wait_indirect_dma semaphore(%arg24 : memref<!tpu.dma_semaphore, #tpu.memory_space<semaphore_mem>>) src(%dma_wait3A_505 : memref<10000x128xf32, #tpu.memory_space<hbm>>) dst(%arg15 : memref<40x128xf32, #tpu.memory_space<vmem>>)
      %jit3A_506 = arith.constant 50 : i32
      %div3A_507 = arith.divsi %add3A_497, %jit3A_506 : i32
      %sign3A_508 = arith.constant 0 : i32
      %sign3A_509 = arith.cmpi sgt, %add3A_497, %sign3A_508 : i32
      %sign3A_510 = arith.extui %sign3A_509 : i1 to i32
      %sign3A_511 = arith.constant 0 : i32
      %sign3A_512 = arith.cmpi slt, %add3A_497, %sign3A_511 : i32
      %sign3A_513 = arith.extui %sign3A_512 : i1 to i32
      %sign3A_514 = arith.subi %sign3A_510, %sign3A_513 : i32
      %sign3A_515 = arith.constant 0 : i32
      %sign3A_516 = arith.cmpi sgt, %jit3A_506, %sign3A_515 : i32
      %sign3A_517 = arith.extui %sign3A_516 : i1 to i32
      %sign3A_518 = arith.constant 0 : i32
      %sign3A_519 = arith.cmpi slt, %jit3A_506, %sign3A_518 : i32
      %sign3A_520 = arith.extui %sign3A_519 : i1 to i32
      %sign3A_521 = arith.subi %sign3A_517, %sign3A_520 : i32
      %ne3A_522 = arith.cmpi ne, %sign3A_514, %sign3A_521 : i32
      %rem3A_523 = arith.remsi %add3A_497, %jit3A_506 : i32
      %ne3A_524 = arith.constant 0 : i32
      %ne3A_525 = arith.cmpi ne, %rem3A_523, %ne3A_524 : i32
      %and3A_526 = arith.andi %ne3A_522, %ne3A_525 : i1
      %sub3A_527 = arith.constant 1 : i32
      %sub3A_528 = arith.subi %div3A_507, %sub3A_527 : i32
      %select_n3A_529 = arith.select %and3A_526, %sub3A_528, %div3A_507 : i32
      %jit3A_530 = arith.constant 2 : i32
      %eq3A_531 = arith.constant 0 : i32
      %eq3A_532 = arith.cmpi eq, %jit3A_530, %eq3A_531 : i32
      %jit3A_533 = arith.constant 1 : i32
      %select_n3A_534 = arith.select %eq3A_532, %jit3A_533, %jit3A_530 : i32
      %rem3A_535 = arith.remsi %select_n3A_529, %select_n3A_534 : i32
      %ne3A_536 = arith.constant 0 : i32
      %ne3A_537 = arith.cmpi ne, %rem3A_535, %ne3A_536 : i32
      %lt3A_538 = arith.constant 0 : i32
      %lt3A_539 = arith.cmpi slt, %rem3A_535, %lt3A_538 : i32
      %lt3A_540 = arith.constant 0 : i32
      %lt3A_541 = arith.cmpi slt, %select_n3A_534, %lt3A_540 : i32
      %ne3A_542 = arith.xori %lt3A_539, %lt3A_541 : i1
      %and3A_543 = arith.andi %ne3A_542, %ne3A_537 : i1
      %add3A_544 = arith.addi %rem3A_535, %select_n3A_534 : i32
      %select_n3A_545 = arith.select %and3A_543, %add3A_544, %rem3A_535 : i32
      %jit3A_546 = arith.constant 50 : i32
      %eq3A_547 = arith.constant 0 : i32
      %eq3A_548 = arith.cmpi eq, %jit3A_546, %eq3A_547 : i32
      %jit3A_549 = arith.constant 1 : i32
      %select_n3A_550 = arith.select %eq3A_548, %jit3A_549, %jit3A_546 : i32
      %rem3A_551 = arith.remsi %add3A_497, %select_n3A_550 : i32
      %ne3A_552 = arith.constant 0 : i32
      %ne3A_553 = arith.cmpi ne, %rem3A_551, %ne3A_552 : i32
      %lt3A_554 = arith.constant 0 : i32
      %lt3A_555 = arith.cmpi slt, %rem3A_551, %lt3A_554 : i32
      %lt3A_556 = arith.constant 0 : i32
      %lt3A_557 = arith.cmpi slt, %select_n3A_550, %lt3A_556 : i32
      %ne3A_558 = arith.xori %lt3A_555, %lt3A_557 : i1
      %and3A_559 = arith.andi %ne3A_558, %ne3A_553 : i1
      %add3A_560 = arith.addi %rem3A_551, %select_n3A_550 : i32
      %select_n3A_561 = arith.select %and3A_559, %add3A_560, %rem3A_551 : i32
      %dma_start3A_562 = arith.constant 0 : i32
      %dma_start3A_563 = tpu.memref_slice %arg13[%select_n3A_545, %select_n3A_561, %dma_start3A_562] : memref<2x50x40xi32, #tpu.memory_space<vmem>> -> memref<1x1x40xi32, #tpu.memory_space<vmem>>
      %dma_start3A_564 = tpu.memref_squeeze %dma_start3A_563 : memref<1x1x40xi32, #tpu.memory_space<vmem>> -> memref<40xi32, #tpu.memory_space<vmem>>
      %dma_start3A_565 = arith.constant 0 : i32
      %dma_start3A_566 = arith.constant 0 : i32
      %dma_start3A_567 = tpu.memref_slice %arg10[%dma_start3A_565, %dma_start3A_566] : memref<10112x128xf32, #tpu.memory_space<vmem_shared>> -> memref<10112x128xf32, #tpu.memory_space<vmem_shared>>
      tpu.enqueue_indirect_dma source(%arg15 : memref<40x128xf32, #tpu.memory_space<vmem>>) target(%dma_start3A_567 : memref<10112x128xf32, #tpu.memory_space<vmem_shared>>) offsets(%dma_start3A_564 : memref<40xi32, #tpu.memory_space<vmem>>) semaphore(%arg30 : memref<!tpu.dma_semaphore, #tpu.memory_space<semaphore_mem>>) {add = true}
      %dma_start3A_568 = arith.constant 0 : i32
      %dma_start3A_569 = tpu.memref_slice %arg13[%select_n3A_545, %select_n3A_561, %dma_start3A_568] : memref<2x50x40xi32, #tpu.memory_space<vmem>> -> memref<1x1x40xi32, #tpu.memory_space<vmem>>
      %dma_start3A_570 = tpu.memref_squeeze %dma_start3A_569 : memref<1x1x40xi32, #tpu.memory_space<vmem>> -> memref<40xi32, #tpu.memory_space<vmem>>
      %dma_start3A_571 = arith.constant 0 : i32
      %dma_start3A_572 = arith.constant 0 : i32
      %dma_start3A_573 = tpu.memref_slice %arg11[%dma_start3A_571, %dma_start3A_572] : memref<10112x16xf32, #tpu.memory_space<vmem_shared>> -> memref<10112x16xf32, #tpu.memory_space<vmem_shared>>
      tpu.enqueue_indirect_dma source(%arg20 : memref<40x16xf32, #tpu.memory_space<vmem>>) target(%dma_start3A_573 : memref<10112x16xf32, #tpu.memory_space<vmem_shared>>) offsets(%dma_start3A_570 : memref<40xi32, #tpu.memory_space<vmem>>) semaphore(%arg30 : memref<!tpu.dma_semaphore, #tpu.memory_space<semaphore_mem>>) {add = true}
      %jit3A_574 = arith.constant 50 : i32
      %eq3A_575 = arith.constant 0 : i32
      %eq3A_576 = arith.cmpi eq, %jit3A_574, %eq3A_575 : i32
      %jit3A_577 = arith.constant 1 : i32
      %select_n3A_578 = arith.select %eq3A_576, %jit3A_577, %jit3A_574 : i32
      %rem3A_579 = arith.remsi %add3A_497, %select_n3A_578 : i32
      %ne3A_580 = arith.constant 0 : i32
      %ne3A_581 = arith.cmpi ne, %rem3A_579, %ne3A_580 : i32
      %lt3A_582 = arith.constant 0 : i32
      %lt3A_583 = arith.cmpi slt, %rem3A_579, %lt3A_582 : i32
      %lt3A_584 = arith.constant 0 : i32
      %lt3A_585 = arith.cmpi slt, %select_n3A_578, %lt3A_584 : i32
      %ne3A_586 = arith.xori %lt3A_583, %lt3A_585 : i1
      %and3A_587 = arith.andi %ne3A_586, %ne3A_581 : i1
      %add3A_588 = arith.addi %rem3A_579, %select_n3A_578 : i32
      %select_n3A_589 = arith.select %and3A_587, %add3A_588, %rem3A_579 : i32
      %add3A_590 = arith.constant 4 : i32
      %add3A_591 = arith.addi %add3A_497, %add3A_590 : i32
      %lt3A_592 = arith.constant 250 : i32
      %lt3A_593 = arith.cmpi slt, %add3A_591, %lt3A_592 : i32
      %convert_element_type3A_594 = arith.extui %lt3A_593 : i1 to i32
      %cond3A_595 = arith.constant 0 : i32
      %cond3A_596 = arith.cmpi ne, %convert_element_type3A_594, %cond3A_595 : i32
      scf.if %cond3A_596 {
        %ge3A = arith.constant 2 : i32
        %ge3A_1089 = arith.cmpi sge, %add3A_497, %ge3A : i32
        %convert_element_type3A_1090 = arith.extui %ge3A_1089 : i1 to i32
        %cond3A_1091 = arith.constant 0 : i32
        %cond3A_1092 = arith.cmpi ne, %convert_element_type3A_1090, %cond3A_1091 : i32
        scf.if %cond3A_1092 {
          %dma_wait3A_1157 = arith.constant 0 : i32
          %dma_wait3A_1158 = arith.constant 0 : i32
          %dma_wait3A_1159 = arith.constant 0 : i32
          %dma_wait3A_1160 = tpu.memref_slice %arg13[%dma_wait3A_1157, %dma_wait3A_1158, %dma_wait3A_1159] : memref<2x50x40xi32, #tpu.memory_space<vmem>> -> memref<1x1x40xi32, #tpu.memory_space<vmem>>
          %dma_wait3A_1161 = tpu.memref_squeeze %dma_wait3A_1160 : memref<1x1x40xi32, #tpu.memory_space<vmem>> -> memref<40xi32, #tpu.memory_space<vmem>>
          %dma_wait3A_1162 = arith.constant 0 : i32
          %dma_wait3A_1163 = arith.constant 0 : i32
          %dma_wait3A_1164 = tpu.memref_slice %arg10[%dma_wait3A_1162, %dma_wait3A_1163] : memref<10112x128xf32, #tpu.memory_space<vmem_shared>> -> memref<10112x128xf32, #tpu.memory_space<vmem_shared>>
          tpu.wait_indirect_dma semaphore(%arg34 : memref<!tpu.dma_semaphore, #tpu.memory_space<semaphore_mem>>) src(%arg19 : memref<40x128xf32, #tpu.memory_space<vmem>>) dst(%dma_wait3A_1164 : memref<10112x128xf32, #tpu.memory_space<vmem_shared>>)
          %dma_wait3A_1165 = arith.constant 0 : i32
          %dma_wait3A_1166 = arith.constant 0 : i32
          %dma_wait3A_1167 = arith.constant 0 : i32
          %dma_wait3A_1168 = tpu.memref_slice %arg13[%dma_wait3A_1165, %dma_wait3A_1166, %dma_wait3A_1167] : memref<2x50x40xi32, #tpu.memory_space<vmem>> -> memref<1x1x40xi32, #tpu.memory_space<vmem>>
          %dma_wait3A_1169 = tpu.memref_squeeze %dma_wait3A_1168 : memref<1x1x40xi32, #tpu.memory_space<vmem>> -> memref<40xi32, #tpu.memory_space<vmem>>
          %dma_wait3A_1170 = arith.constant 0 : i32
          %dma_wait3A_1171 = arith.constant 0 : i32
          %dma_wait3A_1172 = tpu.memref_slice %arg11[%dma_wait3A_1170, %dma_wait3A_1171] : memref<10112x16xf32, #tpu.memory_space<vmem_shared>> -> memref<10112x16xf32, #tpu.memory_space<vmem_shared>>
          tpu.wait_indirect_dma semaphore(%arg34 : memref<!tpu.dma_semaphore, #tpu.memory_space<semaphore_mem>>) src(%arg20 : memref<40x16xf32, #tpu.memory_space<vmem>>) dst(%dma_wait3A_1172 : memref<10112x16xf32, #tpu.memory_space<vmem_shared>>)
        } else {
        }
        %add3A_1093 = arith.constant 4 : i32
        %add3A_1094 = arith.addi %add3A_497, %add3A_1093 : i32
        %jit3A_1095 = arith.constant 50 : i32
        %div3A_1096 = arith.divsi %add3A_1094, %jit3A_1095 : i32
        %sign3A_1097 = arith.constant 0 : i32
        %sign3A_1098 = arith.cmpi sgt, %add3A_1094, %sign3A_1097 : i32
        %sign3A_1099 = arith.extui %sign3A_1098 : i1 to i32
        %sign3A_1100 = arith.constant 0 : i32
        %sign3A_1101 = arith.cmpi slt, %add3A_1094, %sign3A_1100 : i32
        %sign3A_1102 = arith.extui %sign3A_1101 : i1 to i32
        %sign3A_1103 = arith.subi %sign3A_1099, %sign3A_1102 : i32
        %sign3A_1104 = arith.constant 0 : i32
        %sign3A_1105 = arith.cmpi sgt, %jit3A_1095, %sign3A_1104 : i32
        %sign3A_1106 = arith.extui %sign3A_1105 : i1 to i32
        %sign3A_1107 = arith.constant 0 : i32
        %sign3A_1108 = arith.cmpi slt, %jit3A_1095, %sign3A_1107 : i32
        %sign3A_1109 = arith.extui %sign3A_1108 : i1 to i32
        %sign3A_1110 = arith.subi %sign3A_1106, %sign3A_1109 : i32
        %ne3A_1111 = arith.cmpi ne, %sign3A_1103, %sign3A_1110 : i32
        %rem3A_1112 = arith.remsi %add3A_1094, %jit3A_1095 : i32
        %ne3A_1113 = arith.constant 0 : i32
        %ne3A_1114 = arith.cmpi ne, %rem3A_1112, %ne3A_1113 : i32
        %and3A_1115 = arith.andi %ne3A_1111, %ne3A_1114 : i1
        %sub3A_1116 = arith.constant 1 : i32
        %sub3A_1117 = arith.subi %div3A_1096, %sub3A_1116 : i32
        %select_n3A_1118 = arith.select %and3A_1115, %sub3A_1117, %div3A_1096 : i32
        %jit3A_1119 = arith.constant 2 : i32
        %eq3A_1120 = arith.constant 0 : i32
        %eq3A_1121 = arith.cmpi eq, %jit3A_1119, %eq3A_1120 : i32
        %jit3A_1122 = arith.constant 1 : i32
        %select_n3A_1123 = arith.select %eq3A_1121, %jit3A_1122, %jit3A_1119 : i32
        %rem3A_1124 = arith.remsi %select_n3A_1118, %select_n3A_1123 : i32
        %ne3A_1125 = arith.constant 0 : i32
        %ne3A_1126 = arith.cmpi ne, %rem3A_1124, %ne3A_1125 : i32
        %lt3A_1127 = arith.constant 0 : i32
        %lt3A_1128 = arith.cmpi slt, %rem3A_1124, %lt3A_1127 : i32
        %lt3A_1129 = arith.constant 0 : i32
        %lt3A_1130 = arith.cmpi slt, %select_n3A_1123, %lt3A_1129 : i32
        %ne3A_1131 = arith.xori %lt3A_1128, %lt3A_1130 : i1
        %and3A_1132 = arith.andi %ne3A_1131, %ne3A_1126 : i1
        %add3A_1133 = arith.addi %rem3A_1124, %select_n3A_1123 : i32
        %select_n3A_1134 = arith.select %and3A_1132, %add3A_1133, %rem3A_1124 : i32
        %jit3A_1135 = arith.constant 50 : i32
        %eq3A_1136 = arith.constant 0 : i32
        %eq3A_1137 = arith.cmpi eq, %jit3A_1135, %eq3A_1136 : i32
        %jit3A_1138 = arith.constant 1 : i32
        %select_n3A_1139 = arith.select %eq3A_1137, %jit3A_1138, %jit3A_1135 : i32
        %rem3A_1140 = arith.remsi %add3A_1094, %select_n3A_1139 : i32
        %ne3A_1141 = arith.constant 0 : i32
        %ne3A_1142 = arith.cmpi ne, %rem3A_1140, %ne3A_1141 : i32
        %lt3A_1143 = arith.constant 0 : i32
        %lt3A_1144 = arith.cmpi slt, %rem3A_1140, %lt3A_1143 : i32
        %lt3A_1145 = arith.constant 0 : i32
        %lt3A_1146 = arith.cmpi slt, %select_n3A_1139, %lt3A_1145 : i32
        %ne3A_1147 = arith.xori %lt3A_1144, %lt3A_1146 : i1
        %and3A_1148 = arith.andi %ne3A_1147, %ne3A_1142 : i1
        %add3A_1149 = arith.addi %rem3A_1140, %select_n3A_1139 : i32
        %select_n3A_1150 = arith.select %and3A_1148, %add3A_1149, %rem3A_1140 : i32
        %dma_start3A_1151 = arith.constant 0 : i32
        %dma_start3A_1152 = tpu.memref_slice %arg12[%select_n3A_1134, %select_n3A_1150, %dma_start3A_1151] : memref<2x50x40xi32, #tpu.memory_space<vmem>> -> memref<1x1x40xi32, #tpu.memory_space<vmem>>
        %dma_start3A_1153 = tpu.memref_squeeze %dma_start3A_1152 : memref<1x1x40xi32, #tpu.memory_space<vmem>> -> memref<40xi32, #tpu.memory_space<vmem>>
        %dma_start3A_1154 = arith.constant 0 : i32
        %dma_start3A_1155 = arith.constant 0 : i32
        %dma_start3A_1156 = tpu.memref_slice %arg2[%dma_start3A_1154, %dma_start3A_1155] : memref<10000x128xf32, #tpu.memory_space<hbm>> -> memref<10000x128xf32, #tpu.memory_space<hbm>>
        tpu.enqueue_indirect_dma source(%dma_start3A_1156 : memref<10000x128xf32, #tpu.memory_space<hbm>>) target(%arg19 : memref<40x128xf32, #tpu.memory_space<vmem>>) offsets(%dma_start3A_1153 : memref<40xi32, #tpu.memory_space<vmem>>) semaphore(%arg28 : memref<!tpu.dma_semaphore, #tpu.memory_space<semaphore_mem>>)
      } else {
      }
      %eq3A_597 = arith.constant 30 : i32
      %eq3A_598 = arith.cmpi eq, %select_n3A_589, %eq3A_597 : i32
      %lt3A_599 = arith.constant 200 : i32
      %lt3A_600 = arith.cmpi slt, %add3A_497, %lt3A_599 : i32
      %and3A_601 = arith.andi %eq3A_598, %lt3A_600 : i1
      %convert_element_type3A_602 = arith.extui %and3A_601 : i1 to i32
      %cond3A_603 = arith.constant 0 : i32
      %cond3A_604 = arith.cmpi ne, %convert_element_type3A_602, %cond3A_603 : i32
      scf.if %cond3A_604 {
        %jit3A_1089 = arith.constant 50 : i32
        %div3A_1090 = arith.divsi %add3A_497, %jit3A_1089 : i32
        %sign3A_1091 = arith.constant 0 : i32
        %sign3A_1092 = arith.cmpi sgt, %add3A_497, %sign3A_1091 : i32
        %sign3A_1093 = arith.extui %sign3A_1092 : i1 to i32
        %sign3A_1094 = arith.constant 0 : i32
        %sign3A_1095 = arith.cmpi slt, %add3A_497, %sign3A_1094 : i32
        %sign3A_1096 = arith.extui %sign3A_1095 : i1 to i32
        %sign3A_1097 = arith.subi %sign3A_1093, %sign3A_1096 : i32
        %sign3A_1098 = arith.constant 0 : i32
        %sign3A_1099 = arith.cmpi sgt, %jit3A_1089, %sign3A_1098 : i32
        %sign3A_1100 = arith.extui %sign3A_1099 : i1 to i32
        %sign3A_1101 = arith.constant 0 : i32
        %sign3A_1102 = arith.cmpi slt, %jit3A_1089, %sign3A_1101 : i32
        %sign3A_1103 = arith.extui %sign3A_1102 : i1 to i32
        %sign3A_1104 = arith.subi %sign3A_1100, %sign3A_1103 : i32
        %ne3A_1105 = arith.cmpi ne, %sign3A_1097, %sign3A_1104 : i32
        %rem3A_1106 = arith.remsi %add3A_497, %jit3A_1089 : i32
        %ne3A_1107 = arith.constant 0 : i32
        %ne3A_1108 = arith.cmpi ne, %rem3A_1106, %ne3A_1107 : i32
        %and3A_1109 = arith.andi %ne3A_1105, %ne3A_1108 : i1
        %sub3A_1110 = arith.constant 1 : i32
        %sub3A_1111 = arith.subi %div3A_1090, %sub3A_1110 : i32
        %select_n3A_1112 = arith.select %and3A_1109, %sub3A_1111, %div3A_1090 : i32
        %add3A_1113 = arith.constant 1 : i32
        %add3A_1114 = arith.addi %select_n3A_1112, %add3A_1113 : i32
        %mul3A_1115 = arith.constant 50 : i32
        %mul3A_1116 = arith.muli %add3A_1114, %mul3A_1115 : i32
        %jit3A_1117 = arith.constant 2 : i32
        %eq3A_1118 = arith.constant 0 : i32
        %eq3A_1119 = arith.cmpi eq, %jit3A_1117, %eq3A_1118 : i32
        %jit3A_1120 = arith.constant 1 : i32
        %select_n3A_1121 = arith.select %eq3A_1119, %jit3A_1120, %jit3A_1117 : i32
        %rem3A_1122 = arith.remsi %add3A_1114, %select_n3A_1121 : i32
        %ne3A_1123 = arith.constant 0 : i32
        %ne3A_1124 = arith.cmpi ne, %rem3A_1122, %ne3A_1123 : i32
        %lt3A_1125 = arith.constant 0 : i32
        %lt3A_1126 = arith.cmpi slt, %rem3A_1122, %lt3A_1125 : i32
        %lt3A_1127 = arith.constant 0 : i32
        %lt3A_1128 = arith.cmpi slt, %select_n3A_1121, %lt3A_1127 : i32
        %ne3A_1129 = arith.xori %lt3A_1126, %lt3A_1128 : i1
        %and3A_1130 = arith.andi %ne3A_1129, %ne3A_1124 : i1
        %add3A_1131 = arith.addi %rem3A_1122, %select_n3A_1121 : i32
        %select_n3A_1132 = arith.select %and3A_1130, %add3A_1131, %rem3A_1122 : i32
        %dma_start3A_1133 = arith.constant 0 : i32
        %dma_start3A_1134 = arith.constant 0 : i32
        %dma_start3A_1135 = tpu.memref_slice %arg12[%select_n3A_1132, %dma_start3A_1133, %dma_start3A_1134] : memref<2x50x40xi32, #tpu.memory_space<vmem>> -> memref<1x50x40xi32, #tpu.memory_space<vmem>>
        %dma_start3A_1136 = tpu.memref_squeeze %dma_start3A_1135 : memref<1x50x40xi32, #tpu.memory_space<vmem>> -> memref<50x40xi32, #tpu.memory_space<vmem>>
        %dma_start3A_1137 = arith.constant 0 : i32
        %dma_start3A_1138 = tpu.memref_slice %arg3[%add3A, %mul3A_1116, %dma_start3A_1137] : memref<32x250x40xi32, #tpu.memory_space<hbm>> -> memref<1x50x40xi32, #tpu.memory_space<hbm>>
        %dma_start3A_1139 = tpu.memref_squeeze %dma_start3A_1138 : memref<1x50x40xi32, #tpu.memory_space<hbm>> -> memref<50x40xi32, #tpu.memory_space<hbm>>
        %dma_start3A_1140 = arith.constant 0 : i32
        %dma_start3A_1141 = arith.constant 0 : i32
        %dma_start3A_1142 = tpu.memref_slice %arg12[%select_n3A_1132, %dma_start3A_1140, %dma_start3A_1141] : memref<2x50x40xi32, #tpu.memory_space<vmem>> -> memref<1x50x40xi32, #tpu.memory_space<vmem>>
        %dma_start3A_1143 = tpu.memref_squeeze %dma_start3A_1142 : memref<1x50x40xi32, #tpu.memory_space<vmem>> -> memref<50x40xi32, #tpu.memory_space<vmem>>
        %dma_start3A_1144 = arith.constant 0 : i32
        %dma_start3A_1145 = tpu.memref_slice %arg3[%add3A, %mul3A_1116, %dma_start3A_1144] : memref<32x250x40xi32, #tpu.memory_space<hbm>> -> memref<1x50x40xi32, #tpu.memory_space<hbm>>
        %dma_start3A_1146 = tpu.memref_squeeze %dma_start3A_1145 : memref<1x50x40xi32, #tpu.memory_space<hbm>> -> memref<50x40xi32, #tpu.memory_space<hbm>>
        tpu.enqueue_dma source(%dma_start3A_1146 : memref<50x40xi32, #tpu.memory_space<hbm>>) target(%dma_start3A_1143 : memref<50x40xi32, #tpu.memory_space<vmem>>) target_semaphore(%arg21 : memref<!tpu.dma_semaphore, #tpu.memory_space<semaphore_mem>>)
        %mul3A_1147 = arith.constant 50 : i32
        %mul3A_1148 = arith.muli %add3A_1114, %mul3A_1147 : i32
        %jit3A_1149 = arith.constant 2 : i32
        %eq3A_1150 = arith.constant 0 : i32
        %eq3A_1151 = arith.cmpi eq, %jit3A_1149, %eq3A_1150 : i32
        %jit3A_1152 = arith.constant 1 : i32
        %select_n3A_1153 = arith.select %eq3A_1151, %jit3A_1152, %jit3A_1149 : i32
        %rem3A_1154 = arith.remsi %add3A_1114, %select_n3A_1153 : i32
        %ne3A_1155 = arith.constant 0 : i32
        %ne3A_1156 = arith.cmpi ne, %rem3A_1154, %ne3A_1155 : i32
        %lt3A_1157 = arith.constant 0 : i32
        %lt3A_1158 = arith.cmpi slt, %rem3A_1154, %lt3A_1157 : i32
        %lt3A_1159 = arith.constant 0 : i32
        %lt3A_1160 = arith.cmpi slt, %select_n3A_1153, %lt3A_1159 : i32
        %ne3A_1161 = arith.xori %lt3A_1158, %lt3A_1160 : i1
        %and3A_1162 = arith.andi %ne3A_1161, %ne3A_1156 : i1
        %add3A_1163 = arith.addi %rem3A_1154, %select_n3A_1153 : i32
        %select_n3A_1164 = arith.select %and3A_1162, %add3A_1163, %rem3A_1154 : i32
        %dma_start3A_1165 = arith.constant 0 : i32
        %dma_start3A_1166 = arith.constant 0 : i32
        %dma_start3A_1167 = tpu.memref_slice %arg13[%select_n3A_1164, %dma_start3A_1165, %dma_start3A_1166] : memref<2x50x40xi32, #tpu.memory_space<vmem>> -> memref<1x50x40xi32, #tpu.memory_space<vmem>>
        %dma_start3A_1168 = tpu.memref_squeeze %dma_start3A_1167 : memref<1x50x40xi32, #tpu.memory_space<vmem>> -> memref<50x40xi32, #tpu.memory_space<vmem>>
        %dma_start3A_1169 = arith.constant 0 : i32
        %dma_start3A_1170 = tpu.memref_slice %arg4[%add3A, %mul3A_1148, %dma_start3A_1169] : memref<32x250x40xi32, #tpu.memory_space<hbm>> -> memref<1x50x40xi32, #tpu.memory_space<hbm>>
        %dma_start3A_1171 = tpu.memref_squeeze %dma_start3A_1170 : memref<1x50x40xi32, #tpu.memory_space<hbm>> -> memref<50x40xi32, #tpu.memory_space<hbm>>
        %dma_start3A_1172 = arith.constant 0 : i32
        %dma_start3A_1173 = arith.constant 0 : i32
        %dma_start3A_1174 = tpu.memref_slice %arg13[%select_n3A_1164, %dma_start3A_1172, %dma_start3A_1173] : memref<2x50x40xi32, #tpu.memory_space<vmem>> -> memref<1x50x40xi32, #tpu.memory_space<vmem>>
        %dma_start3A_1175 = tpu.memref_squeeze %dma_start3A_1174 : memref<1x50x40xi32, #tpu.memory_space<vmem>> -> memref<50x40xi32, #tpu.memory_space<vmem>>
        %dma_start3A_1176 = arith.constant 0 : i32
        %dma_start3A_1177 = tpu.memref_slice %arg4[%add3A, %mul3A_1148, %dma_start3A_1176] : memref<32x250x40xi32, #tpu.memory_space<hbm>> -> memref<1x50x40xi32, #tpu.memory_space<hbm>>
        %dma_start3A_1178 = tpu.memref_squeeze %dma_start3A_1177 : memref<1x50x40xi32, #tpu.memory_space<hbm>> -> memref<50x40xi32, #tpu.memory_space<hbm>>
        tpu.enqueue_dma source(%dma_start3A_1178 : memref<50x40xi32, #tpu.memory_space<hbm>>) target(%dma_start3A_1175 : memref<50x40xi32, #tpu.memory_space<vmem>>) target_semaphore(%arg22 : memref<!tpu.dma_semaphore, #tpu.memory_space<semaphore_mem>>)
      } else {
      }
      %eq3A_605 = arith.constant 45 : i32
      %eq3A_606 = arith.cmpi eq, %select_n3A_589, %eq3A_605 : i32
      %lt3A_607 = arith.constant 200 : i32
      %lt3A_608 = arith.cmpi slt, %add3A_497, %lt3A_607 : i32
      %and3A_609 = arith.andi %eq3A_606, %lt3A_608 : i1
      %convert_element_type3A_610 = arith.extui %and3A_609 : i1 to i32
      %cond3A_611 = arith.constant 0 : i32
      %cond3A_612 = arith.cmpi ne, %convert_element_type3A_610, %cond3A_611 : i32
      scf.if %cond3A_612 {
        %dma_wait3A_1089 = arith.constant 0 : i32
        %dma_wait3A_1090 = arith.constant 0 : i32
        %dma_wait3A_1091 = arith.constant 0 : i32
        %dma_wait3A_1092 = tpu.memref_slice %arg12[%dma_wait3A_1089, %dma_wait3A_1090, %dma_wait3A_1091] : memref<2x50x40xi32, #tpu.memory_space<vmem>> -> memref<1x50x40xi32, #tpu.memory_space<vmem>>
        %dma_wait3A_1093 = tpu.memref_squeeze %dma_wait3A_1092 : memref<1x50x40xi32, #tpu.memory_space<vmem>> -> memref<50x40xi32, #tpu.memory_space<vmem>>
        %dma_wait3A_1094 = arith.constant 0 : i32
        %dma_wait3A_1095 = arith.constant 0 : i32
        %dma_wait3A_1096 = tpu.memref_slice %arg3[%add3A, %dma_wait3A_1094, %dma_wait3A_1095] : memref<32x250x40xi32, #tpu.memory_space<hbm>> -> memref<1x50x40xi32, #tpu.memory_space<hbm>>
        %dma_wait3A_1097 = tpu.memref_squeeze %dma_wait3A_1096 : memref<1x50x40xi32, #tpu.memory_space<hbm>> -> memref<50x40xi32, #tpu.memory_space<hbm>>
        %dma_wait3A_1098 = arith.constant 0 : i32
        %dma_wait3A_1099 = arith.constant 0 : i32
        %dma_wait3A_1100 = tpu.memref_slice %arg12[%dma_wait3A_1089, %dma_wait3A_1098, %dma_wait3A_1099] : memref<2x50x40xi32, #tpu.memory_space<vmem>> -> memref<1x50x40xi32, #tpu.memory_space<vmem>>
        %dma_wait3A_1101 = tpu.memref_squeeze %dma_wait3A_1100 : memref<1x50x40xi32, #tpu.memory_space<vmem>> -> memref<50x40xi32, #tpu.memory_space<vmem>>
        %dma_wait3A_1102 = arith.constant 0 : i32
        %dma_wait3A_1103 = arith.constant 0 : i32
        %dma_wait3A_1104 = tpu.memref_slice %arg3[%add3A, %dma_wait3A_1102, %dma_wait3A_1103] : memref<32x250x40xi32, #tpu.memory_space<hbm>> -> memref<1x50x40xi32, #tpu.memory_space<hbm>>
        %dma_wait3A_1105 = tpu.memref_squeeze %dma_wait3A_1104 : memref<1x50x40xi32, #tpu.memory_space<hbm>> -> memref<50x40xi32, #tpu.memory_space<hbm>>
        tpu.wait_dma2 semaphore(%arg21 : memref<!tpu.dma_semaphore, #tpu.memory_space<semaphore_mem>>) src(%dma_wait3A_1105 : memref<50x40xi32, #tpu.memory_space<hbm>>) dst(%dma_wait3A_1101 : memref<50x40xi32, #tpu.memory_space<vmem>>)
        %dma_wait3A_1106 = arith.constant 0 : i32
        %dma_wait3A_1107 = arith.constant 0 : i32
        %dma_wait3A_1108 = arith.constant 0 : i32
        %dma_wait3A_1109 = tpu.memref_slice %arg13[%dma_wait3A_1106, %dma_wait3A_1107, %dma_wait3A_1108] : memref<2x50x40xi32, #tpu.memory_space<vmem>> -> memref<1x50x40xi32, #tpu.memory_space<vmem>>
        %dma_wait3A_1110 = tpu.memref_squeeze %dma_wait3A_1109 : memref<1x50x40xi32, #tpu.memory_space<vmem>> -> memref<50x40xi32, #tpu.memory_space<vmem>>
        %dma_wait3A_1111 = arith.constant 0 : i32
        %dma_wait3A_1112 = arith.constant 0 : i32
        %dma_wait3A_1113 = tpu.memref_slice %arg4[%add3A, %dma_wait3A_1111, %dma_wait3A_1112] : memref<32x250x40xi32, #tpu.memory_space<hbm>> -> memref<1x50x40xi32, #tpu.memory_space<hbm>>
        %dma_wait3A_1114 = tpu.memref_squeeze %dma_wait3A_1113 : memref<1x50x40xi32, #tpu.memory_space<hbm>> -> memref<50x40xi32, #tpu.memory_space<hbm>>
        %dma_wait3A_1115 = arith.constant 0 : i32
        %dma_wait3A_1116 = arith.constant 0 : i32
        %dma_wait3A_1117 = tpu.memref_slice %arg13[%dma_wait3A_1106, %dma_wait3A_1115, %dma_wait3A_1116] : memref<2x50x40xi32, #tpu.memory_space<vmem>> -> memref<1x50x40xi32, #tpu.memory_space<vmem>>
        %dma_wait3A_1118 = tpu.memref_squeeze %dma_wait3A_1117 : memref<1x50x40xi32, #tpu.memory_space<vmem>> -> memref<50x40xi32, #tpu.memory_space<vmem>>
        %dma_wait3A_1119 = arith.constant 0 : i32
        %dma_wait3A_1120 = arith.constant 0 : i32
        %dma_wait3A_1121 = tpu.memref_slice %arg4[%add3A, %dma_wait3A_1119, %dma_wait3A_1120] : memref<32x250x40xi32, #tpu.memory_space<hbm>> -> memref<1x50x40xi32, #tpu.memory_space<hbm>>
        %dma_wait3A_1122 = tpu.memref_squeeze %dma_wait3A_1121 : memref<1x50x40xi32, #tpu.memory_space<hbm>> -> memref<50x40xi32, #tpu.memory_space<hbm>>
        tpu.wait_dma2 semaphore(%arg22 : memref<!tpu.dma_semaphore, #tpu.memory_space<semaphore_mem>>) src(%dma_wait3A_1122 : memref<50x40xi32, #tpu.memory_space<hbm>>) dst(%dma_wait3A_1118 : memref<50x40xi32, #tpu.memory_space<vmem>>)
      } else {
      }
      %mul3A_613 = arith.constant 6 : i32
      %mul3A_614 = arith.muli %mul3A_613, %scan3A_386 : i32
      %add3A_615 = arith.constant 2 : i32
      %add3A_616 = arith.addi %mul3A_614, %add3A_615 : i32
      %dma_wait3A_617 = arith.constant 0 : i32
      %dma_wait3A_618 = arith.constant 0 : i32
      %dma_wait3A_619 = arith.constant 0 : i32
      %dma_wait3A_620 = tpu.memref_slice %arg12[%dma_wait3A_617, %dma_wait3A_618, %dma_wait3A_619] : memref<2x50x40xi32, #tpu.memory_space<vmem>> -> memref<1x1x40xi32, #tpu.memory_space<vmem>>
      %dma_wait3A_621 = tpu.memref_squeeze %dma_wait3A_620 : memref<1x1x40xi32, #tpu.memory_space<vmem>> -> memref<40xi32, #tpu.memory_space<vmem>>
      %dma_wait3A_622 = arith.constant 0 : i32
      %dma_wait3A_623 = arith.constant 0 : i32
      %dma_wait3A_624 = tpu.memref_slice %arg2[%dma_wait3A_622, %dma_wait3A_623] : memref<10000x128xf32, #tpu.memory_space<hbm>> -> memref<10000x128xf32, #tpu.memory_space<hbm>>
      tpu.wait_indirect_dma semaphore(%arg25 : memref<!tpu.dma_semaphore, #tpu.memory_space<semaphore_mem>>) src(%dma_wait3A_624 : memref<10000x128xf32, #tpu.memory_space<hbm>>) dst(%arg16 : memref<40x128xf32, #tpu.memory_space<vmem>>)
      %jit3A_625 = arith.constant 50 : i32
      %div3A_626 = arith.divsi %add3A_616, %jit3A_625 : i32
      %sign3A_627 = arith.constant 0 : i32
      %sign3A_628 = arith.cmpi sgt, %add3A_616, %sign3A_627 : i32
      %sign3A_629 = arith.extui %sign3A_628 : i1 to i32
      %sign3A_630 = arith.constant 0 : i32
      %sign3A_631 = arith.cmpi slt, %add3A_616, %sign3A_630 : i32
      %sign3A_632 = arith.extui %sign3A_631 : i1 to i32
      %sign3A_633 = arith.subi %sign3A_629, %sign3A_632 : i32
      %sign3A_634 = arith.constant 0 : i32
      %sign3A_635 = arith.cmpi sgt, %jit3A_625, %sign3A_634 : i32
      %sign3A_636 = arith.extui %sign3A_635 : i1 to i32
      %sign3A_637 = arith.constant 0 : i32
      %sign3A_638 = arith.cmpi slt, %jit3A_625, %sign3A_637 : i32
      %sign3A_639 = arith.extui %sign3A_638 : i1 to i32
      %sign3A_640 = arith.subi %sign3A_636, %sign3A_639 : i32
      %ne3A_641 = arith.cmpi ne, %sign3A_633, %sign3A_640 : i32
      %rem3A_642 = arith.remsi %add3A_616, %jit3A_625 : i32
      %ne3A_643 = arith.constant 0 : i32
      %ne3A_644 = arith.cmpi ne, %rem3A_642, %ne3A_643 : i32
      %and3A_645 = arith.andi %ne3A_641, %ne3A_644 : i1
      %sub3A_646 = arith.constant 1 : i32
      %sub3A_647 = arith.subi %div3A_626, %sub3A_646 : i32
      %select_n3A_648 = arith.select %and3A_645, %sub3A_647, %div3A_626 : i32
      %jit3A_649 = arith.constant 2 : i32
      %eq3A_650 = arith.constant 0 : i32
      %eq3A_651 = arith.cmpi eq, %jit3A_649, %eq3A_650 : i32
      %jit3A_652 = arith.constant 1 : i32
      %select_n3A_653 = arith.select %eq3A_651, %jit3A_652, %jit3A_649 : i32
      %rem3A_654 = arith.remsi %select_n3A_648, %select_n3A_653 : i32
      %ne3A_655 = arith.constant 0 : i32
      %ne3A_656 = arith.cmpi ne, %rem3A_654, %ne3A_655 : i32
      %lt3A_657 = arith.constant 0 : i32
      %lt3A_658 = arith.cmpi slt, %rem3A_654, %lt3A_657 : i32
      %lt3A_659 = arith.constant 0 : i32
      %lt3A_660 = arith.cmpi slt, %select_n3A_653, %lt3A_659 : i32
      %ne3A_661 = arith.xori %lt3A_658, %lt3A_660 : i1
      %and3A_662 = arith.andi %ne3A_661, %ne3A_656 : i1
      %add3A_663 = arith.addi %rem3A_654, %select_n3A_653 : i32
      %select_n3A_664 = arith.select %and3A_662, %add3A_663, %rem3A_654 : i32
      %jit3A_665 = arith.constant 50 : i32
      %eq3A_666 = arith.constant 0 : i32
      %eq3A_667 = arith.cmpi eq, %jit3A_665, %eq3A_666 : i32
      %jit3A_668 = arith.constant 1 : i32
      %select_n3A_669 = arith.select %eq3A_667, %jit3A_668, %jit3A_665 : i32
      %rem3A_670 = arith.remsi %add3A_616, %select_n3A_669 : i32
      %ne3A_671 = arith.constant 0 : i32
      %ne3A_672 = arith.cmpi ne, %rem3A_670, %ne3A_671 : i32
      %lt3A_673 = arith.constant 0 : i32
      %lt3A_674 = arith.cmpi slt, %rem3A_670, %lt3A_673 : i32
      %lt3A_675 = arith.constant 0 : i32
      %lt3A_676 = arith.cmpi slt, %select_n3A_669, %lt3A_675 : i32
      %ne3A_677 = arith.xori %lt3A_674, %lt3A_676 : i1
      %and3A_678 = arith.andi %ne3A_677, %ne3A_672 : i1
      %add3A_679 = arith.addi %rem3A_670, %select_n3A_669 : i32
      %select_n3A_680 = arith.select %and3A_678, %add3A_679, %rem3A_670 : i32
      %dma_start3A_681 = arith.constant 0 : i32
      %dma_start3A_682 = tpu.memref_slice %arg13[%select_n3A_664, %select_n3A_680, %dma_start3A_681] : memref<2x50x40xi32, #tpu.memory_space<vmem>> -> memref<1x1x40xi32, #tpu.memory_space<vmem>>
      %dma_start3A_683 = tpu.memref_squeeze %dma_start3A_682 : memref<1x1x40xi32, #tpu.memory_space<vmem>> -> memref<40xi32, #tpu.memory_space<vmem>>
      %dma_start3A_684 = arith.constant 0 : i32
      %dma_start3A_685 = arith.constant 0 : i32
      %dma_start3A_686 = tpu.memref_slice %arg10[%dma_start3A_684, %dma_start3A_685] : memref<10112x128xf32, #tpu.memory_space<vmem_shared>> -> memref<10112x128xf32, #tpu.memory_space<vmem_shared>>
      tpu.enqueue_indirect_dma source(%arg16 : memref<40x128xf32, #tpu.memory_space<vmem>>) target(%dma_start3A_686 : memref<10112x128xf32, #tpu.memory_space<vmem_shared>>) offsets(%dma_start3A_683 : memref<40xi32, #tpu.memory_space<vmem>>) semaphore(%arg31 : memref<!tpu.dma_semaphore, #tpu.memory_space<semaphore_mem>>) {add = true}
      %dma_start3A_687 = arith.constant 0 : i32
      %dma_start3A_688 = tpu.memref_slice %arg13[%select_n3A_664, %select_n3A_680, %dma_start3A_687] : memref<2x50x40xi32, #tpu.memory_space<vmem>> -> memref<1x1x40xi32, #tpu.memory_space<vmem>>
      %dma_start3A_689 = tpu.memref_squeeze %dma_start3A_688 : memref<1x1x40xi32, #tpu.memory_space<vmem>> -> memref<40xi32, #tpu.memory_space<vmem>>
      %dma_start3A_690 = arith.constant 0 : i32
      %dma_start3A_691 = arith.constant 0 : i32
      %dma_start3A_692 = tpu.memref_slice %arg11[%dma_start3A_690, %dma_start3A_691] : memref<10112x16xf32, #tpu.memory_space<vmem_shared>> -> memref<10112x16xf32, #tpu.memory_space<vmem_shared>>
      tpu.enqueue_indirect_dma source(%arg20 : memref<40x16xf32, #tpu.memory_space<vmem>>) target(%dma_start3A_692 : memref<10112x16xf32, #tpu.memory_space<vmem_shared>>) offsets(%dma_start3A_689 : memref<40xi32, #tpu.memory_space<vmem>>) semaphore(%arg31 : memref<!tpu.dma_semaphore, #tpu.memory_space<semaphore_mem>>) {add = true}
      %jit3A_693 = arith.constant 50 : i32
      %eq3A_694 = arith.constant 0 : i32
      %eq3A_695 = arith.cmpi eq, %jit3A_693, %eq3A_694 : i32
      %jit3A_696 = arith.constant 1 : i32
      %select_n3A_697 = arith.select %eq3A_695, %jit3A_696, %jit3A_693 : i32
      %rem3A_698 = arith.remsi %add3A_616, %select_n3A_697 : i32
      %ne3A_699 = arith.constant 0 : i32
      %ne3A_700 = arith.cmpi ne, %rem3A_698, %ne3A_699 : i32
      %lt3A_701 = arith.constant 0 : i32
      %lt3A_702 = arith.cmpi slt, %rem3A_698, %lt3A_701 : i32
      %lt3A_703 = arith.constant 0 : i32
      %lt3A_704 = arith.cmpi slt, %select_n3A_697, %lt3A_703 : i32
      %ne3A_705 = arith.xori %lt3A_702, %lt3A_704 : i1
      %and3A_706 = arith.andi %ne3A_705, %ne3A_700 : i1
      %add3A_707 = arith.addi %rem3A_698, %select_n3A_697 : i32
      %select_n3A_708 = arith.select %and3A_706, %add3A_707, %rem3A_698 : i32
      %add3A_709 = arith.constant 4 : i32
      %add3A_710 = arith.addi %add3A_616, %add3A_709 : i32
      %lt3A_711 = arith.constant 250 : i32
      %lt3A_712 = arith.cmpi slt, %add3A_710, %lt3A_711 : i32
      %convert_element_type3A_713 = arith.extui %lt3A_712 : i1 to i32
      %cond3A_714 = arith.constant 0 : i32
      %cond3A_715 = arith.cmpi ne, %convert_element_type3A_713, %cond3A_714 : i32
      scf.if %cond3A_715 {
        %ge3A = arith.constant 2 : i32
        %ge3A_1089 = arith.cmpi sge, %add3A_616, %ge3A : i32
        %convert_element_type3A_1090 = arith.extui %ge3A_1089 : i1 to i32
        %cond3A_1091 = arith.constant 0 : i32
        %cond3A_1092 = arith.cmpi ne, %convert_element_type3A_1090, %cond3A_1091 : i32
        scf.if %cond3A_1092 {
          %dma_wait3A_1157 = arith.constant 0 : i32
          %dma_wait3A_1158 = arith.constant 0 : i32
          %dma_wait3A_1159 = arith.constant 0 : i32
          %dma_wait3A_1160 = tpu.memref_slice %arg13[%dma_wait3A_1157, %dma_wait3A_1158, %dma_wait3A_1159] : memref<2x50x40xi32, #tpu.memory_space<vmem>> -> memref<1x1x40xi32, #tpu.memory_space<vmem>>
          %dma_wait3A_1161 = tpu.memref_squeeze %dma_wait3A_1160 : memref<1x1x40xi32, #tpu.memory_space<vmem>> -> memref<40xi32, #tpu.memory_space<vmem>>
          %dma_wait3A_1162 = arith.constant 0 : i32
          %dma_wait3A_1163 = arith.constant 0 : i32
          %dma_wait3A_1164 = tpu.memref_slice %arg10[%dma_wait3A_1162, %dma_wait3A_1163] : memref<10112x128xf32, #tpu.memory_space<vmem_shared>> -> memref<10112x128xf32, #tpu.memory_space<vmem_shared>>
          tpu.wait_indirect_dma semaphore(%arg29 : memref<!tpu.dma_semaphore, #tpu.memory_space<semaphore_mem>>) src(%arg14 : memref<40x128xf32, #tpu.memory_space<vmem>>) dst(%dma_wait3A_1164 : memref<10112x128xf32, #tpu.memory_space<vmem_shared>>)
          %dma_wait3A_1165 = arith.constant 0 : i32
          %dma_wait3A_1166 = arith.constant 0 : i32
          %dma_wait3A_1167 = arith.constant 0 : i32
          %dma_wait3A_1168 = tpu.memref_slice %arg13[%dma_wait3A_1165, %dma_wait3A_1166, %dma_wait3A_1167] : memref<2x50x40xi32, #tpu.memory_space<vmem>> -> memref<1x1x40xi32, #tpu.memory_space<vmem>>
          %dma_wait3A_1169 = tpu.memref_squeeze %dma_wait3A_1168 : memref<1x1x40xi32, #tpu.memory_space<vmem>> -> memref<40xi32, #tpu.memory_space<vmem>>
          %dma_wait3A_1170 = arith.constant 0 : i32
          %dma_wait3A_1171 = arith.constant 0 : i32
          %dma_wait3A_1172 = tpu.memref_slice %arg11[%dma_wait3A_1170, %dma_wait3A_1171] : memref<10112x16xf32, #tpu.memory_space<vmem_shared>> -> memref<10112x16xf32, #tpu.memory_space<vmem_shared>>
          tpu.wait_indirect_dma semaphore(%arg29 : memref<!tpu.dma_semaphore, #tpu.memory_space<semaphore_mem>>) src(%arg20 : memref<40x16xf32, #tpu.memory_space<vmem>>) dst(%dma_wait3A_1172 : memref<10112x16xf32, #tpu.memory_space<vmem_shared>>)
        } else {
        }
        %add3A_1093 = arith.constant 4 : i32
        %add3A_1094 = arith.addi %add3A_616, %add3A_1093 : i32
        %jit3A_1095 = arith.constant 50 : i32
        %div3A_1096 = arith.divsi %add3A_1094, %jit3A_1095 : i32
        %sign3A_1097 = arith.constant 0 : i32
        %sign3A_1098 = arith.cmpi sgt, %add3A_1094, %sign3A_1097 : i32
        %sign3A_1099 = arith.extui %sign3A_1098 : i1 to i32
        %sign3A_1100 = arith.constant 0 : i32
        %sign3A_1101 = arith.cmpi slt, %add3A_1094, %sign3A_1100 : i32
        %sign3A_1102 = arith.extui %sign3A_1101 : i1 to i32
        %sign3A_1103 = arith.subi %sign3A_1099, %sign3A_1102 : i32
        %sign3A_1104 = arith.constant 0 : i32
        %sign3A_1105 = arith.cmpi sgt, %jit3A_1095, %sign3A_1104 : i32
        %sign3A_1106 = arith.extui %sign3A_1105 : i1 to i32
        %sign3A_1107 = arith.constant 0 : i32
        %sign3A_1108 = arith.cmpi slt, %jit3A_1095, %sign3A_1107 : i32
        %sign3A_1109 = arith.extui %sign3A_1108 : i1 to i32
        %sign3A_1110 = arith.subi %sign3A_1106, %sign3A_1109 : i32
        %ne3A_1111 = arith.cmpi ne, %sign3A_1103, %sign3A_1110 : i32
        %rem3A_1112 = arith.remsi %add3A_1094, %jit3A_1095 : i32
        %ne3A_1113 = arith.constant 0 : i32
        %ne3A_1114 = arith.cmpi ne, %rem3A_1112, %ne3A_1113 : i32
        %and3A_1115 = arith.andi %ne3A_1111, %ne3A_1114 : i1
        %sub3A_1116 = arith.constant 1 : i32
        %sub3A_1117 = arith.subi %div3A_1096, %sub3A_1116 : i32
        %select_n3A_1118 = arith.select %and3A_1115, %sub3A_1117, %div3A_1096 : i32
        %jit3A_1119 = arith.constant 2 : i32
        %eq3A_1120 = arith.constant 0 : i32
        %eq3A_1121 = arith.cmpi eq, %jit3A_1119, %eq3A_1120 : i32
        %jit3A_1122 = arith.constant 1 : i32
        %select_n3A_1123 = arith.select %eq3A_1121, %jit3A_1122, %jit3A_1119 : i32
        %rem3A_1124 = arith.remsi %select_n3A_1118, %select_n3A_1123 : i32
        %ne3A_1125 = arith.constant 0 : i32
        %ne3A_1126 = arith.cmpi ne, %rem3A_1124, %ne3A_1125 : i32
        %lt3A_1127 = arith.constant 0 : i32
        %lt3A_1128 = arith.cmpi slt, %rem3A_1124, %lt3A_1127 : i32
        %lt3A_1129 = arith.constant 0 : i32
        %lt3A_1130 = arith.cmpi slt, %select_n3A_1123, %lt3A_1129 : i32
        %ne3A_1131 = arith.xori %lt3A_1128, %lt3A_1130 : i1
        %and3A_1132 = arith.andi %ne3A_1131, %ne3A_1126 : i1
        %add3A_1133 = arith.addi %rem3A_1124, %select_n3A_1123 : i32
        %select_n3A_1134 = arith.select %and3A_1132, %add3A_1133, %rem3A_1124 : i32
        %jit3A_1135 = arith.constant 50 : i32
        %eq3A_1136 = arith.constant 0 : i32
        %eq3A_1137 = arith.cmpi eq, %jit3A_1135, %eq3A_1136 : i32
        %jit3A_1138 = arith.constant 1 : i32
        %select_n3A_1139 = arith.select %eq3A_1137, %jit3A_1138, %jit3A_1135 : i32
        %rem3A_1140 = arith.remsi %add3A_1094, %select_n3A_1139 : i32
        %ne3A_1141 = arith.constant 0 : i32
        %ne3A_1142 = arith.cmpi ne, %rem3A_1140, %ne3A_1141 : i32
        %lt3A_1143 = arith.constant 0 : i32
        %lt3A_1144 = arith.cmpi slt, %rem3A_1140, %lt3A_1143 : i32
        %lt3A_1145 = arith.constant 0 : i32
        %lt3A_1146 = arith.cmpi slt, %select_n3A_1139, %lt3A_1145 : i32
        %ne3A_1147 = arith.xori %lt3A_1144, %lt3A_1146 : i1
        %and3A_1148 = arith.andi %ne3A_1147, %ne3A_1142 : i1
        %add3A_1149 = arith.addi %rem3A_1140, %select_n3A_1139 : i32
        %select_n3A_1150 = arith.select %and3A_1148, %add3A_1149, %rem3A_1140 : i32
        %dma_start3A_1151 = arith.constant 0 : i32
        %dma_start3A_1152 = tpu.memref_slice %arg12[%select_n3A_1134, %select_n3A_1150, %dma_start3A_1151] : memref<2x50x40xi32, #tpu.memory_space<vmem>> -> memref<1x1x40xi32, #tpu.memory_space<vmem>>
        %dma_start3A_1153 = tpu.memref_squeeze %dma_start3A_1152 : memref<1x1x40xi32, #tpu.memory_space<vmem>> -> memref<40xi32, #tpu.memory_space<vmem>>
        %dma_start3A_1154 = arith.constant 0 : i32
        %dma_start3A_1155 = arith.constant 0 : i32
        %dma_start3A_1156 = tpu.memref_slice %arg2[%dma_start3A_1154, %dma_start3A_1155] : memref<10000x128xf32, #tpu.memory_space<hbm>> -> memref<10000x128xf32, #tpu.memory_space<hbm>>
        tpu.enqueue_indirect_dma source(%dma_start3A_1156 : memref<10000x128xf32, #tpu.memory_space<hbm>>) target(%arg14 : memref<40x128xf32, #tpu.memory_space<vmem>>) offsets(%dma_start3A_1153 : memref<40xi32, #tpu.memory_space<vmem>>) semaphore(%arg23 : memref<!tpu.dma_semaphore, #tpu.memory_space<semaphore_mem>>)
      } else {
      }
      %eq3A_716 = arith.constant 30 : i32
      %eq3A_717 = arith.cmpi eq, %select_n3A_708, %eq3A_716 : i32
      %lt3A_718 = arith.constant 200 : i32
      %lt3A_719 = arith.cmpi slt, %add3A_616, %lt3A_718 : i32
      %and3A_720 = arith.andi %eq3A_717, %lt3A_719 : i1
      %convert_element_type3A_721 = arith.extui %and3A_720 : i1 to i32
      %cond3A_722 = arith.constant 0 : i32
      %cond3A_723 = arith.cmpi ne, %convert_element_type3A_721, %cond3A_722 : i32
      scf.if %cond3A_723 {
        %jit3A_1089 = arith.constant 50 : i32
        %div3A_1090 = arith.divsi %add3A_616, %jit3A_1089 : i32
        %sign3A_1091 = arith.constant 0 : i32
        %sign3A_1092 = arith.cmpi sgt, %add3A_616, %sign3A_1091 : i32
        %sign3A_1093 = arith.extui %sign3A_1092 : i1 to i32
        %sign3A_1094 = arith.constant 0 : i32
        %sign3A_1095 = arith.cmpi slt, %add3A_616, %sign3A_1094 : i32
        %sign3A_1096 = arith.extui %sign3A_1095 : i1 to i32
        %sign3A_1097 = arith.subi %sign3A_1093, %sign3A_1096 : i32
        %sign3A_1098 = arith.constant 0 : i32
        %sign3A_1099 = arith.cmpi sgt, %jit3A_1089, %sign3A_1098 : i32
        %sign3A_1100 = arith.extui %sign3A_1099 : i1 to i32
        %sign3A_1101 = arith.constant 0 : i32
        %sign3A_1102 = arith.cmpi slt, %jit3A_1089, %sign3A_1101 : i32
        %sign3A_1103 = arith.extui %sign3A_1102 : i1 to i32
        %sign3A_1104 = arith.subi %sign3A_1100, %sign3A_1103 : i32
        %ne3A_1105 = arith.cmpi ne, %sign3A_1097, %sign3A_1104 : i32
        %rem3A_1106 = arith.remsi %add3A_616, %jit3A_1089 : i32
        %ne3A_1107 = arith.constant 0 : i32
        %ne3A_1108 = arith.cmpi ne, %rem3A_1106, %ne3A_1107 : i32
        %and3A_1109 = arith.andi %ne3A_1105, %ne3A_1108 : i1
        %sub3A_1110 = arith.constant 1 : i32
        %sub3A_1111 = arith.subi %div3A_1090, %sub3A_1110 : i32
        %select_n3A_1112 = arith.select %and3A_1109, %sub3A_1111, %div3A_1090 : i32
        %add3A_1113 = arith.constant 1 : i32
        %add3A_1114 = arith.addi %select_n3A_1112, %add3A_1113 : i32
        %mul3A_1115 = arith.constant 50 : i32
        %mul3A_1116 = arith.muli %add3A_1114, %mul3A_1115 : i32
        %jit3A_1117 = arith.constant 2 : i32
        %eq3A_1118 = arith.constant 0 : i32
        %eq3A_1119 = arith.cmpi eq, %jit3A_1117, %eq3A_1118 : i32
        %jit3A_1120 = arith.constant 1 : i32
        %select_n3A_1121 = arith.select %eq3A_1119, %jit3A_1120, %jit3A_1117 : i32
        %rem3A_1122 = arith.remsi %add3A_1114, %select_n3A_1121 : i32
        %ne3A_1123 = arith.constant 0 : i32
        %ne3A_1124 = arith.cmpi ne, %rem3A_1122, %ne3A_1123 : i32
        %lt3A_1125 = arith.constant 0 : i32
        %lt3A_1126 = arith.cmpi slt, %rem3A_1122, %lt3A_1125 : i32
        %lt3A_1127 = arith.constant 0 : i32
        %lt3A_1128 = arith.cmpi slt, %select_n3A_1121, %lt3A_1127 : i32
        %ne3A_1129 = arith.xori %lt3A_1126, %lt3A_1128 : i1
        %and3A_1130 = arith.andi %ne3A_1129, %ne3A_1124 : i1
        %add3A_1131 = arith.addi %rem3A_1122, %select_n3A_1121 : i32
        %select_n3A_1132 = arith.select %and3A_1130, %add3A_1131, %rem3A_1122 : i32
        %dma_start3A_1133 = arith.constant 0 : i32
        %dma_start3A_1134 = arith.constant 0 : i32
        %dma_start3A_1135 = tpu.memref_slice %arg12[%select_n3A_1132, %dma_start3A_1133, %dma_start3A_1134] : memref<2x50x40xi32, #tpu.memory_space<vmem>> -> memref<1x50x40xi32, #tpu.memory_space<vmem>>
        %dma_start3A_1136 = tpu.memref_squeeze %dma_start3A_1135 : memref<1x50x40xi32, #tpu.memory_space<vmem>> -> memref<50x40xi32, #tpu.memory_space<vmem>>
        %dma_start3A_1137 = arith.constant 0 : i32
        %dma_start3A_1138 = tpu.memref_slice %arg3[%add3A, %mul3A_1116, %dma_start3A_1137] : memref<32x250x40xi32, #tpu.memory_space<hbm>> -> memref<1x50x40xi32, #tpu.memory_space<hbm>>
        %dma_start3A_1139 = tpu.memref_squeeze %dma_start3A_1138 : memref<1x50x40xi32, #tpu.memory_space<hbm>> -> memref<50x40xi32, #tpu.memory_space<hbm>>
        %dma_start3A_1140 = arith.constant 0 : i32
        %dma_start3A_1141 = arith.constant 0 : i32
        %dma_start3A_1142 = tpu.memref_slice %arg12[%select_n3A_1132, %dma_start3A_1140, %dma_start3A_1141] : memref<2x50x40xi32, #tpu.memory_space<vmem>> -> memref<1x50x40xi32, #tpu.memory_space<vmem>>
        %dma_start3A_1143 = tpu.memref_squeeze %dma_start3A_1142 : memref<1x50x40xi32, #tpu.memory_space<vmem>> -> memref<50x40xi32, #tpu.memory_space<vmem>>
        %dma_start3A_1144 = arith.constant 0 : i32
        %dma_start3A_1145 = tpu.memref_slice %arg3[%add3A, %mul3A_1116, %dma_start3A_1144] : memref<32x250x40xi32, #tpu.memory_space<hbm>> -> memref<1x50x40xi32, #tpu.memory_space<hbm>>
        %dma_start3A_1146 = tpu.memref_squeeze %dma_start3A_1145 : memref<1x50x40xi32, #tpu.memory_space<hbm>> -> memref<50x40xi32, #tpu.memory_space<hbm>>
        tpu.enqueue_dma source(%dma_start3A_1146 : memref<50x40xi32, #tpu.memory_space<hbm>>) target(%dma_start3A_1143 : memref<50x40xi32, #tpu.memory_space<vmem>>) target_semaphore(%arg21 : memref<!tpu.dma_semaphore, #tpu.memory_space<semaphore_mem>>)
        %mul3A_1147 = arith.constant 50 : i32
        %mul3A_1148 = arith.muli %add3A_1114, %mul3A_1147 : i32
        %jit3A_1149 = arith.constant 2 : i32
        %eq3A_1150 = arith.constant 0 : i32
        %eq3A_1151 = arith.cmpi eq, %jit3A_1149, %eq3A_1150 : i32
        %jit3A_1152 = arith.constant 1 : i32
        %select_n3A_1153 = arith.select %eq3A_1151, %jit3A_1152, %jit3A_1149 : i32
        %rem3A_1154 = arith.remsi %add3A_1114, %select_n3A_1153 : i32
        %ne3A_1155 = arith.constant 0 : i32
        %ne3A_1156 = arith.cmpi ne, %rem3A_1154, %ne3A_1155 : i32
        %lt3A_1157 = arith.constant 0 : i32
        %lt3A_1158 = arith.cmpi slt, %rem3A_1154, %lt3A_1157 : i32
        %lt3A_1159 = arith.constant 0 : i32
        %lt3A_1160 = arith.cmpi slt, %select_n3A_1153, %lt3A_1159 : i32
        %ne3A_1161 = arith.xori %lt3A_1158, %lt3A_1160 : i1
        %and3A_1162 = arith.andi %ne3A_1161, %ne3A_1156 : i1
        %add3A_1163 = arith.addi %rem3A_1154, %select_n3A_1153 : i32
        %select_n3A_1164 = arith.select %and3A_1162, %add3A_1163, %rem3A_1154 : i32
        %dma_start3A_1165 = arith.constant 0 : i32
        %dma_start3A_1166 = arith.constant 0 : i32
        %dma_start3A_1167 = tpu.memref_slice %arg13[%select_n3A_1164, %dma_start3A_1165, %dma_start3A_1166] : memref<2x50x40xi32, #tpu.memory_space<vmem>> -> memref<1x50x40xi32, #tpu.memory_space<vmem>>
        %dma_start3A_1168 = tpu.memref_squeeze %dma_start3A_1167 : memref<1x50x40xi32, #tpu.memory_space<vmem>> -> memref<50x40xi32, #tpu.memory_space<vmem>>
        %dma_start3A_1169 = arith.constant 0 : i32
        %dma_start3A_1170 = tpu.memref_slice %arg4[%add3A, %mul3A_1148, %dma_start3A_1169] : memref<32x250x40xi32, #tpu.memory_space<hbm>> -> memref<1x50x40xi32, #tpu.memory_space<hbm>>
        %dma_start3A_1171 = tpu.memref_squeeze %dma_start3A_1170 : memref<1x50x40xi32, #tpu.memory_space<hbm>> -> memref<50x40xi32, #tpu.memory_space<hbm>>
        %dma_start3A_1172 = arith.constant 0 : i32
        %dma_start3A_1173 = arith.constant 0 : i32
        %dma_start3A_1174 = tpu.memref_slice %arg13[%select_n3A_1164, %dma_start3A_1172, %dma_start3A_1173] : memref<2x50x40xi32, #tpu.memory_space<vmem>> -> memref<1x50x40xi32, #tpu.memory_space<vmem>>
        %dma_start3A_1175 = tpu.memref_squeeze %dma_start3A_1174 : memref<1x50x40xi32, #tpu.memory_space<vmem>> -> memref<50x40xi32, #tpu.memory_space<vmem>>
        %dma_start3A_1176 = arith.constant 0 : i32
        %dma_start3A_1177 = tpu.memref_slice %arg4[%add3A, %mul3A_1148, %dma_start3A_1176] : memref<32x250x40xi32, #tpu.memory_space<hbm>> -> memref<1x50x40xi32, #tpu.memory_space<hbm>>
        %dma_start3A_1178 = tpu.memref_squeeze %dma_start3A_1177 : memref<1x50x40xi32, #tpu.memory_space<hbm>> -> memref<50x40xi32, #tpu.memory_space<hbm>>
        tpu.enqueue_dma source(%dma_start3A_1178 : memref<50x40xi32, #tpu.memory_space<hbm>>) target(%dma_start3A_1175 : memref<50x40xi32, #tpu.memory_space<vmem>>) target_semaphore(%arg22 : memref<!tpu.dma_semaphore, #tpu.memory_space<semaphore_mem>>)
      } else {
      }
      %eq3A_724 = arith.constant 45 : i32
      %eq3A_725 = arith.cmpi eq, %select_n3A_708, %eq3A_724 : i32
      %lt3A_726 = arith.constant 200 : i32
      %lt3A_727 = arith.cmpi slt, %add3A_616, %lt3A_726 : i32
      %and3A_728 = arith.andi %eq3A_725, %lt3A_727 : i1
      %convert_element_type3A_729 = arith.extui %and3A_728 : i1 to i32
      %cond3A_730 = arith.constant 0 : i32
      %cond3A_731 = arith.cmpi ne, %convert_element_type3A_729, %cond3A_730 : i32
      scf.if %cond3A_731 {
        %dma_wait3A_1089 = arith.constant 0 : i32
        %dma_wait3A_1090 = arith.constant 0 : i32
        %dma_wait3A_1091 = arith.constant 0 : i32
        %dma_wait3A_1092 = tpu.memref_slice %arg12[%dma_wait3A_1089, %dma_wait3A_1090, %dma_wait3A_1091] : memref<2x50x40xi32, #tpu.memory_space<vmem>> -> memref<1x50x40xi32, #tpu.memory_space<vmem>>
        %dma_wait3A_1093 = tpu.memref_squeeze %dma_wait3A_1092 : memref<1x50x40xi32, #tpu.memory_space<vmem>> -> memref<50x40xi32, #tpu.memory_space<vmem>>
        %dma_wait3A_1094 = arith.constant 0 : i32
        %dma_wait3A_1095 = arith.constant 0 : i32
        %dma_wait3A_1096 = tpu.memref_slice %arg3[%add3A, %dma_wait3A_1094, %dma_wait3A_1095] : memref<32x250x40xi32, #tpu.memory_space<hbm>> -> memref<1x50x40xi32, #tpu.memory_space<hbm>>
        %dma_wait3A_1097 = tpu.memref_squeeze %dma_wait3A_1096 : memref<1x50x40xi32, #tpu.memory_space<hbm>> -> memref<50x40xi32, #tpu.memory_space<hbm>>
        %dma_wait3A_1098 = arith.constant 0 : i32
        %dma_wait3A_1099 = arith.constant 0 : i32
        %dma_wait3A_1100 = tpu.memref_slice %arg12[%dma_wait3A_1089, %dma_wait3A_1098, %dma_wait3A_1099] : memref<2x50x40xi32, #tpu.memory_space<vmem>> -> memref<1x50x40xi32, #tpu.memory_space<vmem>>
        %dma_wait3A_1101 = tpu.memref_squeeze %dma_wait3A_1100 : memref<1x50x40xi32, #tpu.memory_space<vmem>> -> memref<50x40xi32, #tpu.memory_space<vmem>>
        %dma_wait3A_1102 = arith.constant 0 : i32
        %dma_wait3A_1103 = arith.constant 0 : i32
        %dma_wait3A_1104 = tpu.memref_slice %arg3[%add3A, %dma_wait3A_1102, %dma_wait3A_1103] : memref<32x250x40xi32, #tpu.memory_space<hbm>> -> memref<1x50x40xi32, #tpu.memory_space<hbm>>
        %dma_wait3A_1105 = tpu.memref_squeeze %dma_wait3A_1104 : memref<1x50x40xi32, #tpu.memory_space<hbm>> -> memref<50x40xi32, #tpu.memory_space<hbm>>
        tpu.wait_dma2 semaphore(%arg21 : memref<!tpu.dma_semaphore, #tpu.memory_space<semaphore_mem>>) src(%dma_wait3A_1105 : memref<50x40xi32, #tpu.memory_space<hbm>>) dst(%dma_wait3A_1101 : memref<50x40xi32, #tpu.memory_space<vmem>>)
        %dma_wait3A_1106 = arith.constant 0 : i32
        %dma_wait3A_1107 = arith.constant 0 : i32
        %dma_wait3A_1108 = arith.constant 0 : i32
        %dma_wait3A_1109 = tpu.memref_slice %arg13[%dma_wait3A_1106, %dma_wait3A_1107, %dma_wait3A_1108] : memref<2x50x40xi32, #tpu.memory_space<vmem>> -> memref<1x50x40xi32, #tpu.memory_space<vmem>>
        %dma_wait3A_1110 = tpu.memref_squeeze %dma_wait3A_1109 : memref<1x50x40xi32, #tpu.memory_space<vmem>> -> memref<50x40xi32, #tpu.memory_space<vmem>>
        %dma_wait3A_1111 = arith.constant 0 : i32
        %dma_wait3A_1112 = arith.constant 0 : i32
        %dma_wait3A_1113 = tpu.memref_slice %arg4[%add3A, %dma_wait3A_1111, %dma_wait3A_1112] : memref<32x250x40xi32, #tpu.memory_space<hbm>> -> memref<1x50x40xi32, #tpu.memory_space<hbm>>
        %dma_wait3A_1114 = tpu.memref_squeeze %dma_wait3A_1113 : memref<1x50x40xi32, #tpu.memory_space<hbm>> -> memref<50x40xi32, #tpu.memory_space<hbm>>
        %dma_wait3A_1115 = arith.constant 0 : i32
        %dma_wait3A_1116 = arith.constant 0 : i32
        %dma_wait3A_1117 = tpu.memref_slice %arg13[%dma_wait3A_1106, %dma_wait3A_1115, %dma_wait3A_1116] : memref<2x50x40xi32, #tpu.memory_space<vmem>> -> memref<1x50x40xi32, #tpu.memory_space<vmem>>
        %dma_wait3A_1118 = tpu.memref_squeeze %dma_wait3A_1117 : memref<1x50x40xi32, #tpu.memory_space<vmem>> -> memref<50x40xi32, #tpu.memory_space<vmem>>
        %dma_wait3A_1119 = arith.constant 0 : i32
        %dma_wait3A_1120 = arith.constant 0 : i32
        %dma_wait3A_1121 = tpu.memref_slice %arg4[%add3A, %dma_wait3A_1119, %dma_wait3A_1120] : memref<32x250x40xi32, #tpu.memory_space<hbm>> -> memref<1x50x40xi32, #tpu.memory_space<hbm>>
        %dma_wait3A_1122 = tpu.memref_squeeze %dma_wait3A_1121 : memref<1x50x40xi32, #tpu.memory_space<hbm>> -> memref<50x40xi32, #tpu.memory_space<hbm>>
        tpu.wait_dma2 semaphore(%arg22 : memref<!tpu.dma_semaphore, #tpu.memory_space<semaphore_mem>>) src(%dma_wait3A_1122 : memref<50x40xi32, #tpu.memory_space<hbm>>) dst(%dma_wait3A_1118 : memref<50x40xi32, #tpu.memory_space<vmem>>)
      } else {
      }
      %mul3A_732 = arith.constant 6 : i32
      %mul3A_733 = arith.muli %mul3A_732, %scan3A_386 : i32
      %add3A_734 = arith.constant 3 : i32
      %add3A_735 = arith.addi %mul3A_733, %add3A_734 : i32
      %dma_wait3A_736 = arith.constant 0 : i32
      %dma_wait3A_737 = arith.constant 0 : i32
      %dma_wait3A_738 = arith.constant 0 : i32
      %dma_wait3A_739 = tpu.memref_slice %arg12[%dma_wait3A_736, %dma_wait3A_737, %dma_wait3A_738] : memref<2x50x40xi32, #tpu.memory_space<vmem>> -> memref<1x1x40xi32, #tpu.memory_space<vmem>>
      %dma_wait3A_740 = tpu.memref_squeeze %dma_wait3A_739 : memref<1x1x40xi32, #tpu.memory_space<vmem>> -> memref<40xi32, #tpu.memory_space<vmem>>
      %dma_wait3A_741 = arith.constant 0 : i32
      %dma_wait3A_742 = arith.constant 0 : i32
      %dma_wait3A_743 = tpu.memref_slice %arg2[%dma_wait3A_741, %dma_wait3A_742] : memref<10000x128xf32, #tpu.memory_space<hbm>> -> memref<10000x128xf32, #tpu.memory_space<hbm>>
      tpu.wait_indirect_dma semaphore(%arg26 : memref<!tpu.dma_semaphore, #tpu.memory_space<semaphore_mem>>) src(%dma_wait3A_743 : memref<10000x128xf32, #tpu.memory_space<hbm>>) dst(%arg17 : memref<40x128xf32, #tpu.memory_space<vmem>>)
      %jit3A_744 = arith.constant 50 : i32
      %div3A_745 = arith.divsi %add3A_735, %jit3A_744 : i32
      %sign3A_746 = arith.constant 0 : i32
      %sign3A_747 = arith.cmpi sgt, %add3A_735, %sign3A_746 : i32
      %sign3A_748 = arith.extui %sign3A_747 : i1 to i32
      %sign3A_749 = arith.constant 0 : i32
      %sign3A_750 = arith.cmpi slt, %add3A_735, %sign3A_749 : i32
      %sign3A_751 = arith.extui %sign3A_750 : i1 to i32
      %sign3A_752 = arith.subi %sign3A_748, %sign3A_751 : i32
      %sign3A_753 = arith.constant 0 : i32
      %sign3A_754 = arith.cmpi sgt, %jit3A_744, %sign3A_753 : i32
      %sign3A_755 = arith.extui %sign3A_754 : i1 to i32
      %sign3A_756 = arith.constant 0 : i32
      %sign3A_757 = arith.cmpi slt, %jit3A_744, %sign3A_756 : i32
      %sign3A_758 = arith.extui %sign3A_757 : i1 to i32
      %sign3A_759 = arith.subi %sign3A_755, %sign3A_758 : i32
      %ne3A_760 = arith.cmpi ne, %sign3A_752, %sign3A_759 : i32
      %rem3A_761 = arith.remsi %add3A_735, %jit3A_744 : i32
      %ne3A_762 = arith.constant 0 : i32
      %ne3A_763 = arith.cmpi ne, %rem3A_761, %ne3A_762 : i32
      %and3A_764 = arith.andi %ne3A_760, %ne3A_763 : i1
      %sub3A_765 = arith.constant 1 : i32
      %sub3A_766 = arith.subi %div3A_745, %sub3A_765 : i32
      %select_n3A_767 = arith.select %and3A_764, %sub3A_766, %div3A_745 : i32
      %jit3A_768 = arith.constant 2 : i32
      %eq3A_769 = arith.constant 0 : i32
      %eq3A_770 = arith.cmpi eq, %jit3A_768, %eq3A_769 : i32
      %jit3A_771 = arith.constant 1 : i32
      %select_n3A_772 = arith.select %eq3A_770, %jit3A_771, %jit3A_768 : i32
      %rem3A_773 = arith.remsi %select_n3A_767, %select_n3A_772 : i32
      %ne3A_774 = arith.constant 0 : i32
      %ne3A_775 = arith.cmpi ne, %rem3A_773, %ne3A_774 : i32
      %lt3A_776 = arith.constant 0 : i32
      %lt3A_777 = arith.cmpi slt, %rem3A_773, %lt3A_776 : i32
      %lt3A_778 = arith.constant 0 : i32
      %lt3A_779 = arith.cmpi slt, %select_n3A_772, %lt3A_778 : i32
      %ne3A_780 = arith.xori %lt3A_777, %lt3A_779 : i1
      %and3A_781 = arith.andi %ne3A_780, %ne3A_775 : i1
      %add3A_782 = arith.addi %rem3A_773, %select_n3A_772 : i32
      %select_n3A_783 = arith.select %and3A_781, %add3A_782, %rem3A_773 : i32
      %jit3A_784 = arith.constant 50 : i32
      %eq3A_785 = arith.constant 0 : i32
      %eq3A_786 = arith.cmpi eq, %jit3A_784, %eq3A_785 : i32
      %jit3A_787 = arith.constant 1 : i32
      %select_n3A_788 = arith.select %eq3A_786, %jit3A_787, %jit3A_784 : i32
      %rem3A_789 = arith.remsi %add3A_735, %select_n3A_788 : i32
      %ne3A_790 = arith.constant 0 : i32
      %ne3A_791 = arith.cmpi ne, %rem3A_789, %ne3A_790 : i32
      %lt3A_792 = arith.constant 0 : i32
      %lt3A_793 = arith.cmpi slt, %rem3A_789, %lt3A_792 : i32
      %lt3A_794 = arith.constant 0 : i32
      %lt3A_795 = arith.cmpi slt, %select_n3A_788, %lt3A_794 : i32
      %ne3A_796 = arith.xori %lt3A_793, %lt3A_795 : i1
      %and3A_797 = arith.andi %ne3A_796, %ne3A_791 : i1
      %add3A_798 = arith.addi %rem3A_789, %select_n3A_788 : i32
      %select_n3A_799 = arith.select %and3A_797, %add3A_798, %rem3A_789 : i32
      %dma_start3A_800 = arith.constant 0 : i32
      %dma_start3A_801 = tpu.memref_slice %arg13[%select_n3A_783, %select_n3A_799, %dma_start3A_800] : memref<2x50x40xi32, #tpu.memory_space<vmem>> -> memref<1x1x40xi32, #tpu.memory_space<vmem>>
      %dma_start3A_802 = tpu.memref_squeeze %dma_start3A_801 : memref<1x1x40xi32, #tpu.memory_space<vmem>> -> memref<40xi32, #tpu.memory_space<vmem>>
      %dma_start3A_803 = arith.constant 0 : i32
      %dma_start3A_804 = arith.constant 0 : i32
      %dma_start3A_805 = tpu.memref_slice %arg10[%dma_start3A_803, %dma_start3A_804] : memref<10112x128xf32, #tpu.memory_space<vmem_shared>> -> memref<10112x128xf32, #tpu.memory_space<vmem_shared>>
      tpu.enqueue_indirect_dma source(%arg17 : memref<40x128xf32, #tpu.memory_space<vmem>>) target(%dma_start3A_805 : memref<10112x128xf32, #tpu.memory_space<vmem_shared>>) offsets(%dma_start3A_802 : memref<40xi32, #tpu.memory_space<vmem>>) semaphore(%arg32 : memref<!tpu.dma_semaphore, #tpu.memory_space<semaphore_mem>>) {add = true}
      %dma_start3A_806 = arith.constant 0 : i32
      %dma_start3A_807 = tpu.memref_slice %arg13[%select_n3A_783, %select_n3A_799, %dma_start3A_806] : memref<2x50x40xi32, #tpu.memory_space<vmem>> -> memref<1x1x40xi32, #tpu.memory_space<vmem>>
      %dma_start3A_808 = tpu.memref_squeeze %dma_start3A_807 : memref<1x1x40xi32, #tpu.memory_space<vmem>> -> memref<40xi32, #tpu.memory_space<vmem>>
      %dma_start3A_809 = arith.constant 0 : i32
      %dma_start3A_810 = arith.constant 0 : i32
      %dma_start3A_811 = tpu.memref_slice %arg11[%dma_start3A_809, %dma_start3A_810] : memref<10112x16xf32, #tpu.memory_space<vmem_shared>> -> memref<10112x16xf32, #tpu.memory_space<vmem_shared>>
      tpu.enqueue_indirect_dma source(%arg20 : memref<40x16xf32, #tpu.memory_space<vmem>>) target(%dma_start3A_811 : memref<10112x16xf32, #tpu.memory_space<vmem_shared>>) offsets(%dma_start3A_808 : memref<40xi32, #tpu.memory_space<vmem>>) semaphore(%arg32 : memref<!tpu.dma_semaphore, #tpu.memory_space<semaphore_mem>>) {add = true}
      %jit3A_812 = arith.constant 50 : i32
      %eq3A_813 = arith.constant 0 : i32
      %eq3A_814 = arith.cmpi eq, %jit3A_812, %eq3A_813 : i32
      %jit3A_815 = arith.constant 1 : i32
      %select_n3A_816 = arith.select %eq3A_814, %jit3A_815, %jit3A_812 : i32
      %rem3A_817 = arith.remsi %add3A_735, %select_n3A_816 : i32
      %ne3A_818 = arith.constant 0 : i32
      %ne3A_819 = arith.cmpi ne, %rem3A_817, %ne3A_818 : i32
      %lt3A_820 = arith.constant 0 : i32
      %lt3A_821 = arith.cmpi slt, %rem3A_817, %lt3A_820 : i32
      %lt3A_822 = arith.constant 0 : i32
      %lt3A_823 = arith.cmpi slt, %select_n3A_816, %lt3A_822 : i32
      %ne3A_824 = arith.xori %lt3A_821, %lt3A_823 : i1
      %and3A_825 = arith.andi %ne3A_824, %ne3A_819 : i1
      %add3A_826 = arith.addi %rem3A_817, %select_n3A_816 : i32
      %select_n3A_827 = arith.select %and3A_825, %add3A_826, %rem3A_817 : i32
      %add3A_828 = arith.constant 4 : i32
      %add3A_829 = arith.addi %add3A_735, %add3A_828 : i32
      %lt3A_830 = arith.constant 250 : i32
      %lt3A_831 = arith.cmpi slt, %add3A_829, %lt3A_830 : i32
      %convert_element_type3A_832 = arith.extui %lt3A_831 : i1 to i32
      %cond3A_833 = arith.constant 0 : i32
      %cond3A_834 = arith.cmpi ne, %convert_element_type3A_832, %cond3A_833 : i32
      scf.if %cond3A_834 {
        %ge3A = arith.constant 2 : i32
        %ge3A_1089 = arith.cmpi sge, %add3A_735, %ge3A : i32
        %convert_element_type3A_1090 = arith.extui %ge3A_1089 : i1 to i32
        %cond3A_1091 = arith.constant 0 : i32
        %cond3A_1092 = arith.cmpi ne, %convert_element_type3A_1090, %cond3A_1091 : i32
        scf.if %cond3A_1092 {
          %dma_wait3A_1157 = arith.constant 0 : i32
          %dma_wait3A_1158 = arith.constant 0 : i32
          %dma_wait3A_1159 = arith.constant 0 : i32
          %dma_wait3A_1160 = tpu.memref_slice %arg13[%dma_wait3A_1157, %dma_wait3A_1158, %dma_wait3A_1159] : memref<2x50x40xi32, #tpu.memory_space<vmem>> -> memref<1x1x40xi32, #tpu.memory_space<vmem>>
          %dma_wait3A_1161 = tpu.memref_squeeze %dma_wait3A_1160 : memref<1x1x40xi32, #tpu.memory_space<vmem>> -> memref<40xi32, #tpu.memory_space<vmem>>
          %dma_wait3A_1162 = arith.constant 0 : i32
          %dma_wait3A_1163 = arith.constant 0 : i32
          %dma_wait3A_1164 = tpu.memref_slice %arg10[%dma_wait3A_1162, %dma_wait3A_1163] : memref<10112x128xf32, #tpu.memory_space<vmem_shared>> -> memref<10112x128xf32, #tpu.memory_space<vmem_shared>>
          tpu.wait_indirect_dma semaphore(%arg30 : memref<!tpu.dma_semaphore, #tpu.memory_space<semaphore_mem>>) src(%arg15 : memref<40x128xf32, #tpu.memory_space<vmem>>) dst(%dma_wait3A_1164 : memref<10112x128xf32, #tpu.memory_space<vmem_shared>>)
          %dma_wait3A_1165 = arith.constant 0 : i32
          %dma_wait3A_1166 = arith.constant 0 : i32
          %dma_wait3A_1167 = arith.constant 0 : i32
          %dma_wait3A_1168 = tpu.memref_slice %arg13[%dma_wait3A_1165, %dma_wait3A_1166, %dma_wait3A_1167] : memref<2x50x40xi32, #tpu.memory_space<vmem>> -> memref<1x1x40xi32, #tpu.memory_space<vmem>>
          %dma_wait3A_1169 = tpu.memref_squeeze %dma_wait3A_1168 : memref<1x1x40xi32, #tpu.memory_space<vmem>> -> memref<40xi32, #tpu.memory_space<vmem>>
          %dma_wait3A_1170 = arith.constant 0 : i32
          %dma_wait3A_1171 = arith.constant 0 : i32
          %dma_wait3A_1172 = tpu.memref_slice %arg11[%dma_wait3A_1170, %dma_wait3A_1171] : memref<10112x16xf32, #tpu.memory_space<vmem_shared>> -> memref<10112x16xf32, #tpu.memory_space<vmem_shared>>
          tpu.wait_indirect_dma semaphore(%arg30 : memref<!tpu.dma_semaphore, #tpu.memory_space<semaphore_mem>>) src(%arg20 : memref<40x16xf32, #tpu.memory_space<vmem>>) dst(%dma_wait3A_1172 : memref<10112x16xf32, #tpu.memory_space<vmem_shared>>)
        } else {
        }
        %add3A_1093 = arith.constant 4 : i32
        %add3A_1094 = arith.addi %add3A_735, %add3A_1093 : i32
        %jit3A_1095 = arith.constant 50 : i32
        %div3A_1096 = arith.divsi %add3A_1094, %jit3A_1095 : i32
        %sign3A_1097 = arith.constant 0 : i32
        %sign3A_1098 = arith.cmpi sgt, %add3A_1094, %sign3A_1097 : i32
        %sign3A_1099 = arith.extui %sign3A_1098 : i1 to i32
        %sign3A_1100 = arith.constant 0 : i32
        %sign3A_1101 = arith.cmpi slt, %add3A_1094, %sign3A_1100 : i32
        %sign3A_1102 = arith.extui %sign3A_1101 : i1 to i32
        %sign3A_1103 = arith.subi %sign3A_1099, %sign3A_1102 : i32
        %sign3A_1104 = arith.constant 0 : i32
        %sign3A_1105 = arith.cmpi sgt, %jit3A_1095, %sign3A_1104 : i32
        %sign3A_1106 = arith.extui %sign3A_1105 : i1 to i32
        %sign3A_1107 = arith.constant 0 : i32
        %sign3A_1108 = arith.cmpi slt, %jit3A_1095, %sign3A_1107 : i32
        %sign3A_1109 = arith.extui %sign3A_1108 : i1 to i32
        %sign3A_1110 = arith.subi %sign3A_1106, %sign3A_1109 : i32
        %ne3A_1111 = arith.cmpi ne, %sign3A_1103, %sign3A_1110 : i32
        %rem3A_1112 = arith.remsi %add3A_1094, %jit3A_1095 : i32
        %ne3A_1113 = arith.constant 0 : i32
        %ne3A_1114 = arith.cmpi ne, %rem3A_1112, %ne3A_1113 : i32
        %and3A_1115 = arith.andi %ne3A_1111, %ne3A_1114 : i1
        %sub3A_1116 = arith.constant 1 : i32
        %sub3A_1117 = arith.subi %div3A_1096, %sub3A_1116 : i32
        %select_n3A_1118 = arith.select %and3A_1115, %sub3A_1117, %div3A_1096 : i32
        %jit3A_1119 = arith.constant 2 : i32
        %eq3A_1120 = arith.constant 0 : i32
        %eq3A_1121 = arith.cmpi eq, %jit3A_1119, %eq3A_1120 : i32
        %jit3A_1122 = arith.constant 1 : i32
        %select_n3A_1123 = arith.select %eq3A_1121, %jit3A_1122, %jit3A_1119 : i32
        %rem3A_1124 = arith.remsi %select_n3A_1118, %select_n3A_1123 : i32
        %ne3A_1125 = arith.constant 0 : i32
        %ne3A_1126 = arith.cmpi ne, %rem3A_1124, %ne3A_1125 : i32
        %lt3A_1127 = arith.constant 0 : i32
        %lt3A_1128 = arith.cmpi slt, %rem3A_1124, %lt3A_1127 : i32
        %lt3A_1129 = arith.constant 0 : i32
        %lt3A_1130 = arith.cmpi slt, %select_n3A_1123, %lt3A_1129 : i32
        %ne3A_1131 = arith.xori %lt3A_1128, %lt3A_1130 : i1
        %and3A_1132 = arith.andi %ne3A_1131, %ne3A_1126 : i1
        %add3A_1133 = arith.addi %rem3A_1124, %select_n3A_1123 : i32
        %select_n3A_1134 = arith.select %and3A_1132, %add3A_1133, %rem3A_1124 : i32
        %jit3A_1135 = arith.constant 50 : i32
        %eq3A_1136 = arith.constant 0 : i32
        %eq3A_1137 = arith.cmpi eq, %jit3A_1135, %eq3A_1136 : i32
        %jit3A_1138 = arith.constant 1 : i32
        %select_n3A_1139 = arith.select %eq3A_1137, %jit3A_1138, %jit3A_1135 : i32
        %rem3A_1140 = arith.remsi %add3A_1094, %select_n3A_1139 : i32
        %ne3A_1141 = arith.constant 0 : i32
        %ne3A_1142 = arith.cmpi ne, %rem3A_1140, %ne3A_1141 : i32
        %lt3A_1143 = arith.constant 0 : i32
        %lt3A_1144 = arith.cmpi slt, %rem3A_1140, %lt3A_1143 : i32
        %lt3A_1145 = arith.constant 0 : i32
        %lt3A_1146 = arith.cmpi slt, %select_n3A_1139, %lt3A_1145 : i32
        %ne3A_1147 = arith.xori %lt3A_1144, %lt3A_1146 : i1
        %and3A_1148 = arith.andi %ne3A_1147, %ne3A_1142 : i1
        %add3A_1149 = arith.addi %rem3A_1140, %select_n3A_1139 : i32
        %select_n3A_1150 = arith.select %and3A_1148, %add3A_1149, %rem3A_1140 : i32
        %dma_start3A_1151 = arith.constant 0 : i32
        %dma_start3A_1152 = tpu.memref_slice %arg12[%select_n3A_1134, %select_n3A_1150, %dma_start3A_1151] : memref<2x50x40xi32, #tpu.memory_space<vmem>> -> memref<1x1x40xi32, #tpu.memory_space<vmem>>
        %dma_start3A_1153 = tpu.memref_squeeze %dma_start3A_1152 : memref<1x1x40xi32, #tpu.memory_space<vmem>> -> memref<40xi32, #tpu.memory_space<vmem>>
        %dma_start3A_1154 = arith.constant 0 : i32
        %dma_start3A_1155 = arith.constant 0 : i32
        %dma_start3A_1156 = tpu.memref_slice %arg2[%dma_start3A_1154, %dma_start3A_1155] : memref<10000x128xf32, #tpu.memory_space<hbm>> -> memref<10000x128xf32, #tpu.memory_space<hbm>>
        tpu.enqueue_indirect_dma source(%dma_start3A_1156 : memref<10000x128xf32, #tpu.memory_space<hbm>>) target(%arg15 : memref<40x128xf32, #tpu.memory_space<vmem>>) offsets(%dma_start3A_1153 : memref<40xi32, #tpu.memory_space<vmem>>) semaphore(%arg24 : memref<!tpu.dma_semaphore, #tpu.memory_space<semaphore_mem>>)
      } else {
      }
      %eq3A_835 = arith.constant 30 : i32
      %eq3A_836 = arith.cmpi eq, %select_n3A_827, %eq3A_835 : i32
      %lt3A_837 = arith.constant 200 : i32
      %lt3A_838 = arith.cmpi slt, %add3A_735, %lt3A_837 : i32
      %and3A_839 = arith.andi %eq3A_836, %lt3A_838 : i1
      %convert_element_type3A_840 = arith.extui %and3A_839 : i1 to i32
      %cond3A_841 = arith.constant 0 : i32
      %cond3A_842 = arith.cmpi ne, %convert_element_type3A_840, %cond3A_841 : i32
      scf.if %cond3A_842 {
        %jit3A_1089 = arith.constant 50 : i32
        %div3A_1090 = arith.divsi %add3A_735, %jit3A_1089 : i32
        %sign3A_1091 = arith.constant 0 : i32
        %sign3A_1092 = arith.cmpi sgt, %add3A_735, %sign3A_1091 : i32
        %sign3A_1093 = arith.extui %sign3A_1092 : i1 to i32
        %sign3A_1094 = arith.constant 0 : i32
        %sign3A_1095 = arith.cmpi slt, %add3A_735, %sign3A_1094 : i32
        %sign3A_1096 = arith.extui %sign3A_1095 : i1 to i32
        %sign3A_1097 = arith.subi %sign3A_1093, %sign3A_1096 : i32
        %sign3A_1098 = arith.constant 0 : i32
        %sign3A_1099 = arith.cmpi sgt, %jit3A_1089, %sign3A_1098 : i32
        %sign3A_1100 = arith.extui %sign3A_1099 : i1 to i32
        %sign3A_1101 = arith.constant 0 : i32
        %sign3A_1102 = arith.cmpi slt, %jit3A_1089, %sign3A_1101 : i32
        %sign3A_1103 = arith.extui %sign3A_1102 : i1 to i32
        %sign3A_1104 = arith.subi %sign3A_1100, %sign3A_1103 : i32
        %ne3A_1105 = arith.cmpi ne, %sign3A_1097, %sign3A_1104 : i32
        %rem3A_1106 = arith.remsi %add3A_735, %jit3A_1089 : i32
        %ne3A_1107 = arith.constant 0 : i32
        %ne3A_1108 = arith.cmpi ne, %rem3A_1106, %ne3A_1107 : i32
        %and3A_1109 = arith.andi %ne3A_1105, %ne3A_1108 : i1
        %sub3A_1110 = arith.constant 1 : i32
        %sub3A_1111 = arith.subi %div3A_1090, %sub3A_1110 : i32
        %select_n3A_1112 = arith.select %and3A_1109, %sub3A_1111, %div3A_1090 : i32
        %add3A_1113 = arith.constant 1 : i32
        %add3A_1114 = arith.addi %select_n3A_1112, %add3A_1113 : i32
        %mul3A_1115 = arith.constant 50 : i32
        %mul3A_1116 = arith.muli %add3A_1114, %mul3A_1115 : i32
        %jit3A_1117 = arith.constant 2 : i32
        %eq3A_1118 = arith.constant 0 : i32
        %eq3A_1119 = arith.cmpi eq, %jit3A_1117, %eq3A_1118 : i32
        %jit3A_1120 = arith.constant 1 : i32
        %select_n3A_1121 = arith.select %eq3A_1119, %jit3A_1120, %jit3A_1117 : i32
        %rem3A_1122 = arith.remsi %add3A_1114, %select_n3A_1121 : i32
        %ne3A_1123 = arith.constant 0 : i32
        %ne3A_1124 = arith.cmpi ne, %rem3A_1122, %ne3A_1123 : i32
        %lt3A_1125 = arith.constant 0 : i32
        %lt3A_1126 = arith.cmpi slt, %rem3A_1122, %lt3A_1125 : i32
        %lt3A_1127 = arith.constant 0 : i32
        %lt3A_1128 = arith.cmpi slt, %select_n3A_1121, %lt3A_1127 : i32
        %ne3A_1129 = arith.xori %lt3A_1126, %lt3A_1128 : i1
        %and3A_1130 = arith.andi %ne3A_1129, %ne3A_1124 : i1
        %add3A_1131 = arith.addi %rem3A_1122, %select_n3A_1121 : i32
        %select_n3A_1132 = arith.select %and3A_1130, %add3A_1131, %rem3A_1122 : i32
        %dma_start3A_1133 = arith.constant 0 : i32
        %dma_start3A_1134 = arith.constant 0 : i32
        %dma_start3A_1135 = tpu.memref_slice %arg12[%select_n3A_1132, %dma_start3A_1133, %dma_start3A_1134] : memref<2x50x40xi32, #tpu.memory_space<vmem>> -> memref<1x50x40xi32, #tpu.memory_space<vmem>>
        %dma_start3A_1136 = tpu.memref_squeeze %dma_start3A_1135 : memref<1x50x40xi32, #tpu.memory_space<vmem>> -> memref<50x40xi32, #tpu.memory_space<vmem>>
        %dma_start3A_1137 = arith.constant 0 : i32
        %dma_start3A_1138 = tpu.memref_slice %arg3[%add3A, %mul3A_1116, %dma_start3A_1137] : memref<32x250x40xi32, #tpu.memory_space<hbm>> -> memref<1x50x40xi32, #tpu.memory_space<hbm>>
        %dma_start3A_1139 = tpu.memref_squeeze %dma_start3A_1138 : memref<1x50x40xi32, #tpu.memory_space<hbm>> -> memref<50x40xi32, #tpu.memory_space<hbm>>
        %dma_start3A_1140 = arith.constant 0 : i32
        %dma_start3A_1141 = arith.constant 0 : i32
        %dma_start3A_1142 = tpu.memref_slice %arg12[%select_n3A_1132, %dma_start3A_1140, %dma_start3A_1141] : memref<2x50x40xi32, #tpu.memory_space<vmem>> -> memref<1x50x40xi32, #tpu.memory_space<vmem>>
        %dma_start3A_1143 = tpu.memref_squeeze %dma_start3A_1142 : memref<1x50x40xi32, #tpu.memory_space<vmem>> -> memref<50x40xi32, #tpu.memory_space<vmem>>
        %dma_start3A_1144 = arith.constant 0 : i32
        %dma_start3A_1145 = tpu.memref_slice %arg3[%add3A, %mul3A_1116, %dma_start3A_1144] : memref<32x250x40xi32, #tpu.memory_space<hbm>> -> memref<1x50x40xi32, #tpu.memory_space<hbm>>
        %dma_start3A_1146 = tpu.memref_squeeze %dma_start3A_1145 : memref<1x50x40xi32, #tpu.memory_space<hbm>> -> memref<50x40xi32, #tpu.memory_space<hbm>>
        tpu.enqueue_dma source(%dma_start3A_1146 : memref<50x40xi32, #tpu.memory_space<hbm>>) target(%dma_start3A_1143 : memref<50x40xi32, #tpu.memory_space<vmem>>) target_semaphore(%arg21 : memref<!tpu.dma_semaphore, #tpu.memory_space<semaphore_mem>>)
        %mul3A_1147 = arith.constant 50 : i32
        %mul3A_1148 = arith.muli %add3A_1114, %mul3A_1147 : i32
        %jit3A_1149 = arith.constant 2 : i32
        %eq3A_1150 = arith.constant 0 : i32
        %eq3A_1151 = arith.cmpi eq, %jit3A_1149, %eq3A_1150 : i32
        %jit3A_1152 = arith.constant 1 : i32
        %select_n3A_1153 = arith.select %eq3A_1151, %jit3A_1152, %jit3A_1149 : i32
        %rem3A_1154 = arith.remsi %add3A_1114, %select_n3A_1153 : i32
        %ne3A_1155 = arith.constant 0 : i32
        %ne3A_1156 = arith.cmpi ne, %rem3A_1154, %ne3A_1155 : i32
        %lt3A_1157 = arith.constant 0 : i32
        %lt3A_1158 = arith.cmpi slt, %rem3A_1154, %lt3A_1157 : i32
        %lt3A_1159 = arith.constant 0 : i32
        %lt3A_1160 = arith.cmpi slt, %select_n3A_1153, %lt3A_1159 : i32
        %ne3A_1161 = arith.xori %lt3A_1158, %lt3A_1160 : i1
        %and3A_1162 = arith.andi %ne3A_1161, %ne3A_1156 : i1
        %add3A_1163 = arith.addi %rem3A_1154, %select_n3A_1153 : i32
        %select_n3A_1164 = arith.select %and3A_1162, %add3A_1163, %rem3A_1154 : i32
        %dma_start3A_1165 = arith.constant 0 : i32
        %dma_start3A_1166 = arith.constant 0 : i32
        %dma_start3A_1167 = tpu.memref_slice %arg13[%select_n3A_1164, %dma_start3A_1165, %dma_start3A_1166] : memref<2x50x40xi32, #tpu.memory_space<vmem>> -> memref<1x50x40xi32, #tpu.memory_space<vmem>>
        %dma_start3A_1168 = tpu.memref_squeeze %dma_start3A_1167 : memref<1x50x40xi32, #tpu.memory_space<vmem>> -> memref<50x40xi32, #tpu.memory_space<vmem>>
        %dma_start3A_1169 = arith.constant 0 : i32
        %dma_start3A_1170 = tpu.memref_slice %arg4[%add3A, %mul3A_1148, %dma_start3A_1169] : memref<32x250x40xi32, #tpu.memory_space<hbm>> -> memref<1x50x40xi32, #tpu.memory_space<hbm>>
        %dma_start3A_1171 = tpu.memref_squeeze %dma_start3A_1170 : memref<1x50x40xi32, #tpu.memory_space<hbm>> -> memref<50x40xi32, #tpu.memory_space<hbm>>
        %dma_start3A_1172 = arith.constant 0 : i32
        %dma_start3A_1173 = arith.constant 0 : i32
        %dma_start3A_1174 = tpu.memref_slice %arg13[%select_n3A_1164, %dma_start3A_1172, %dma_start3A_1173] : memref<2x50x40xi32, #tpu.memory_space<vmem>> -> memref<1x50x40xi32, #tpu.memory_space<vmem>>
        %dma_start3A_1175 = tpu.memref_squeeze %dma_start3A_1174 : memref<1x50x40xi32, #tpu.memory_space<vmem>> -> memref<50x40xi32, #tpu.memory_space<vmem>>
        %dma_start3A_1176 = arith.constant 0 : i32
        %dma_start3A_1177 = tpu.memref_slice %arg4[%add3A, %mul3A_1148, %dma_start3A_1176] : memref<32x250x40xi32, #tpu.memory_space<hbm>> -> memref<1x50x40xi32, #tpu.memory_space<hbm>>
        %dma_start3A_1178 = tpu.memref_squeeze %dma_start3A_1177 : memref<1x50x40xi32, #tpu.memory_space<hbm>> -> memref<50x40xi32, #tpu.memory_space<hbm>>
        tpu.enqueue_dma source(%dma_start3A_1178 : memref<50x40xi32, #tpu.memory_space<hbm>>) target(%dma_start3A_1175 : memref<50x40xi32, #tpu.memory_space<vmem>>) target_semaphore(%arg22 : memref<!tpu.dma_semaphore, #tpu.memory_space<semaphore_mem>>)
      } else {
      }
      %eq3A_843 = arith.constant 45 : i32
      %eq3A_844 = arith.cmpi eq, %select_n3A_827, %eq3A_843 : i32
      %lt3A_845 = arith.constant 200 : i32
      %lt3A_846 = arith.cmpi slt, %add3A_735, %lt3A_845 : i32
      %and3A_847 = arith.andi %eq3A_844, %lt3A_846 : i1
      %convert_element_type3A_848 = arith.extui %and3A_847 : i1 to i32
      %cond3A_849 = arith.constant 0 : i32
      %cond3A_850 = arith.cmpi ne, %convert_element_type3A_848, %cond3A_849 : i32
      scf.if %cond3A_850 {
        %dma_wait3A_1089 = arith.constant 0 : i32
        %dma_wait3A_1090 = arith.constant 0 : i32
        %dma_wait3A_1091 = arith.constant 0 : i32
        %dma_wait3A_1092 = tpu.memref_slice %arg12[%dma_wait3A_1089, %dma_wait3A_1090, %dma_wait3A_1091] : memref<2x50x40xi32, #tpu.memory_space<vmem>> -> memref<1x50x40xi32, #tpu.memory_space<vmem>>
        %dma_wait3A_1093 = tpu.memref_squeeze %dma_wait3A_1092 : memref<1x50x40xi32, #tpu.memory_space<vmem>> -> memref<50x40xi32, #tpu.memory_space<vmem>>
        %dma_wait3A_1094 = arith.constant 0 : i32
        %dma_wait3A_1095 = arith.constant 0 : i32
        %dma_wait3A_1096 = tpu.memref_slice %arg3[%add3A, %dma_wait3A_1094, %dma_wait3A_1095] : memref<32x250x40xi32, #tpu.memory_space<hbm>> -> memref<1x50x40xi32, #tpu.memory_space<hbm>>
        %dma_wait3A_1097 = tpu.memref_squeeze %dma_wait3A_1096 : memref<1x50x40xi32, #tpu.memory_space<hbm>> -> memref<50x40xi32, #tpu.memory_space<hbm>>
        %dma_wait3A_1098 = arith.constant 0 : i32
        %dma_wait3A_1099 = arith.constant 0 : i32
        %dma_wait3A_1100 = tpu.memref_slice %arg12[%dma_wait3A_1089, %dma_wait3A_1098, %dma_wait3A_1099] : memref<2x50x40xi32, #tpu.memory_space<vmem>> -> memref<1x50x40xi32, #tpu.memory_space<vmem>>
        %dma_wait3A_1101 = tpu.memref_squeeze %dma_wait3A_1100 : memref<1x50x40xi32, #tpu.memory_space<vmem>> -> memref<50x40xi32, #tpu.memory_space<vmem>>
        %dma_wait3A_1102 = arith.constant 0 : i32
        %dma_wait3A_1103 = arith.constant 0 : i32
        %dma_wait3A_1104 = tpu.memref_slice %arg3[%add3A, %dma_wait3A_1102, %dma_wait3A_1103] : memref<32x250x40xi32, #tpu.memory_space<hbm>> -> memref<1x50x40xi32, #tpu.memory_space<hbm>>
        %dma_wait3A_1105 = tpu.memref_squeeze %dma_wait3A_1104 : memref<1x50x40xi32, #tpu.memory_space<hbm>> -> memref<50x40xi32, #tpu.memory_space<hbm>>
        tpu.wait_dma2 semaphore(%arg21 : memref<!tpu.dma_semaphore, #tpu.memory_space<semaphore_mem>>) src(%dma_wait3A_1105 : memref<50x40xi32, #tpu.memory_space<hbm>>) dst(%dma_wait3A_1101 : memref<50x40xi32, #tpu.memory_space<vmem>>)
        %dma_wait3A_1106 = arith.constant 0 : i32
        %dma_wait3A_1107 = arith.constant 0 : i32
        %dma_wait3A_1108 = arith.constant 0 : i32
        %dma_wait3A_1109 = tpu.memref_slice %arg13[%dma_wait3A_1106, %dma_wait3A_1107, %dma_wait3A_1108] : memref<2x50x40xi32, #tpu.memory_space<vmem>> -> memref<1x50x40xi32, #tpu.memory_space<vmem>>
        %dma_wait3A_1110 = tpu.memref_squeeze %dma_wait3A_1109 : memref<1x50x40xi32, #tpu.memory_space<vmem>> -> memref<50x40xi32, #tpu.memory_space<vmem>>
        %dma_wait3A_1111 = arith.constant 0 : i32
        %dma_wait3A_1112 = arith.constant 0 : i32
        %dma_wait3A_1113 = tpu.memref_slice %arg4[%add3A, %dma_wait3A_1111, %dma_wait3A_1112] : memref<32x250x40xi32, #tpu.memory_space<hbm>> -> memref<1x50x40xi32, #tpu.memory_space<hbm>>
        %dma_wait3A_1114 = tpu.memref_squeeze %dma_wait3A_1113 : memref<1x50x40xi32, #tpu.memory_space<hbm>> -> memref<50x40xi32, #tpu.memory_space<hbm>>
        %dma_wait3A_1115 = arith.constant 0 : i32
        %dma_wait3A_1116 = arith.constant 0 : i32
        %dma_wait3A_1117 = tpu.memref_slice %arg13[%dma_wait3A_1106, %dma_wait3A_1115, %dma_wait3A_1116] : memref<2x50x40xi32, #tpu.memory_space<vmem>> -> memref<1x50x40xi32, #tpu.memory_space<vmem>>
        %dma_wait3A_1118 = tpu.memref_squeeze %dma_wait3A_1117 : memref<1x50x40xi32, #tpu.memory_space<vmem>> -> memref<50x40xi32, #tpu.memory_space<vmem>>
        %dma_wait3A_1119 = arith.constant 0 : i32
        %dma_wait3A_1120 = arith.constant 0 : i32
        %dma_wait3A_1121 = tpu.memref_slice %arg4[%add3A, %dma_wait3A_1119, %dma_wait3A_1120] : memref<32x250x40xi32, #tpu.memory_space<hbm>> -> memref<1x50x40xi32, #tpu.memory_space<hbm>>
        %dma_wait3A_1122 = tpu.memref_squeeze %dma_wait3A_1121 : memref<1x50x40xi32, #tpu.memory_space<hbm>> -> memref<50x40xi32, #tpu.memory_space<hbm>>
        tpu.wait_dma2 semaphore(%arg22 : memref<!tpu.dma_semaphore, #tpu.memory_space<semaphore_mem>>) src(%dma_wait3A_1122 : memref<50x40xi32, #tpu.memory_space<hbm>>) dst(%dma_wait3A_1118 : memref<50x40xi32, #tpu.memory_space<vmem>>)
      } else {
      }
      %mul3A_851 = arith.constant 6 : i32
      %mul3A_852 = arith.muli %mul3A_851, %scan3A_386 : i32
      %add3A_853 = arith.constant 4 : i32
      %add3A_854 = arith.addi %mul3A_852, %add3A_853 : i32
      %dma_wait3A_855 = arith.constant 0 : i32
      %dma_wait3A_856 = arith.constant 0 : i32
      %dma_wait3A_857 = arith.constant 0 : i32
      %dma_wait3A_858 = tpu.memref_slice %arg12[%dma_wait3A_855, %dma_wait3A_856, %dma_wait3A_857] : memref<2x50x40xi32, #tpu.memory_space<vmem>> -> memref<1x1x40xi32, #tpu.memory_space<vmem>>
      %dma_wait3A_859 = tpu.memref_squeeze %dma_wait3A_858 : memref<1x1x40xi32, #tpu.memory_space<vmem>> -> memref<40xi32, #tpu.memory_space<vmem>>
      %dma_wait3A_860 = arith.constant 0 : i32
      %dma_wait3A_861 = arith.constant 0 : i32
      %dma_wait3A_862 = tpu.memref_slice %arg2[%dma_wait3A_860, %dma_wait3A_861] : memref<10000x128xf32, #tpu.memory_space<hbm>> -> memref<10000x128xf32, #tpu.memory_space<hbm>>
      tpu.wait_indirect_dma semaphore(%arg27 : memref<!tpu.dma_semaphore, #tpu.memory_space<semaphore_mem>>) src(%dma_wait3A_862 : memref<10000x128xf32, #tpu.memory_space<hbm>>) dst(%arg18 : memref<40x128xf32, #tpu.memory_space<vmem>>)
      %jit3A_863 = arith.constant 50 : i32
      %div3A_864 = arith.divsi %add3A_854, %jit3A_863 : i32
      %sign3A_865 = arith.constant 0 : i32
      %sign3A_866 = arith.cmpi sgt, %add3A_854, %sign3A_865 : i32
      %sign3A_867 = arith.extui %sign3A_866 : i1 to i32
      %sign3A_868 = arith.constant 0 : i32
      %sign3A_869 = arith.cmpi slt, %add3A_854, %sign3A_868 : i32
      %sign3A_870 = arith.extui %sign3A_869 : i1 to i32
      %sign3A_871 = arith.subi %sign3A_867, %sign3A_870 : i32
      %sign3A_872 = arith.constant 0 : i32
      %sign3A_873 = arith.cmpi sgt, %jit3A_863, %sign3A_872 : i32
      %sign3A_874 = arith.extui %sign3A_873 : i1 to i32
      %sign3A_875 = arith.constant 0 : i32
      %sign3A_876 = arith.cmpi slt, %jit3A_863, %sign3A_875 : i32
      %sign3A_877 = arith.extui %sign3A_876 : i1 to i32
      %sign3A_878 = arith.subi %sign3A_874, %sign3A_877 : i32
      %ne3A_879 = arith.cmpi ne, %sign3A_871, %sign3A_878 : i32
      %rem3A_880 = arith.remsi %add3A_854, %jit3A_863 : i32
      %ne3A_881 = arith.constant 0 : i32
      %ne3A_882 = arith.cmpi ne, %rem3A_880, %ne3A_881 : i32
      %and3A_883 = arith.andi %ne3A_879, %ne3A_882 : i1
      %sub3A_884 = arith.constant 1 : i32
      %sub3A_885 = arith.subi %div3A_864, %sub3A_884 : i32
      %select_n3A_886 = arith.select %and3A_883, %sub3A_885, %div3A_864 : i32
      %jit3A_887 = arith.constant 2 : i32
      %eq3A_888 = arith.constant 0 : i32
      %eq3A_889 = arith.cmpi eq, %jit3A_887, %eq3A_888 : i32
      %jit3A_890 = arith.constant 1 : i32
      %select_n3A_891 = arith.select %eq3A_889, %jit3A_890, %jit3A_887 : i32
      %rem3A_892 = arith.remsi %select_n3A_886, %select_n3A_891 : i32
      %ne3A_893 = arith.constant 0 : i32
      %ne3A_894 = arith.cmpi ne, %rem3A_892, %ne3A_893 : i32
      %lt3A_895 = arith.constant 0 : i32
      %lt3A_896 = arith.cmpi slt, %rem3A_892, %lt3A_895 : i32
      %lt3A_897 = arith.constant 0 : i32
      %lt3A_898 = arith.cmpi slt, %select_n3A_891, %lt3A_897 : i32
      %ne3A_899 = arith.xori %lt3A_896, %lt3A_898 : i1
      %and3A_900 = arith.andi %ne3A_899, %ne3A_894 : i1
      %add3A_901 = arith.addi %rem3A_892, %select_n3A_891 : i32
      %select_n3A_902 = arith.select %and3A_900, %add3A_901, %rem3A_892 : i32
      %jit3A_903 = arith.constant 50 : i32
      %eq3A_904 = arith.constant 0 : i32
      %eq3A_905 = arith.cmpi eq, %jit3A_903, %eq3A_904 : i32
      %jit3A_906 = arith.constant 1 : i32
      %select_n3A_907 = arith.select %eq3A_905, %jit3A_906, %jit3A_903 : i32
      %rem3A_908 = arith.remsi %add3A_854, %select_n3A_907 : i32
      %ne3A_909 = arith.constant 0 : i32
      %ne3A_910 = arith.cmpi ne, %rem3A_908, %ne3A_909 : i32
      %lt3A_911 = arith.constant 0 : i32
      %lt3A_912 = arith.cmpi slt, %rem3A_908, %lt3A_911 : i32
      %lt3A_913 = arith.constant 0 : i32
      %lt3A_914 = arith.cmpi slt, %select_n3A_907, %lt3A_913 : i32
      %ne3A_915 = arith.xori %lt3A_912, %lt3A_914 : i1
      %and3A_916 = arith.andi %ne3A_915, %ne3A_910 : i1
      %add3A_917 = arith.addi %rem3A_908, %select_n3A_907 : i32
      %select_n3A_918 = arith.select %and3A_916, %add3A_917, %rem3A_908 : i32
      %dma_start3A_919 = arith.constant 0 : i32
      %dma_start3A_920 = tpu.memref_slice %arg13[%select_n3A_902, %select_n3A_918, %dma_start3A_919] : memref<2x50x40xi32, #tpu.memory_space<vmem>> -> memref<1x1x40xi32, #tpu.memory_space<vmem>>
      %dma_start3A_921 = tpu.memref_squeeze %dma_start3A_920 : memref<1x1x40xi32, #tpu.memory_space<vmem>> -> memref<40xi32, #tpu.memory_space<vmem>>
      %dma_start3A_922 = arith.constant 0 : i32
      %dma_start3A_923 = arith.constant 0 : i32
      %dma_start3A_924 = tpu.memref_slice %arg10[%dma_start3A_922, %dma_start3A_923] : memref<10112x128xf32, #tpu.memory_space<vmem_shared>> -> memref<10112x128xf32, #tpu.memory_space<vmem_shared>>
      tpu.enqueue_indirect_dma source(%arg18 : memref<40x128xf32, #tpu.memory_space<vmem>>) target(%dma_start3A_924 : memref<10112x128xf32, #tpu.memory_space<vmem_shared>>) offsets(%dma_start3A_921 : memref<40xi32, #tpu.memory_space<vmem>>) semaphore(%arg33 : memref<!tpu.dma_semaphore, #tpu.memory_space<semaphore_mem>>) {add = true}
      %dma_start3A_925 = arith.constant 0 : i32
      %dma_start3A_926 = tpu.memref_slice %arg13[%select_n3A_902, %select_n3A_918, %dma_start3A_925] : memref<2x50x40xi32, #tpu.memory_space<vmem>> -> memref<1x1x40xi32, #tpu.memory_space<vmem>>
      %dma_start3A_927 = tpu.memref_squeeze %dma_start3A_926 : memref<1x1x40xi32, #tpu.memory_space<vmem>> -> memref<40xi32, #tpu.memory_space<vmem>>
      %dma_start3A_928 = arith.constant 0 : i32
      %dma_start3A_929 = arith.constant 0 : i32
      %dma_start3A_930 = tpu.memref_slice %arg11[%dma_start3A_928, %dma_start3A_929] : memref<10112x16xf32, #tpu.memory_space<vmem_shared>> -> memref<10112x16xf32, #tpu.memory_space<vmem_shared>>
      tpu.enqueue_indirect_dma source(%arg20 : memref<40x16xf32, #tpu.memory_space<vmem>>) target(%dma_start3A_930 : memref<10112x16xf32, #tpu.memory_space<vmem_shared>>) offsets(%dma_start3A_927 : memref<40xi32, #tpu.memory_space<vmem>>) semaphore(%arg33 : memref<!tpu.dma_semaphore, #tpu.memory_space<semaphore_mem>>) {add = true}
      %jit3A_931 = arith.constant 50 : i32
      %eq3A_932 = arith.constant 0 : i32
      %eq3A_933 = arith.cmpi eq, %jit3A_931, %eq3A_932 : i32
      %jit3A_934 = arith.constant 1 : i32
      %select_n3A_935 = arith.select %eq3A_933, %jit3A_934, %jit3A_931 : i32
      %rem3A_936 = arith.remsi %add3A_854, %select_n3A_935 : i32
      %ne3A_937 = arith.constant 0 : i32
      %ne3A_938 = arith.cmpi ne, %rem3A_936, %ne3A_937 : i32
      %lt3A_939 = arith.constant 0 : i32
      %lt3A_940 = arith.cmpi slt, %rem3A_936, %lt3A_939 : i32
      %lt3A_941 = arith.constant 0 : i32
      %lt3A_942 = arith.cmpi slt, %select_n3A_935, %lt3A_941 : i32
      %ne3A_943 = arith.xori %lt3A_940, %lt3A_942 : i1
      %and3A_944 = arith.andi %ne3A_943, %ne3A_938 : i1
      %add3A_945 = arith.addi %rem3A_936, %select_n3A_935 : i32
      %select_n3A_946 = arith.select %and3A_944, %add3A_945, %rem3A_936 : i32
      %add3A_947 = arith.constant 4 : i32
      %add3A_948 = arith.addi %add3A_854, %add3A_947 : i32
      %lt3A_949 = arith.constant 250 : i32
      %lt3A_950 = arith.cmpi slt, %add3A_948, %lt3A_949 : i32
      %convert_element_type3A_951 = arith.extui %lt3A_950 : i1 to i32
      %cond3A_952 = arith.constant 0 : i32
      %cond3A_953 = arith.cmpi ne, %convert_element_type3A_951, %cond3A_952 : i32
      scf.if %cond3A_953 {
        %ge3A = arith.constant 2 : i32
        %ge3A_1089 = arith.cmpi sge, %add3A_854, %ge3A : i32
        %convert_element_type3A_1090 = arith.extui %ge3A_1089 : i1 to i32
        %cond3A_1091 = arith.constant 0 : i32
        %cond3A_1092 = arith.cmpi ne, %convert_element_type3A_1090, %cond3A_1091 : i32
        scf.if %cond3A_1092 {
          %dma_wait3A_1157 = arith.constant 0 : i32
          %dma_wait3A_1158 = arith.constant 0 : i32
          %dma_wait3A_1159 = arith.constant 0 : i32
          %dma_wait3A_1160 = tpu.memref_slice %arg13[%dma_wait3A_1157, %dma_wait3A_1158, %dma_wait3A_1159] : memref<2x50x40xi32, #tpu.memory_space<vmem>> -> memref<1x1x40xi32, #tpu.memory_space<vmem>>
          %dma_wait3A_1161 = tpu.memref_squeeze %dma_wait3A_1160 : memref<1x1x40xi32, #tpu.memory_space<vmem>> -> memref<40xi32, #tpu.memory_space<vmem>>
          %dma_wait3A_1162 = arith.constant 0 : i32
          %dma_wait3A_1163 = arith.constant 0 : i32
          %dma_wait3A_1164 = tpu.memref_slice %arg10[%dma_wait3A_1162, %dma_wait3A_1163] : memref<10112x128xf32, #tpu.memory_space<vmem_shared>> -> memref<10112x128xf32, #tpu.memory_space<vmem_shared>>
          tpu.wait_indirect_dma semaphore(%arg31 : memref<!tpu.dma_semaphore, #tpu.memory_space<semaphore_mem>>) src(%arg16 : memref<40x128xf32, #tpu.memory_space<vmem>>) dst(%dma_wait3A_1164 : memref<10112x128xf32, #tpu.memory_space<vmem_shared>>)
          %dma_wait3A_1165 = arith.constant 0 : i32
          %dma_wait3A_1166 = arith.constant 0 : i32
          %dma_wait3A_1167 = arith.constant 0 : i32
          %dma_wait3A_1168 = tpu.memref_slice %arg13[%dma_wait3A_1165, %dma_wait3A_1166, %dma_wait3A_1167] : memref<2x50x40xi32, #tpu.memory_space<vmem>> -> memref<1x1x40xi32, #tpu.memory_space<vmem>>
          %dma_wait3A_1169 = tpu.memref_squeeze %dma_wait3A_1168 : memref<1x1x40xi32, #tpu.memory_space<vmem>> -> memref<40xi32, #tpu.memory_space<vmem>>
          %dma_wait3A_1170 = arith.constant 0 : i32
          %dma_wait3A_1171 = arith.constant 0 : i32
          %dma_wait3A_1172 = tpu.memref_slice %arg11[%dma_wait3A_1170, %dma_wait3A_1171] : memref<10112x16xf32, #tpu.memory_space<vmem_shared>> -> memref<10112x16xf32, #tpu.memory_space<vmem_shared>>
          tpu.wait_indirect_dma semaphore(%arg31 : memref<!tpu.dma_semaphore, #tpu.memory_space<semaphore_mem>>) src(%arg20 : memref<40x16xf32, #tpu.memory_space<vmem>>) dst(%dma_wait3A_1172 : memref<10112x16xf32, #tpu.memory_space<vmem_shared>>)
        } else {
        }
        %add3A_1093 = arith.constant 4 : i32
        %add3A_1094 = arith.addi %add3A_854, %add3A_1093 : i32
        %jit3A_1095 = arith.constant 50 : i32
        %div3A_1096 = arith.divsi %add3A_1094, %jit3A_1095 : i32
        %sign3A_1097 = arith.constant 0 : i32
        %sign3A_1098 = arith.cmpi sgt, %add3A_1094, %sign3A_1097 : i32
        %sign3A_1099 = arith.extui %sign3A_1098 : i1 to i32
        %sign3A_1100 = arith.constant 0 : i32
        %sign3A_1101 = arith.cmpi slt, %add3A_1094, %sign3A_1100 : i32
        %sign3A_1102 = arith.extui %sign3A_1101 : i1 to i32
        %sign3A_1103 = arith.subi %sign3A_1099, %sign3A_1102 : i32
        %sign3A_1104 = arith.constant 0 : i32
        %sign3A_1105 = arith.cmpi sgt, %jit3A_1095, %sign3A_1104 : i32
        %sign3A_1106 = arith.extui %sign3A_1105 : i1 to i32
        %sign3A_1107 = arith.constant 0 : i32
        %sign3A_1108 = arith.cmpi slt, %jit3A_1095, %sign3A_1107 : i32
        %sign3A_1109 = arith.extui %sign3A_1108 : i1 to i32
        %sign3A_1110 = arith.subi %sign3A_1106, %sign3A_1109 : i32
        %ne3A_1111 = arith.cmpi ne, %sign3A_1103, %sign3A_1110 : i32
        %rem3A_1112 = arith.remsi %add3A_1094, %jit3A_1095 : i32
        %ne3A_1113 = arith.constant 0 : i32
        %ne3A_1114 = arith.cmpi ne, %rem3A_1112, %ne3A_1113 : i32
        %and3A_1115 = arith.andi %ne3A_1111, %ne3A_1114 : i1
        %sub3A_1116 = arith.constant 1 : i32
        %sub3A_1117 = arith.subi %div3A_1096, %sub3A_1116 : i32
        %select_n3A_1118 = arith.select %and3A_1115, %sub3A_1117, %div3A_1096 : i32
        %jit3A_1119 = arith.constant 2 : i32
        %eq3A_1120 = arith.constant 0 : i32
        %eq3A_1121 = arith.cmpi eq, %jit3A_1119, %eq3A_1120 : i32
        %jit3A_1122 = arith.constant 1 : i32
        %select_n3A_1123 = arith.select %eq3A_1121, %jit3A_1122, %jit3A_1119 : i32
        %rem3A_1124 = arith.remsi %select_n3A_1118, %select_n3A_1123 : i32
        %ne3A_1125 = arith.constant 0 : i32
        %ne3A_1126 = arith.cmpi ne, %rem3A_1124, %ne3A_1125 : i32
        %lt3A_1127 = arith.constant 0 : i32
        %lt3A_1128 = arith.cmpi slt, %rem3A_1124, %lt3A_1127 : i32
        %lt3A_1129 = arith.constant 0 : i32
        %lt3A_1130 = arith.cmpi slt, %select_n3A_1123, %lt3A_1129 : i32
        %ne3A_1131 = arith.xori %lt3A_1128, %lt3A_1130 : i1
        %and3A_1132 = arith.andi %ne3A_1131, %ne3A_1126 : i1
        %add3A_1133 = arith.addi %rem3A_1124, %select_n3A_1123 : i32
        %select_n3A_1134 = arith.select %and3A_1132, %add3A_1133, %rem3A_1124 : i32
        %jit3A_1135 = arith.constant 50 : i32
        %eq3A_1136 = arith.constant 0 : i32
        %eq3A_1137 = arith.cmpi eq, %jit3A_1135, %eq3A_1136 : i32
        %jit3A_1138 = arith.constant 1 : i32
        %select_n3A_1139 = arith.select %eq3A_1137, %jit3A_1138, %jit3A_1135 : i32
        %rem3A_1140 = arith.remsi %add3A_1094, %select_n3A_1139 : i32
        %ne3A_1141 = arith.constant 0 : i32
        %ne3A_1142 = arith.cmpi ne, %rem3A_1140, %ne3A_1141 : i32
        %lt3A_1143 = arith.constant 0 : i32
        %lt3A_1144 = arith.cmpi slt, %rem3A_1140, %lt3A_1143 : i32
        %lt3A_1145 = arith.constant 0 : i32
        %lt3A_1146 = arith.cmpi slt, %select_n3A_1139, %lt3A_1145 : i32
        %ne3A_1147 = arith.xori %lt3A_1144, %lt3A_1146 : i1
        %and3A_1148 = arith.andi %ne3A_1147, %ne3A_1142 : i1
        %add3A_1149 = arith.addi %rem3A_1140, %select_n3A_1139 : i32
        %select_n3A_1150 = arith.select %and3A_1148, %add3A_1149, %rem3A_1140 : i32
        %dma_start3A_1151 = arith.constant 0 : i32
        %dma_start3A_1152 = tpu.memref_slice %arg12[%select_n3A_1134, %select_n3A_1150, %dma_start3A_1151] : memref<2x50x40xi32, #tpu.memory_space<vmem>> -> memref<1x1x40xi32, #tpu.memory_space<vmem>>
        %dma_start3A_1153 = tpu.memref_squeeze %dma_start3A_1152 : memref<1x1x40xi32, #tpu.memory_space<vmem>> -> memref<40xi32, #tpu.memory_space<vmem>>
        %dma_start3A_1154 = arith.constant 0 : i32
        %dma_start3A_1155 = arith.constant 0 : i32
        %dma_start3A_1156 = tpu.memref_slice %arg2[%dma_start3A_1154, %dma_start3A_1155] : memref<10000x128xf32, #tpu.memory_space<hbm>> -> memref<10000x128xf32, #tpu.memory_space<hbm>>
        tpu.enqueue_indirect_dma source(%dma_start3A_1156 : memref<10000x128xf32, #tpu.memory_space<hbm>>) target(%arg16 : memref<40x128xf32, #tpu.memory_space<vmem>>) offsets(%dma_start3A_1153 : memref<40xi32, #tpu.memory_space<vmem>>) semaphore(%arg25 : memref<!tpu.dma_semaphore, #tpu.memory_space<semaphore_mem>>)
      } else {
      }
      %eq3A_954 = arith.constant 30 : i32
      %eq3A_955 = arith.cmpi eq, %select_n3A_946, %eq3A_954 : i32
      %lt3A_956 = arith.constant 200 : i32
      %lt3A_957 = arith.cmpi slt, %add3A_854, %lt3A_956 : i32
      %and3A_958 = arith.andi %eq3A_955, %lt3A_957 : i1
      %convert_element_type3A_959 = arith.extui %and3A_958 : i1 to i32
      %cond3A_960 = arith.constant 0 : i32
      %cond3A_961 = arith.cmpi ne, %convert_element_type3A_959, %cond3A_960 : i32
      scf.if %cond3A_961 {
        %jit3A_1089 = arith.constant 50 : i32
        %div3A_1090 = arith.divsi %add3A_854, %jit3A_1089 : i32
        %sign3A_1091 = arith.constant 0 : i32
        %sign3A_1092 = arith.cmpi sgt, %add3A_854, %sign3A_1091 : i32
        %sign3A_1093 = arith.extui %sign3A_1092 : i1 to i32
        %sign3A_1094 = arith.constant 0 : i32
        %sign3A_1095 = arith.cmpi slt, %add3A_854, %sign3A_1094 : i32
        %sign3A_1096 = arith.extui %sign3A_1095 : i1 to i32
        %sign3A_1097 = arith.subi %sign3A_1093, %sign3A_1096 : i32
        %sign3A_1098 = arith.constant 0 : i32
        %sign3A_1099 = arith.cmpi sgt, %jit3A_1089, %sign3A_1098 : i32
        %sign3A_1100 = arith.extui %sign3A_1099 : i1 to i32
        %sign3A_1101 = arith.constant 0 : i32
        %sign3A_1102 = arith.cmpi slt, %jit3A_1089, %sign3A_1101 : i32
        %sign3A_1103 = arith.extui %sign3A_1102 : i1 to i32
        %sign3A_1104 = arith.subi %sign3A_1100, %sign3A_1103 : i32
        %ne3A_1105 = arith.cmpi ne, %sign3A_1097, %sign3A_1104 : i32
        %rem3A_1106 = arith.remsi %add3A_854, %jit3A_1089 : i32
        %ne3A_1107 = arith.constant 0 : i32
        %ne3A_1108 = arith.cmpi ne, %rem3A_1106, %ne3A_1107 : i32
        %and3A_1109 = arith.andi %ne3A_1105, %ne3A_1108 : i1
        %sub3A_1110 = arith.constant 1 : i32
        %sub3A_1111 = arith.subi %div3A_1090, %sub3A_1110 : i32
        %select_n3A_1112 = arith.select %and3A_1109, %sub3A_1111, %div3A_1090 : i32
        %add3A_1113 = arith.constant 1 : i32
        %add3A_1114 = arith.addi %select_n3A_1112, %add3A_1113 : i32
        %mul3A_1115 = arith.constant 50 : i32
        %mul3A_1116 = arith.muli %add3A_1114, %mul3A_1115 : i32
        %jit3A_1117 = arith.constant 2 : i32
        %eq3A_1118 = arith.constant 0 : i32
        %eq3A_1119 = arith.cmpi eq, %jit3A_1117, %eq3A_1118 : i32
        %jit3A_1120 = arith.constant 1 : i32
        %select_n3A_1121 = arith.select %eq3A_1119, %jit3A_1120, %jit3A_1117 : i32
        %rem3A_1122 = arith.remsi %add3A_1114, %select_n3A_1121 : i32
        %ne3A_1123 = arith.constant 0 : i32
        %ne3A_1124 = arith.cmpi ne, %rem3A_1122, %ne3A_1123 : i32
        %lt3A_1125 = arith.constant 0 : i32
        %lt3A_1126 = arith.cmpi slt, %rem3A_1122, %lt3A_1125 : i32
        %lt3A_1127 = arith.constant 0 : i32
        %lt3A_1128 = arith.cmpi slt, %select_n3A_1121, %lt3A_1127 : i32
        %ne3A_1129 = arith.xori %lt3A_1126, %lt3A_1128 : i1
        %and3A_1130 = arith.andi %ne3A_1129, %ne3A_1124 : i1
        %add3A_1131 = arith.addi %rem3A_1122, %select_n3A_1121 : i32
        %select_n3A_1132 = arith.select %and3A_1130, %add3A_1131, %rem3A_1122 : i32
        %dma_start3A_1133 = arith.constant 0 : i32
        %dma_start3A_1134 = arith.constant 0 : i32
        %dma_start3A_1135 = tpu.memref_slice %arg12[%select_n3A_1132, %dma_start3A_1133, %dma_start3A_1134] : memref<2x50x40xi32, #tpu.memory_space<vmem>> -> memref<1x50x40xi32, #tpu.memory_space<vmem>>
        %dma_start3A_1136 = tpu.memref_squeeze %dma_start3A_1135 : memref<1x50x40xi32, #tpu.memory_space<vmem>> -> memref<50x40xi32, #tpu.memory_space<vmem>>
        %dma_start3A_1137 = arith.constant 0 : i32
        %dma_start3A_1138 = tpu.memref_slice %arg3[%add3A, %mul3A_1116, %dma_start3A_1137] : memref<32x250x40xi32, #tpu.memory_space<hbm>> -> memref<1x50x40xi32, #tpu.memory_space<hbm>>
        %dma_start3A_1139 = tpu.memref_squeeze %dma_start3A_1138 : memref<1x50x40xi32, #tpu.memory_space<hbm>> -> memref<50x40xi32, #tpu.memory_space<hbm>>
        %dma_start3A_1140 = arith.constant 0 : i32
        %dma_start3A_1141 = arith.constant 0 : i32
        %dma_start3A_1142 = tpu.memref_slice %arg12[%select_n3A_1132, %dma_start3A_1140, %dma_start3A_1141] : memref<2x50x40xi32, #tpu.memory_space<vmem>> -> memref<1x50x40xi32, #tpu.memory_space<vmem>>
        %dma_start3A_1143 = tpu.memref_squeeze %dma_start3A_1142 : memref<1x50x40xi32, #tpu.memory_space<vmem>> -> memref<50x40xi32, #tpu.memory_space<vmem>>
        %dma_start3A_1144 = arith.constant 0 : i32
        %dma_start3A_1145 = tpu.memref_slice %arg3[%add3A, %mul3A_1116, %dma_start3A_1144] : memref<32x250x40xi32, #tpu.memory_space<hbm>> -> memref<1x50x40xi32, #tpu.memory_space<hbm>>
        %dma_start3A_1146 = tpu.memref_squeeze %dma_start3A_1145 : memref<1x50x40xi32, #tpu.memory_space<hbm>> -> memref<50x40xi32, #tpu.memory_space<hbm>>
        tpu.enqueue_dma source(%dma_start3A_1146 : memref<50x40xi32, #tpu.memory_space<hbm>>) target(%dma_start3A_1143 : memref<50x40xi32, #tpu.memory_space<vmem>>) target_semaphore(%arg21 : memref<!tpu.dma_semaphore, #tpu.memory_space<semaphore_mem>>)
        %mul3A_1147 = arith.constant 50 : i32
        %mul3A_1148 = arith.muli %add3A_1114, %mul3A_1147 : i32
        %jit3A_1149 = arith.constant 2 : i32
        %eq3A_1150 = arith.constant 0 : i32
        %eq3A_1151 = arith.cmpi eq, %jit3A_1149, %eq3A_1150 : i32
        %jit3A_1152 = arith.constant 1 : i32
        %select_n3A_1153 = arith.select %eq3A_1151, %jit3A_1152, %jit3A_1149 : i32
        %rem3A_1154 = arith.remsi %add3A_1114, %select_n3A_1153 : i32
        %ne3A_1155 = arith.constant 0 : i32
        %ne3A_1156 = arith.cmpi ne, %rem3A_1154, %ne3A_1155 : i32
        %lt3A_1157 = arith.constant 0 : i32
        %lt3A_1158 = arith.cmpi slt, %rem3A_1154, %lt3A_1157 : i32
        %lt3A_1159 = arith.constant 0 : i32
        %lt3A_1160 = arith.cmpi slt, %select_n3A_1153, %lt3A_1159 : i32
        %ne3A_1161 = arith.xori %lt3A_1158, %lt3A_1160 : i1
        %and3A_1162 = arith.andi %ne3A_1161, %ne3A_1156 : i1
        %add3A_1163 = arith.addi %rem3A_1154, %select_n3A_1153 : i32
        %select_n3A_1164 = arith.select %and3A_1162, %add3A_1163, %rem3A_1154 : i32
        %dma_start3A_1165 = arith.constant 0 : i32
        %dma_start3A_1166 = arith.constant 0 : i32
        %dma_start3A_1167 = tpu.memref_slice %arg13[%select_n3A_1164, %dma_start3A_1165, %dma_start3A_1166] : memref<2x50x40xi32, #tpu.memory_space<vmem>> -> memref<1x50x40xi32, #tpu.memory_space<vmem>>
        %dma_start3A_1168 = tpu.memref_squeeze %dma_start3A_1167 : memref<1x50x40xi32, #tpu.memory_space<vmem>> -> memref<50x40xi32, #tpu.memory_space<vmem>>
        %dma_start3A_1169 = arith.constant 0 : i32
        %dma_start3A_1170 = tpu.memref_slice %arg4[%add3A, %mul3A_1148, %dma_start3A_1169] : memref<32x250x40xi32, #tpu.memory_space<hbm>> -> memref<1x50x40xi32, #tpu.memory_space<hbm>>
        %dma_start3A_1171 = tpu.memref_squeeze %dma_start3A_1170 : memref<1x50x40xi32, #tpu.memory_space<hbm>> -> memref<50x40xi32, #tpu.memory_space<hbm>>
        %dma_start3A_1172 = arith.constant 0 : i32
        %dma_start3A_1173 = arith.constant 0 : i32
        %dma_start3A_1174 = tpu.memref_slice %arg13[%select_n3A_1164, %dma_start3A_1172, %dma_start3A_1173] : memref<2x50x40xi32, #tpu.memory_space<vmem>> -> memref<1x50x40xi32, #tpu.memory_space<vmem>>
        %dma_start3A_1175 = tpu.memref_squeeze %dma_start3A_1174 : memref<1x50x40xi32, #tpu.memory_space<vmem>> -> memref<50x40xi32, #tpu.memory_space<vmem>>
        %dma_start3A_1176 = arith.constant 0 : i32
        %dma_start3A_1177 = tpu.memref_slice %arg4[%add3A, %mul3A_1148, %dma_start3A_1176] : memref<32x250x40xi32, #tpu.memory_space<hbm>> -> memref<1x50x40xi32, #tpu.memory_space<hbm>>
        %dma_start3A_1178 = tpu.memref_squeeze %dma_start3A_1177 : memref<1x50x40xi32, #tpu.memory_space<hbm>> -> memref<50x40xi32, #tpu.memory_space<hbm>>
        tpu.enqueue_dma source(%dma_start3A_1178 : memref<50x40xi32, #tpu.memory_space<hbm>>) target(%dma_start3A_1175 : memref<50x40xi32, #tpu.memory_space<vmem>>) target_semaphore(%arg22 : memref<!tpu.dma_semaphore, #tpu.memory_space<semaphore_mem>>)
      } else {
      }
      %eq3A_962 = arith.constant 45 : i32
      %eq3A_963 = arith.cmpi eq, %select_n3A_946, %eq3A_962 : i32
      %lt3A_964 = arith.constant 200 : i32
      %lt3A_965 = arith.cmpi slt, %add3A_854, %lt3A_964 : i32
      %and3A_966 = arith.andi %eq3A_963, %lt3A_965 : i1
      %convert_element_type3A_967 = arith.extui %and3A_966 : i1 to i32
      %cond3A_968 = arith.constant 0 : i32
      %cond3A_969 = arith.cmpi ne, %convert_element_type3A_967, %cond3A_968 : i32
      scf.if %cond3A_969 {
        %dma_wait3A_1089 = arith.constant 0 : i32
        %dma_wait3A_1090 = arith.constant 0 : i32
        %dma_wait3A_1091 = arith.constant 0 : i32
        %dma_wait3A_1092 = tpu.memref_slice %arg12[%dma_wait3A_1089, %dma_wait3A_1090, %dma_wait3A_1091] : memref<2x50x40xi32, #tpu.memory_space<vmem>> -> memref<1x50x40xi32, #tpu.memory_space<vmem>>
        %dma_wait3A_1093 = tpu.memref_squeeze %dma_wait3A_1092 : memref<1x50x40xi32, #tpu.memory_space<vmem>> -> memref<50x40xi32, #tpu.memory_space<vmem>>
        %dma_wait3A_1094 = arith.constant 0 : i32
        %dma_wait3A_1095 = arith.constant 0 : i32
        %dma_wait3A_1096 = tpu.memref_slice %arg3[%add3A, %dma_wait3A_1094, %dma_wait3A_1095] : memref<32x250x40xi32, #tpu.memory_space<hbm>> -> memref<1x50x40xi32, #tpu.memory_space<hbm>>
        %dma_wait3A_1097 = tpu.memref_squeeze %dma_wait3A_1096 : memref<1x50x40xi32, #tpu.memory_space<hbm>> -> memref<50x40xi32, #tpu.memory_space<hbm>>
        %dma_wait3A_1098 = arith.constant 0 : i32
        %dma_wait3A_1099 = arith.constant 0 : i32
        %dma_wait3A_1100 = tpu.memref_slice %arg12[%dma_wait3A_1089, %dma_wait3A_1098, %dma_wait3A_1099] : memref<2x50x40xi32, #tpu.memory_space<vmem>> -> memref<1x50x40xi32, #tpu.memory_space<vmem>>
        %dma_wait3A_1101 = tpu.memref_squeeze %dma_wait3A_1100 : memref<1x50x40xi32, #tpu.memory_space<vmem>> -> memref<50x40xi32, #tpu.memory_space<vmem>>
        %dma_wait3A_1102 = arith.constant 0 : i32
        %dma_wait3A_1103 = arith.constant 0 : i32
        %dma_wait3A_1104 = tpu.memref_slice %arg3[%add3A, %dma_wait3A_1102, %dma_wait3A_1103] : memref<32x250x40xi32, #tpu.memory_space<hbm>> -> memref<1x50x40xi32, #tpu.memory_space<hbm>>
        %dma_wait3A_1105 = tpu.memref_squeeze %dma_wait3A_1104 : memref<1x50x40xi32, #tpu.memory_space<hbm>> -> memref<50x40xi32, #tpu.memory_space<hbm>>
        tpu.wait_dma2 semaphore(%arg21 : memref<!tpu.dma_semaphore, #tpu.memory_space<semaphore_mem>>) src(%dma_wait3A_1105 : memref<50x40xi32, #tpu.memory_space<hbm>>) dst(%dma_wait3A_1101 : memref<50x40xi32, #tpu.memory_space<vmem>>)
        %dma_wait3A_1106 = arith.constant 0 : i32
        %dma_wait3A_1107 = arith.constant 0 : i32
        %dma_wait3A_1108 = arith.constant 0 : i32
        %dma_wait3A_1109 = tpu.memref_slice %arg13[%dma_wait3A_1106, %dma_wait3A_1107, %dma_wait3A_1108] : memref<2x50x40xi32, #tpu.memory_space<vmem>> -> memref<1x50x40xi32, #tpu.memory_space<vmem>>
        %dma_wait3A_1110 = tpu.memref_squeeze %dma_wait3A_1109 : memref<1x50x40xi32, #tpu.memory_space<vmem>> -> memref<50x40xi32, #tpu.memory_space<vmem>>
        %dma_wait3A_1111 = arith.constant 0 : i32
        %dma_wait3A_1112 = arith.constant 0 : i32
        %dma_wait3A_1113 = tpu.memref_slice %arg4[%add3A, %dma_wait3A_1111, %dma_wait3A_1112] : memref<32x250x40xi32, #tpu.memory_space<hbm>> -> memref<1x50x40xi32, #tpu.memory_space<hbm>>
        %dma_wait3A_1114 = tpu.memref_squeeze %dma_wait3A_1113 : memref<1x50x40xi32, #tpu.memory_space<hbm>> -> memref<50x40xi32, #tpu.memory_space<hbm>>
        %dma_wait3A_1115 = arith.constant 0 : i32
        %dma_wait3A_1116 = arith.constant 0 : i32
        %dma_wait3A_1117 = tpu.memref_slice %arg13[%dma_wait3A_1106, %dma_wait3A_1115, %dma_wait3A_1116] : memref<2x50x40xi32, #tpu.memory_space<vmem>> -> memref<1x50x40xi32, #tpu.memory_space<vmem>>
        %dma_wait3A_1118 = tpu.memref_squeeze %dma_wait3A_1117 : memref<1x50x40xi32, #tpu.memory_space<vmem>> -> memref<50x40xi32, #tpu.memory_space<vmem>>
        %dma_wait3A_1119 = arith.constant 0 : i32
        %dma_wait3A_1120 = arith.constant 0 : i32
        %dma_wait3A_1121 = tpu.memref_slice %arg4[%add3A, %dma_wait3A_1119, %dma_wait3A_1120] : memref<32x250x40xi32, #tpu.memory_space<hbm>> -> memref<1x50x40xi32, #tpu.memory_space<hbm>>
        %dma_wait3A_1122 = tpu.memref_squeeze %dma_wait3A_1121 : memref<1x50x40xi32, #tpu.memory_space<hbm>> -> memref<50x40xi32, #tpu.memory_space<hbm>>
        tpu.wait_dma2 semaphore(%arg22 : memref<!tpu.dma_semaphore, #tpu.memory_space<semaphore_mem>>) src(%dma_wait3A_1122 : memref<50x40xi32, #tpu.memory_space<hbm>>) dst(%dma_wait3A_1118 : memref<50x40xi32, #tpu.memory_space<vmem>>)
      } else {
      }
      %mul3A_970 = arith.constant 6 : i32
      %mul3A_971 = arith.muli %mul3A_970, %scan3A_386 : i32
      %add3A_972 = arith.constant 5 : i32
      %add3A_973 = arith.addi %mul3A_971, %add3A_972 : i32
      %dma_wait3A_974 = arith.constant 0 : i32
      %dma_wait3A_975 = arith.constant 0 : i32
      %dma_wait3A_976 = arith.constant 0 : i32
      %dma_wait3A_977 = tpu.memref_slice %arg12[%dma_wait3A_974, %dma_wait3A_975, %dma_wait3A_976] : memref<2x50x40xi32, #tpu.memory_space<vmem>> -> memref<1x1x40xi32, #tpu.memory_space<vmem>>
      %dma_wait3A_978 = tpu.memref_squeeze %dma_wait3A_977 : memref<1x1x40xi32, #tpu.memory_space<vmem>> -> memref<40xi32, #tpu.memory_space<vmem>>
      %dma_wait3A_979 = arith.constant 0 : i32
      %dma_wait3A_980 = arith.constant 0 : i32
      %dma_wait3A_981 = tpu.memref_slice %arg2[%dma_wait3A_979, %dma_wait3A_980] : memref<10000x128xf32, #tpu.memory_space<hbm>> -> memref<10000x128xf32, #tpu.memory_space<hbm>>
      tpu.wait_indirect_dma semaphore(%arg28 : memref<!tpu.dma_semaphore, #tpu.memory_space<semaphore_mem>>) src(%dma_wait3A_981 : memref<10000x128xf32, #tpu.memory_space<hbm>>) dst(%arg19 : memref<40x128xf32, #tpu.memory_space<vmem>>)
      %jit3A_982 = arith.constant 50 : i32
      %div3A_983 = arith.divsi %add3A_973, %jit3A_982 : i32
      %sign3A_984 = arith.constant 0 : i32
      %sign3A_985 = arith.cmpi sgt, %add3A_973, %sign3A_984 : i32
      %sign3A_986 = arith.extui %sign3A_985 : i1 to i32
      %sign3A_987 = arith.constant 0 : i32
      %sign3A_988 = arith.cmpi slt, %add3A_973, %sign3A_987 : i32
      %sign3A_989 = arith.extui %sign3A_988 : i1 to i32
      %sign3A_990 = arith.subi %sign3A_986, %sign3A_989 : i32
      %sign3A_991 = arith.constant 0 : i32
      %sign3A_992 = arith.cmpi sgt, %jit3A_982, %sign3A_991 : i32
      %sign3A_993 = arith.extui %sign3A_992 : i1 to i32
      %sign3A_994 = arith.constant 0 : i32
      %sign3A_995 = arith.cmpi slt, %jit3A_982, %sign3A_994 : i32
      %sign3A_996 = arith.extui %sign3A_995 : i1 to i32
      %sign3A_997 = arith.subi %sign3A_993, %sign3A_996 : i32
      %ne3A_998 = arith.cmpi ne, %sign3A_990, %sign3A_997 : i32
      %rem3A_999 = arith.remsi %add3A_973, %jit3A_982 : i32
      %ne3A_1000 = arith.constant 0 : i32
      %ne3A_1001 = arith.cmpi ne, %rem3A_999, %ne3A_1000 : i32
      %and3A_1002 = arith.andi %ne3A_998, %ne3A_1001 : i1
      %sub3A_1003 = arith.constant 1 : i32
      %sub3A_1004 = arith.subi %div3A_983, %sub3A_1003 : i32
      %select_n3A_1005 = arith.select %and3A_1002, %sub3A_1004, %div3A_983 : i32
      %jit3A_1006 = arith.constant 2 : i32
      %eq3A_1007 = arith.constant 0 : i32
      %eq3A_1008 = arith.cmpi eq, %jit3A_1006, %eq3A_1007 : i32
      %jit3A_1009 = arith.constant 1 : i32
      %select_n3A_1010 = arith.select %eq3A_1008, %jit3A_1009, %jit3A_1006 : i32
      %rem3A_1011 = arith.remsi %select_n3A_1005, %select_n3A_1010 : i32
      %ne3A_1012 = arith.constant 0 : i32
      %ne3A_1013 = arith.cmpi ne, %rem3A_1011, %ne3A_1012 : i32
      %lt3A_1014 = arith.constant 0 : i32
      %lt3A_1015 = arith.cmpi slt, %rem3A_1011, %lt3A_1014 : i32
      %lt3A_1016 = arith.constant 0 : i32
      %lt3A_1017 = arith.cmpi slt, %select_n3A_1010, %lt3A_1016 : i32
      %ne3A_1018 = arith.xori %lt3A_1015, %lt3A_1017 : i1
      %and3A_1019 = arith.andi %ne3A_1018, %ne3A_1013 : i1
      %add3A_1020 = arith.addi %rem3A_1011, %select_n3A_1010 : i32
      %select_n3A_1021 = arith.select %and3A_1019, %add3A_1020, %rem3A_1011 : i32
      %jit3A_1022 = arith.constant 50 : i32
      %eq3A_1023 = arith.constant 0 : i32
      %eq3A_1024 = arith.cmpi eq, %jit3A_1022, %eq3A_1023 : i32
      %jit3A_1025 = arith.constant 1 : i32
      %select_n3A_1026 = arith.select %eq3A_1024, %jit3A_1025, %jit3A_1022 : i32
      %rem3A_1027 = arith.remsi %add3A_973, %select_n3A_1026 : i32
      %ne3A_1028 = arith.constant 0 : i32
      %ne3A_1029 = arith.cmpi ne, %rem3A_1027, %ne3A_1028 : i32
      %lt3A_1030 = arith.constant 0 : i32
      %lt3A_1031 = arith.cmpi slt, %rem3A_1027, %lt3A_1030 : i32
      %lt3A_1032 = arith.constant 0 : i32
      %lt3A_1033 = arith.cmpi slt, %select_n3A_1026, %lt3A_1032 : i32
      %ne3A_1034 = arith.xori %lt3A_1031, %lt3A_1033 : i1
      %and3A_1035 = arith.andi %ne3A_1034, %ne3A_1029 : i1
      %add3A_1036 = arith.addi %rem3A_1027, %select_n3A_1026 : i32
      %select_n3A_1037 = arith.select %and3A_1035, %add3A_1036, %rem3A_1027 : i32
      %dma_start3A_1038 = arith.constant 0 : i32
      %dma_start3A_1039 = tpu.memref_slice %arg13[%select_n3A_1021, %select_n3A_1037, %dma_start3A_1038] : memref<2x50x40xi32, #tpu.memory_space<vmem>> -> memref<1x1x40xi32, #tpu.memory_space<vmem>>
      %dma_start3A_1040 = tpu.memref_squeeze %dma_start3A_1039 : memref<1x1x40xi32, #tpu.memory_space<vmem>> -> memref<40xi32, #tpu.memory_space<vmem>>
      %dma_start3A_1041 = arith.constant 0 : i32
      %dma_start3A_1042 = arith.constant 0 : i32
      %dma_start3A_1043 = tpu.memref_slice %arg10[%dma_start3A_1041, %dma_start3A_1042] : memref<10112x128xf32, #tpu.memory_space<vmem_shared>> -> memref<10112x128xf32, #tpu.memory_space<vmem_shared>>
      tpu.enqueue_indirect_dma source(%arg19 : memref<40x128xf32, #tpu.memory_space<vmem>>) target(%dma_start3A_1043 : memref<10112x128xf32, #tpu.memory_space<vmem_shared>>) offsets(%dma_start3A_1040 : memref<40xi32, #tpu.memory_space<vmem>>) semaphore(%arg34 : memref<!tpu.dma_semaphore, #tpu.memory_space<semaphore_mem>>) {add = true}
      %dma_start3A_1044 = arith.constant 0 : i32
      %dma_start3A_1045 = tpu.memref_slice %arg13[%select_n3A_1021, %select_n3A_1037, %dma_start3A_1044] : memref<2x50x40xi32, #tpu.memory_space<vmem>> -> memref<1x1x40xi32, #tpu.memory_space<vmem>>
      %dma_start3A_1046 = tpu.memref_squeeze %dma_start3A_1045 : memref<1x1x40xi32, #tpu.memory_space<vmem>> -> memref<40xi32, #tpu.memory_space<vmem>>
      %dma_start3A_1047 = arith.constant 0 : i32
      %dma_start3A_1048 = arith.constant 0 : i32
      %dma_start3A_1049 = tpu.memref_slice %arg11[%dma_start3A_1047, %dma_start3A_1048] : memref<10112x16xf32, #tpu.memory_space<vmem_shared>> -> memref<10112x16xf32, #tpu.memory_space<vmem_shared>>
      tpu.enqueue_indirect_dma source(%arg20 : memref<40x16xf32, #tpu.memory_space<vmem>>) target(%dma_start3A_1049 : memref<10112x16xf32, #tpu.memory_space<vmem_shared>>) offsets(%dma_start3A_1046 : memref<40xi32, #tpu.memory_space<vmem>>) semaphore(%arg34 : memref<!tpu.dma_semaphore, #tpu.memory_space<semaphore_mem>>) {add = true}
      %jit3A_1050 = arith.constant 50 : i32
      %eq3A_1051 = arith.constant 0 : i32
      %eq3A_1052 = arith.cmpi eq, %jit3A_1050, %eq3A_1051 : i32
      %jit3A_1053 = arith.constant 1 : i32
      %select_n3A_1054 = arith.select %eq3A_1052, %jit3A_1053, %jit3A_1050 : i32
      %rem3A_1055 = arith.remsi %add3A_973, %select_n3A_1054 : i32
      %ne3A_1056 = arith.constant 0 : i32
      %ne3A_1057 = arith.cmpi ne, %rem3A_1055, %ne3A_1056 : i32
      %lt3A_1058 = arith.constant 0 : i32
      %lt3A_1059 = arith.cmpi slt, %rem3A_1055, %lt3A_1058 : i32
      %lt3A_1060 = arith.constant 0 : i32
      %lt3A_1061 = arith.cmpi slt, %select_n3A_1054, %lt3A_1060 : i32
      %ne3A_1062 = arith.xori %lt3A_1059, %lt3A_1061 : i1
      %and3A_1063 = arith.andi %ne3A_1062, %ne3A_1057 : i1
      %add3A_1064 = arith.addi %rem3A_1055, %select_n3A_1054 : i32
      %select_n3A_1065 = arith.select %and3A_1063, %add3A_1064, %rem3A_1055 : i32
      %add3A_1066 = arith.constant 4 : i32
      %add3A_1067 = arith.addi %add3A_973, %add3A_1066 : i32
      %lt3A_1068 = arith.constant 250 : i32
      %lt3A_1069 = arith.cmpi slt, %add3A_1067, %lt3A_1068 : i32
      %convert_element_type3A_1070 = arith.extui %lt3A_1069 : i1 to i32
      %cond3A_1071 = arith.constant 0 : i32
      %cond3A_1072 = arith.cmpi ne, %convert_element_type3A_1070, %cond3A_1071 : i32
      scf.if %cond3A_1072 {
        %ge3A = arith.constant 2 : i32
        %ge3A_1089 = arith.cmpi sge, %add3A_973, %ge3A : i32
        %convert_element_type3A_1090 = arith.extui %ge3A_1089 : i1 to i32
        %cond3A_1091 = arith.constant 0 : i32
        %cond3A_1092 = arith.cmpi ne, %convert_element_type3A_1090, %cond3A_1091 : i32
        scf.if %cond3A_1092 {
          %dma_wait3A_1157 = arith.constant 0 : i32
          %dma_wait3A_1158 = arith.constant 0 : i32
          %dma_wait3A_1159 = arith.constant 0 : i32
          %dma_wait3A_1160 = tpu.memref_slice %arg13[%dma_wait3A_1157, %dma_wait3A_1158, %dma_wait3A_1159] : memref<2x50x40xi32, #tpu.memory_space<vmem>> -> memref<1x1x40xi32, #tpu.memory_space<vmem>>
          %dma_wait3A_1161 = tpu.memref_squeeze %dma_wait3A_1160 : memref<1x1x40xi32, #tpu.memory_space<vmem>> -> memref<40xi32, #tpu.memory_space<vmem>>
          %dma_wait3A_1162 = arith.constant 0 : i32
          %dma_wait3A_1163 = arith.constant 0 : i32
          %dma_wait3A_1164 = tpu.memref_slice %arg10[%dma_wait3A_1162, %dma_wait3A_1163] : memref<10112x128xf32, #tpu.memory_space<vmem_shared>> -> memref<10112x128xf32, #tpu.memory_space<vmem_shared>>
          tpu.wait_indirect_dma semaphore(%arg32 : memref<!tpu.dma_semaphore, #tpu.memory_space<semaphore_mem>>) src(%arg17 : memref<40x128xf32, #tpu.memory_space<vmem>>) dst(%dma_wait3A_1164 : memref<10112x128xf32, #tpu.memory_space<vmem_shared>>)
          %dma_wait3A_1165 = arith.constant 0 : i32
          %dma_wait3A_1166 = arith.constant 0 : i32
          %dma_wait3A_1167 = arith.constant 0 : i32
          %dma_wait3A_1168 = tpu.memref_slice %arg13[%dma_wait3A_1165, %dma_wait3A_1166, %dma_wait3A_1167] : memref<2x50x40xi32, #tpu.memory_space<vmem>> -> memref<1x1x40xi32, #tpu.memory_space<vmem>>
          %dma_wait3A_1169 = tpu.memref_squeeze %dma_wait3A_1168 : memref<1x1x40xi32, #tpu.memory_space<vmem>> -> memref<40xi32, #tpu.memory_space<vmem>>
          %dma_wait3A_1170 = arith.constant 0 : i32
          %dma_wait3A_1171 = arith.constant 0 : i32
          %dma_wait3A_1172 = tpu.memref_slice %arg11[%dma_wait3A_1170, %dma_wait3A_1171] : memref<10112x16xf32, #tpu.memory_space<vmem_shared>> -> memref<10112x16xf32, #tpu.memory_space<vmem_shared>>
          tpu.wait_indirect_dma semaphore(%arg32 : memref<!tpu.dma_semaphore, #tpu.memory_space<semaphore_mem>>) src(%arg20 : memref<40x16xf32, #tpu.memory_space<vmem>>) dst(%dma_wait3A_1172 : memref<10112x16xf32, #tpu.memory_space<vmem_shared>>)
        } else {
        }
        %add3A_1093 = arith.constant 4 : i32
        %add3A_1094 = arith.addi %add3A_973, %add3A_1093 : i32
        %jit3A_1095 = arith.constant 50 : i32
        %div3A_1096 = arith.divsi %add3A_1094, %jit3A_1095 : i32
        %sign3A_1097 = arith.constant 0 : i32
        %sign3A_1098 = arith.cmpi sgt, %add3A_1094, %sign3A_1097 : i32
        %sign3A_1099 = arith.extui %sign3A_1098 : i1 to i32
        %sign3A_1100 = arith.constant 0 : i32
        %sign3A_1101 = arith.cmpi slt, %add3A_1094, %sign3A_1100 : i32
        %sign3A_1102 = arith.extui %sign3A_1101 : i1 to i32
        %sign3A_1103 = arith.subi %sign3A_1099, %sign3A_1102 : i32
        %sign3A_1104 = arith.constant 0 : i32
        %sign3A_1105 = arith.cmpi sgt, %jit3A_1095, %sign3A_1104 : i32
        %sign3A_1106 = arith.extui %sign3A_1105 : i1 to i32
        %sign3A_1107 = arith.constant 0 : i32
        %sign3A_1108 = arith.cmpi slt, %jit3A_1095, %sign3A_1107 : i32
        %sign3A_1109 = arith.extui %sign3A_1108 : i1 to i32
        %sign3A_1110 = arith.subi %sign3A_1106, %sign3A_1109 : i32
        %ne3A_1111 = arith.cmpi ne, %sign3A_1103, %sign3A_1110 : i32
        %rem3A_1112 = arith.remsi %add3A_1094, %jit3A_1095 : i32
        %ne3A_1113 = arith.constant 0 : i32
        %ne3A_1114 = arith.cmpi ne, %rem3A_1112, %ne3A_1113 : i32
        %and3A_1115 = arith.andi %ne3A_1111, %ne3A_1114 : i1
        %sub3A_1116 = arith.constant 1 : i32
        %sub3A_1117 = arith.subi %div3A_1096, %sub3A_1116 : i32
        %select_n3A_1118 = arith.select %and3A_1115, %sub3A_1117, %div3A_1096 : i32
        %jit3A_1119 = arith.constant 2 : i32
        %eq3A_1120 = arith.constant 0 : i32
        %eq3A_1121 = arith.cmpi eq, %jit3A_1119, %eq3A_1120 : i32
        %jit3A_1122 = arith.constant 1 : i32
        %select_n3A_1123 = arith.select %eq3A_1121, %jit3A_1122, %jit3A_1119 : i32
        %rem3A_1124 = arith.remsi %select_n3A_1118, %select_n3A_1123 : i32
        %ne3A_1125 = arith.constant 0 : i32
        %ne3A_1126 = arith.cmpi ne, %rem3A_1124, %ne3A_1125 : i32
        %lt3A_1127 = arith.constant 0 : i32
        %lt3A_1128 = arith.cmpi slt, %rem3A_1124, %lt3A_1127 : i32
        %lt3A_1129 = arith.constant 0 : i32
        %lt3A_1130 = arith.cmpi slt, %select_n3A_1123, %lt3A_1129 : i32
        %ne3A_1131 = arith.xori %lt3A_1128, %lt3A_1130 : i1
        %and3A_1132 = arith.andi %ne3A_1131, %ne3A_1126 : i1
        %add3A_1133 = arith.addi %rem3A_1124, %select_n3A_1123 : i32
        %select_n3A_1134 = arith.select %and3A_1132, %add3A_1133, %rem3A_1124 : i32
        %jit3A_1135 = arith.constant 50 : i32
        %eq3A_1136 = arith.constant 0 : i32
        %eq3A_1137 = arith.cmpi eq, %jit3A_1135, %eq3A_1136 : i32
        %jit3A_1138 = arith.constant 1 : i32
        %select_n3A_1139 = arith.select %eq3A_1137, %jit3A_1138, %jit3A_1135 : i32
        %rem3A_1140 = arith.remsi %add3A_1094, %select_n3A_1139 : i32
        %ne3A_1141 = arith.constant 0 : i32
        %ne3A_1142 = arith.cmpi ne, %rem3A_1140, %ne3A_1141 : i32
        %lt3A_1143 = arith.constant 0 : i32
        %lt3A_1144 = arith.cmpi slt, %rem3A_1140, %lt3A_1143 : i32
        %lt3A_1145 = arith.constant 0 : i32
        %lt3A_1146 = arith.cmpi slt, %select_n3A_1139, %lt3A_1145 : i32
        %ne3A_1147 = arith.xori %lt3A_1144, %lt3A_1146 : i1
        %and3A_1148 = arith.andi %ne3A_1147, %ne3A_1142 : i1
        %add3A_1149 = arith.addi %rem3A_1140, %select_n3A_1139 : i32
        %select_n3A_1150 = arith.select %and3A_1148, %add3A_1149, %rem3A_1140 : i32
        %dma_start3A_1151 = arith.constant 0 : i32
        %dma_start3A_1152 = tpu.memref_slice %arg12[%select_n3A_1134, %select_n3A_1150, %dma_start3A_1151] : memref<2x50x40xi32, #tpu.memory_space<vmem>> -> memref<1x1x40xi32, #tpu.memory_space<vmem>>
        %dma_start3A_1153 = tpu.memref_squeeze %dma_start3A_1152 : memref<1x1x40xi32, #tpu.memory_space<vmem>> -> memref<40xi32, #tpu.memory_space<vmem>>
        %dma_start3A_1154 = arith.constant 0 : i32
        %dma_start3A_1155 = arith.constant 0 : i32
        %dma_start3A_1156 = tpu.memref_slice %arg2[%dma_start3A_1154, %dma_start3A_1155] : memref<10000x128xf32, #tpu.memory_space<hbm>> -> memref<10000x128xf32, #tpu.memory_space<hbm>>
        tpu.enqueue_indirect_dma source(%dma_start3A_1156 : memref<10000x128xf32, #tpu.memory_space<hbm>>) target(%arg17 : memref<40x128xf32, #tpu.memory_space<vmem>>) offsets(%dma_start3A_1153 : memref<40xi32, #tpu.memory_space<vmem>>) semaphore(%arg26 : memref<!tpu.dma_semaphore, #tpu.memory_space<semaphore_mem>>)
      } else {
      }
      %eq3A_1073 = arith.constant 30 : i32
      %eq3A_1074 = arith.cmpi eq, %select_n3A_1065, %eq3A_1073 : i32
      %lt3A_1075 = arith.constant 200 : i32
      %lt3A_1076 = arith.cmpi slt, %add3A_973, %lt3A_1075 : i32
      %and3A_1077 = arith.andi %eq3A_1074, %lt3A_1076 : i1
      %convert_element_type3A_1078 = arith.extui %and3A_1077 : i1 to i32
      %cond3A_1079 = arith.constant 0 : i32
      %cond3A_1080 = arith.cmpi ne, %convert_element_type3A_1078, %cond3A_1079 : i32
      scf.if %cond3A_1080 {
        %jit3A_1089 = arith.constant 50 : i32
        %div3A_1090 = arith.divsi %add3A_973, %jit3A_1089 : i32
        %sign3A_1091 = arith.constant 0 : i32
        %sign3A_1092 = arith.cmpi sgt, %add3A_973, %sign3A_1091 : i32
        %sign3A_1093 = arith.extui %sign3A_1092 : i1 to i32
        %sign3A_1094 = arith.constant 0 : i32
        %sign3A_1095 = arith.cmpi slt, %add3A_973, %sign3A_1094 : i32
        %sign3A_1096 = arith.extui %sign3A_1095 : i1 to i32
        %sign3A_1097 = arith.subi %sign3A_1093, %sign3A_1096 : i32
        %sign3A_1098 = arith.constant 0 : i32
        %sign3A_1099 = arith.cmpi sgt, %jit3A_1089, %sign3A_1098 : i32
        %sign3A_1100 = arith.extui %sign3A_1099 : i1 to i32
        %sign3A_1101 = arith.constant 0 : i32
        %sign3A_1102 = arith.cmpi slt, %jit3A_1089, %sign3A_1101 : i32
        %sign3A_1103 = arith.extui %sign3A_1102 : i1 to i32
        %sign3A_1104 = arith.subi %sign3A_1100, %sign3A_1103 : i32
        %ne3A_1105 = arith.cmpi ne, %sign3A_1097, %sign3A_1104 : i32
        %rem3A_1106 = arith.remsi %add3A_973, %jit3A_1089 : i32
        %ne3A_1107 = arith.constant 0 : i32
        %ne3A_1108 = arith.cmpi ne, %rem3A_1106, %ne3A_1107 : i32
        %and3A_1109 = arith.andi %ne3A_1105, %ne3A_1108 : i1
        %sub3A_1110 = arith.constant 1 : i32
        %sub3A_1111 = arith.subi %div3A_1090, %sub3A_1110 : i32
        %select_n3A_1112 = arith.select %and3A_1109, %sub3A_1111, %div3A_1090 : i32
        %add3A_1113 = arith.constant 1 : i32
        %add3A_1114 = arith.addi %select_n3A_1112, %add3A_1113 : i32
        %mul3A_1115 = arith.constant 50 : i32
        %mul3A_1116 = arith.muli %add3A_1114, %mul3A_1115 : i32
        %jit3A_1117 = arith.constant 2 : i32
        %eq3A_1118 = arith.constant 0 : i32
        %eq3A_1119 = arith.cmpi eq, %jit3A_1117, %eq3A_1118 : i32
        %jit3A_1120 = arith.constant 1 : i32
        %select_n3A_1121 = arith.select %eq3A_1119, %jit3A_1120, %jit3A_1117 : i32
        %rem3A_1122 = arith.remsi %add3A_1114, %select_n3A_1121 : i32
        %ne3A_1123 = arith.constant 0 : i32
        %ne3A_1124 = arith.cmpi ne, %rem3A_1122, %ne3A_1123 : i32
        %lt3A_1125 = arith.constant 0 : i32
        %lt3A_1126 = arith.cmpi slt, %rem3A_1122, %lt3A_1125 : i32
        %lt3A_1127 = arith.constant 0 : i32
        %lt3A_1128 = arith.cmpi slt, %select_n3A_1121, %lt3A_1127 : i32
        %ne3A_1129 = arith.xori %lt3A_1126, %lt3A_1128 : i1
        %and3A_1130 = arith.andi %ne3A_1129, %ne3A_1124 : i1
        %add3A_1131 = arith.addi %rem3A_1122, %select_n3A_1121 : i32
        %select_n3A_1132 = arith.select %and3A_1130, %add3A_1131, %rem3A_1122 : i32
        %dma_start3A_1133 = arith.constant 0 : i32
        %dma_start3A_1134 = arith.constant 0 : i32
        %dma_start3A_1135 = tpu.memref_slice %arg12[%select_n3A_1132, %dma_start3A_1133, %dma_start3A_1134] : memref<2x50x40xi32, #tpu.memory_space<vmem>> -> memref<1x50x40xi32, #tpu.memory_space<vmem>>
        %dma_start3A_1136 = tpu.memref_squeeze %dma_start3A_1135 : memref<1x50x40xi32, #tpu.memory_space<vmem>> -> memref<50x40xi32, #tpu.memory_space<vmem>>
        %dma_start3A_1137 = arith.constant 0 : i32
        %dma_start3A_1138 = tpu.memref_slice %arg3[%add3A, %mul3A_1116, %dma_start3A_1137] : memref<32x250x40xi32, #tpu.memory_space<hbm>> -> memref<1x50x40xi32, #tpu.memory_space<hbm>>
        %dma_start3A_1139 = tpu.memref_squeeze %dma_start3A_1138 : memref<1x50x40xi32, #tpu.memory_space<hbm>> -> memref<50x40xi32, #tpu.memory_space<hbm>>
        %dma_start3A_1140 = arith.constant 0 : i32
        %dma_start3A_1141 = arith.constant 0 : i32
        %dma_start3A_1142 = tpu.memref_slice %arg12[%select_n3A_1132, %dma_start3A_1140, %dma_start3A_1141] : memref<2x50x40xi32, #tpu.memory_space<vmem>> -> memref<1x50x40xi32, #tpu.memory_space<vmem>>
        %dma_start3A_1143 = tpu.memref_squeeze %dma_start3A_1142 : memref<1x50x40xi32, #tpu.memory_space<vmem>> -> memref<50x40xi32, #tpu.memory_space<vmem>>
        %dma_start3A_1144 = arith.constant 0 : i32
        %dma_start3A_1145 = tpu.memref_slice %arg3[%add3A, %mul3A_1116, %dma_start3A_1144] : memref<32x250x40xi32, #tpu.memory_space<hbm>> -> memref<1x50x40xi32, #tpu.memory_space<hbm>>
        %dma_start3A_1146 = tpu.memref_squeeze %dma_start3A_1145 : memref<1x50x40xi32, #tpu.memory_space<hbm>> -> memref<50x40xi32, #tpu.memory_space<hbm>>
        tpu.enqueue_dma source(%dma_start3A_1146 : memref<50x40xi32, #tpu.memory_space<hbm>>) target(%dma_start3A_1143 : memref<50x40xi32, #tpu.memory_space<vmem>>) target_semaphore(%arg21 : memref<!tpu.dma_semaphore, #tpu.memory_space<semaphore_mem>>)
        %mul3A_1147 = arith.constant 50 : i32
        %mul3A_1148 = arith.muli %add3A_1114, %mul3A_1147 : i32
        %jit3A_1149 = arith.constant 2 : i32
        %eq3A_1150 = arith.constant 0 : i32
        %eq3A_1151 = arith.cmpi eq, %jit3A_1149, %eq3A_1150 : i32
        %jit3A_1152 = arith.constant 1 : i32
        %select_n3A_1153 = arith.select %eq3A_1151, %jit3A_1152, %jit3A_1149 : i32
        %rem3A_1154 = arith.remsi %add3A_1114, %select_n3A_1153 : i32
        %ne3A_1155 = arith.constant 0 : i32
        %ne3A_1156 = arith.cmpi ne, %rem3A_1154, %ne3A_1155 : i32
        %lt3A_1157 = arith.constant 0 : i32
        %lt3A_1158 = arith.cmpi slt, %rem3A_1154, %lt3A_1157 : i32
        %lt3A_1159 = arith.constant 0 : i32
        %lt3A_1160 = arith.cmpi slt, %select_n3A_1153, %lt3A_1159 : i32
        %ne3A_1161 = arith.xori %lt3A_1158, %lt3A_1160 : i1
        %and3A_1162 = arith.andi %ne3A_1161, %ne3A_1156 : i1
        %add3A_1163 = arith.addi %rem3A_1154, %select_n3A_1153 : i32
        %select_n3A_1164 = arith.select %and3A_1162, %add3A_1163, %rem3A_1154 : i32
        %dma_start3A_1165 = arith.constant 0 : i32
        %dma_start3A_1166 = arith.constant 0 : i32
        %dma_start3A_1167 = tpu.memref_slice %arg13[%select_n3A_1164, %dma_start3A_1165, %dma_start3A_1166] : memref<2x50x40xi32, #tpu.memory_space<vmem>> -> memref<1x50x40xi32, #tpu.memory_space<vmem>>
        %dma_start3A_1168 = tpu.memref_squeeze %dma_start3A_1167 : memref<1x50x40xi32, #tpu.memory_space<vmem>> -> memref<50x40xi32, #tpu.memory_space<vmem>>
        %dma_start3A_1169 = arith.constant 0 : i32
        %dma_start3A_1170 = tpu.memref_slice %arg4[%add3A, %mul3A_1148, %dma_start3A_1169] : memref<32x250x40xi32, #tpu.memory_space<hbm>> -> memref<1x50x40xi32, #tpu.memory_space<hbm>>
        %dma_start3A_1171 = tpu.memref_squeeze %dma_start3A_1170 : memref<1x50x40xi32, #tpu.memory_space<hbm>> -> memref<50x40xi32, #tpu.memory_space<hbm>>
        %dma_start3A_1172 = arith.constant 0 : i32
        %dma_start3A_1173 = arith.constant 0 : i32
        %dma_start3A_1174 = tpu.memref_slice %arg13[%select_n3A_1164, %dma_start3A_1172, %dma_start3A_1173] : memref<2x50x40xi32, #tpu.memory_space<vmem>> -> memref<1x50x40xi32, #tpu.memory_space<vmem>>
        %dma_start3A_1175 = tpu.memref_squeeze %dma_start3A_1174 : memref<1x50x40xi32, #tpu.memory_space<vmem>> -> memref<50x40xi32, #tpu.memory_space<vmem>>
        %dma_start3A_1176 = arith.constant 0 : i32
        %dma_start3A_1177 = tpu.memref_slice %arg4[%add3A, %mul3A_1148, %dma_start3A_1176] : memref<32x250x40xi32, #tpu.memory_space<hbm>> -> memref<1x50x40xi32, #tpu.memory_space<hbm>>
        %dma_start3A_1178 = tpu.memref_squeeze %dma_start3A_1177 : memref<1x50x40xi32, #tpu.memory_space<hbm>> -> memref<50x40xi32, #tpu.memory_space<hbm>>
        tpu.enqueue_dma source(%dma_start3A_1178 : memref<50x40xi32, #tpu.memory_space<hbm>>) target(%dma_start3A_1175 : memref<50x40xi32, #tpu.memory_space<vmem>>) target_semaphore(%arg22 : memref<!tpu.dma_semaphore, #tpu.memory_space<semaphore_mem>>)
      } else {
      }
      %eq3A_1081 = arith.constant 45 : i32
      %eq3A_1082 = arith.cmpi eq, %select_n3A_1065, %eq3A_1081 : i32
      %lt3A_1083 = arith.constant 200 : i32
      %lt3A_1084 = arith.cmpi slt, %add3A_973, %lt3A_1083 : i32
      %and3A_1085 = arith.andi %eq3A_1082, %lt3A_1084 : i1
      %convert_element_type3A_1086 = arith.extui %and3A_1085 : i1 to i32
      %cond3A_1087 = arith.constant 0 : i32
      %cond3A_1088 = arith.cmpi ne, %convert_element_type3A_1086, %cond3A_1087 : i32
      scf.if %cond3A_1088 {
        %dma_wait3A_1089 = arith.constant 0 : i32
        %dma_wait3A_1090 = arith.constant 0 : i32
        %dma_wait3A_1091 = arith.constant 0 : i32
        %dma_wait3A_1092 = tpu.memref_slice %arg12[%dma_wait3A_1089, %dma_wait3A_1090, %dma_wait3A_1091] : memref<2x50x40xi32, #tpu.memory_space<vmem>> -> memref<1x50x40xi32, #tpu.memory_space<vmem>>
        %dma_wait3A_1093 = tpu.memref_squeeze %dma_wait3A_1092 : memref<1x50x40xi32, #tpu.memory_space<vmem>> -> memref<50x40xi32, #tpu.memory_space<vmem>>
        %dma_wait3A_1094 = arith.constant 0 : i32
        %dma_wait3A_1095 = arith.constant 0 : i32
        %dma_wait3A_1096 = tpu.memref_slice %arg3[%add3A, %dma_wait3A_1094, %dma_wait3A_1095] : memref<32x250x40xi32, #tpu.memory_space<hbm>> -> memref<1x50x40xi32, #tpu.memory_space<hbm>>
        %dma_wait3A_1097 = tpu.memref_squeeze %dma_wait3A_1096 : memref<1x50x40xi32, #tpu.memory_space<hbm>> -> memref<50x40xi32, #tpu.memory_space<hbm>>
        %dma_wait3A_1098 = arith.constant 0 : i32
        %dma_wait3A_1099 = arith.constant 0 : i32
        %dma_wait3A_1100 = tpu.memref_slice %arg12[%dma_wait3A_1089, %dma_wait3A_1098, %dma_wait3A_1099] : memref<2x50x40xi32, #tpu.memory_space<vmem>> -> memref<1x50x40xi32, #tpu.memory_space<vmem>>
        %dma_wait3A_1101 = tpu.memref_squeeze %dma_wait3A_1100 : memref<1x50x40xi32, #tpu.memory_space<vmem>> -> memref<50x40xi32, #tpu.memory_space<vmem>>
        %dma_wait3A_1102 = arith.constant 0 : i32
        %dma_wait3A_1103 = arith.constant 0 : i32
        %dma_wait3A_1104 = tpu.memref_slice %arg3[%add3A, %dma_wait3A_1102, %dma_wait3A_1103] : memref<32x250x40xi32, #tpu.memory_space<hbm>> -> memref<1x50x40xi32, #tpu.memory_space<hbm>>
        %dma_wait3A_1105 = tpu.memref_squeeze %dma_wait3A_1104 : memref<1x50x40xi32, #tpu.memory_space<hbm>> -> memref<50x40xi32, #tpu.memory_space<hbm>>
        tpu.wait_dma2 semaphore(%arg21 : memref<!tpu.dma_semaphore, #tpu.memory_space<semaphore_mem>>) src(%dma_wait3A_1105 : memref<50x40xi32, #tpu.memory_space<hbm>>) dst(%dma_wait3A_1101 : memref<50x40xi32, #tpu.memory_space<vmem>>)
        %dma_wait3A_1106 = arith.constant 0 : i32
        %dma_wait3A_1107 = arith.constant 0 : i32
        %dma_wait3A_1108 = arith.constant 0 : i32
        %dma_wait3A_1109 = tpu.memref_slice %arg13[%dma_wait3A_1106, %dma_wait3A_1107, %dma_wait3A_1108] : memref<2x50x40xi32, #tpu.memory_space<vmem>> -> memref<1x50x40xi32, #tpu.memory_space<vmem>>
        %dma_wait3A_1110 = tpu.memref_squeeze %dma_wait3A_1109 : memref<1x50x40xi32, #tpu.memory_space<vmem>> -> memref<50x40xi32, #tpu.memory_space<vmem>>
        %dma_wait3A_1111 = arith.constant 0 : i32
        %dma_wait3A_1112 = arith.constant 0 : i32
        %dma_wait3A_1113 = tpu.memref_slice %arg4[%add3A, %dma_wait3A_1111, %dma_wait3A_1112] : memref<32x250x40xi32, #tpu.memory_space<hbm>> -> memref<1x50x40xi32, #tpu.memory_space<hbm>>
        %dma_wait3A_1114 = tpu.memref_squeeze %dma_wait3A_1113 : memref<1x50x40xi32, #tpu.memory_space<hbm>> -> memref<50x40xi32, #tpu.memory_space<hbm>>
        %dma_wait3A_1115 = arith.constant 0 : i32
        %dma_wait3A_1116 = arith.constant 0 : i32
        %dma_wait3A_1117 = tpu.memref_slice %arg13[%dma_wait3A_1106, %dma_wait3A_1115, %dma_wait3A_1116] : memref<2x50x40xi32, #tpu.memory_space<vmem>> -> memref<1x50x40xi32, #tpu.memory_space<vmem>>
        %dma_wait3A_1118 = tpu.memref_squeeze %dma_wait3A_1117 : memref<1x50x40xi32, #tpu.memory_space<vmem>> -> memref<50x40xi32, #tpu.memory_space<vmem>>
        %dma_wait3A_1119 = arith.constant 0 : i32
        %dma_wait3A_1120 = arith.constant 0 : i32
        %dma_wait3A_1121 = tpu.memref_slice %arg4[%add3A, %dma_wait3A_1119, %dma_wait3A_1120] : memref<32x250x40xi32, #tpu.memory_space<hbm>> -> memref<1x50x40xi32, #tpu.memory_space<hbm>>
        %dma_wait3A_1122 = tpu.memref_squeeze %dma_wait3A_1121 : memref<1x50x40xi32, #tpu.memory_space<hbm>> -> memref<50x40xi32, #tpu.memory_space<hbm>>
        tpu.wait_dma2 semaphore(%arg22 : memref<!tpu.dma_semaphore, #tpu.memory_space<semaphore_mem>>) src(%dma_wait3A_1122 : memref<50x40xi32, #tpu.memory_space<hbm>>) dst(%dma_wait3A_1118 : memref<50x40xi32, #tpu.memory_space<vmem>>)
      } else {
      }
    }
    %scan3A_189 = arith.constant 41 : i32
    %dma_wait3A_190 = arith.constant 0 : i32
    %dma_wait3A_191 = arith.constant 0 : i32
    %dma_wait3A_192 = arith.constant 0 : i32
    %dma_wait3A_193 = tpu.memref_slice %arg12[%dma_wait3A_190, %dma_wait3A_191, %dma_wait3A_192] : memref<2x50x40xi32, #tpu.memory_space<vmem>> -> memref<1x1x40xi32, #tpu.memory_space<vmem>>
    %dma_wait3A_194 = tpu.memref_squeeze %dma_wait3A_193 : memref<1x1x40xi32, #tpu.memory_space<vmem>> -> memref<40xi32, #tpu.memory_space<vmem>>
    %dma_wait3A_195 = arith.constant 0 : i32
    %dma_wait3A_196 = arith.constant 0 : i32
    %dma_wait3A_197 = tpu.memref_slice %arg2[%dma_wait3A_195, %dma_wait3A_196] : memref<10000x128xf32, #tpu.memory_space<hbm>> -> memref<10000x128xf32, #tpu.memory_space<hbm>>
    tpu.wait_indirect_dma semaphore(%arg23 : memref<!tpu.dma_semaphore, #tpu.memory_space<semaphore_mem>>) src(%dma_wait3A_197 : memref<10000x128xf32, #tpu.memory_space<hbm>>) dst(%arg14 : memref<40x128xf32, #tpu.memory_space<vmem>>)
    %dma_start3A_198 = arith.constant 0 : i32
    %dma_start3A_199 = arith.constant 46 : i32
    %dma_start3A_200 = arith.constant 0 : i32
    %dma_start3A_201 = tpu.memref_slice %arg13[%dma_start3A_198, %dma_start3A_199, %dma_start3A_200] : memref<2x50x40xi32, #tpu.memory_space<vmem>> -> memref<1x1x40xi32, #tpu.memory_space<vmem>>
    %dma_start3A_202 = tpu.memref_squeeze %dma_start3A_201 : memref<1x1x40xi32, #tpu.memory_space<vmem>> -> memref<40xi32, #tpu.memory_space<vmem>>
    %dma_start3A_203 = arith.constant 0 : i32
    %dma_start3A_204 = arith.constant 0 : i32
    %dma_start3A_205 = tpu.memref_slice %arg10[%dma_start3A_203, %dma_start3A_204] : memref<10112x128xf32, #tpu.memory_space<vmem_shared>> -> memref<10112x128xf32, #tpu.memory_space<vmem_shared>>
    tpu.enqueue_indirect_dma source(%arg14 : memref<40x128xf32, #tpu.memory_space<vmem>>) target(%dma_start3A_205 : memref<10112x128xf32, #tpu.memory_space<vmem_shared>>) offsets(%dma_start3A_202 : memref<40xi32, #tpu.memory_space<vmem>>) semaphore(%arg29 : memref<!tpu.dma_semaphore, #tpu.memory_space<semaphore_mem>>) {add = true}
    %dma_start3A_206 = arith.constant 0 : i32
    %dma_start3A_207 = arith.constant 46 : i32
    %dma_start3A_208 = arith.constant 0 : i32
    %dma_start3A_209 = tpu.memref_slice %arg13[%dma_start3A_206, %dma_start3A_207, %dma_start3A_208] : memref<2x50x40xi32, #tpu.memory_space<vmem>> -> memref<1x1x40xi32, #tpu.memory_space<vmem>>
    %dma_start3A_210 = tpu.memref_squeeze %dma_start3A_209 : memref<1x1x40xi32, #tpu.memory_space<vmem>> -> memref<40xi32, #tpu.memory_space<vmem>>
    %dma_start3A_211 = arith.constant 0 : i32
    %dma_start3A_212 = arith.constant 0 : i32
    %dma_start3A_213 = tpu.memref_slice %arg11[%dma_start3A_211, %dma_start3A_212] : memref<10112x16xf32, #tpu.memory_space<vmem_shared>> -> memref<10112x16xf32, #tpu.memory_space<vmem_shared>>
    tpu.enqueue_indirect_dma source(%arg20 : memref<40x16xf32, #tpu.memory_space<vmem>>) target(%dma_start3A_213 : memref<10112x16xf32, #tpu.memory_space<vmem_shared>>) offsets(%dma_start3A_210 : memref<40xi32, #tpu.memory_space<vmem>>) semaphore(%arg29 : memref<!tpu.dma_semaphore, #tpu.memory_space<semaphore_mem>>) {add = true}
    %dma_wait3A_214 = arith.constant 0 : i32
    %dma_wait3A_215 = arith.constant 0 : i32
    %dma_wait3A_216 = arith.constant 0 : i32
    %dma_wait3A_217 = tpu.memref_slice %arg12[%dma_wait3A_214, %dma_wait3A_215, %dma_wait3A_216] : memref<2x50x40xi32, #tpu.memory_space<vmem>> -> memref<1x1x40xi32, #tpu.memory_space<vmem>>
    %dma_wait3A_218 = tpu.memref_squeeze %dma_wait3A_217 : memref<1x1x40xi32, #tpu.memory_space<vmem>> -> memref<40xi32, #tpu.memory_space<vmem>>
    %dma_wait3A_219 = arith.constant 0 : i32
    %dma_wait3A_220 = arith.constant 0 : i32
    %dma_wait3A_221 = tpu.memref_slice %arg2[%dma_wait3A_219, %dma_wait3A_220] : memref<10000x128xf32, #tpu.memory_space<hbm>> -> memref<10000x128xf32, #tpu.memory_space<hbm>>
    tpu.wait_indirect_dma semaphore(%arg24 : memref<!tpu.dma_semaphore, #tpu.memory_space<semaphore_mem>>) src(%dma_wait3A_221 : memref<10000x128xf32, #tpu.memory_space<hbm>>) dst(%arg15 : memref<40x128xf32, #tpu.memory_space<vmem>>)
    %dma_start3A_222 = arith.constant 0 : i32
    %dma_start3A_223 = arith.constant 47 : i32
    %dma_start3A_224 = arith.constant 0 : i32
    %dma_start3A_225 = tpu.memref_slice %arg13[%dma_start3A_222, %dma_start3A_223, %dma_start3A_224] : memref<2x50x40xi32, #tpu.memory_space<vmem>> -> memref<1x1x40xi32, #tpu.memory_space<vmem>>
    %dma_start3A_226 = tpu.memref_squeeze %dma_start3A_225 : memref<1x1x40xi32, #tpu.memory_space<vmem>> -> memref<40xi32, #tpu.memory_space<vmem>>
    %dma_start3A_227 = arith.constant 0 : i32
    %dma_start3A_228 = arith.constant 0 : i32
    %dma_start3A_229 = tpu.memref_slice %arg10[%dma_start3A_227, %dma_start3A_228] : memref<10112x128xf32, #tpu.memory_space<vmem_shared>> -> memref<10112x128xf32, #tpu.memory_space<vmem_shared>>
    tpu.enqueue_indirect_dma source(%arg15 : memref<40x128xf32, #tpu.memory_space<vmem>>) target(%dma_start3A_229 : memref<10112x128xf32, #tpu.memory_space<vmem_shared>>) offsets(%dma_start3A_226 : memref<40xi32, #tpu.memory_space<vmem>>) semaphore(%arg30 : memref<!tpu.dma_semaphore, #tpu.memory_space<semaphore_mem>>) {add = true}
    %dma_start3A_230 = arith.constant 0 : i32
    %dma_start3A_231 = arith.constant 47 : i32
    %dma_start3A_232 = arith.constant 0 : i32
    %dma_start3A_233 = tpu.memref_slice %arg13[%dma_start3A_230, %dma_start3A_231, %dma_start3A_232] : memref<2x50x40xi32, #tpu.memory_space<vmem>> -> memref<1x1x40xi32, #tpu.memory_space<vmem>>
    %dma_start3A_234 = tpu.memref_squeeze %dma_start3A_233 : memref<1x1x40xi32, #tpu.memory_space<vmem>> -> memref<40xi32, #tpu.memory_space<vmem>>
    %dma_start3A_235 = arith.constant 0 : i32
    %dma_start3A_236 = arith.constant 0 : i32
    %dma_start3A_237 = tpu.memref_slice %arg11[%dma_start3A_235, %dma_start3A_236] : memref<10112x16xf32, #tpu.memory_space<vmem_shared>> -> memref<10112x16xf32, #tpu.memory_space<vmem_shared>>
    tpu.enqueue_indirect_dma source(%arg20 : memref<40x16xf32, #tpu.memory_space<vmem>>) target(%dma_start3A_237 : memref<10112x16xf32, #tpu.memory_space<vmem_shared>>) offsets(%dma_start3A_234 : memref<40xi32, #tpu.memory_space<vmem>>) semaphore(%arg30 : memref<!tpu.dma_semaphore, #tpu.memory_space<semaphore_mem>>) {add = true}
    %dma_wait3A_238 = arith.constant 0 : i32
    %dma_wait3A_239 = arith.constant 0 : i32
    %dma_wait3A_240 = arith.constant 0 : i32
    %dma_wait3A_241 = tpu.memref_slice %arg12[%dma_wait3A_238, %dma_wait3A_239, %dma_wait3A_240] : memref<2x50x40xi32, #tpu.memory_space<vmem>> -> memref<1x1x40xi32, #tpu.memory_space<vmem>>
    %dma_wait3A_242 = tpu.memref_squeeze %dma_wait3A_241 : memref<1x1x40xi32, #tpu.memory_space<vmem>> -> memref<40xi32, #tpu.memory_space<vmem>>
    %dma_wait3A_243 = arith.constant 0 : i32
    %dma_wait3A_244 = arith.constant 0 : i32
    %dma_wait3A_245 = tpu.memref_slice %arg2[%dma_wait3A_243, %dma_wait3A_244] : memref<10000x128xf32, #tpu.memory_space<hbm>> -> memref<10000x128xf32, #tpu.memory_space<hbm>>
    tpu.wait_indirect_dma semaphore(%arg25 : memref<!tpu.dma_semaphore, #tpu.memory_space<semaphore_mem>>) src(%dma_wait3A_245 : memref<10000x128xf32, #tpu.memory_space<hbm>>) dst(%arg16 : memref<40x128xf32, #tpu.memory_space<vmem>>)
    %dma_start3A_246 = arith.constant 0 : i32
    %dma_start3A_247 = arith.constant 48 : i32
    %dma_start3A_248 = arith.constant 0 : i32
    %dma_start3A_249 = tpu.memref_slice %arg13[%dma_start3A_246, %dma_start3A_247, %dma_start3A_248] : memref<2x50x40xi32, #tpu.memory_space<vmem>> -> memref<1x1x40xi32, #tpu.memory_space<vmem>>
    %dma_start3A_250 = tpu.memref_squeeze %dma_start3A_249 : memref<1x1x40xi32, #tpu.memory_space<vmem>> -> memref<40xi32, #tpu.memory_space<vmem>>
    %dma_start3A_251 = arith.constant 0 : i32
    %dma_start3A_252 = arith.constant 0 : i32
    %dma_start3A_253 = tpu.memref_slice %arg10[%dma_start3A_251, %dma_start3A_252] : memref<10112x128xf32, #tpu.memory_space<vmem_shared>> -> memref<10112x128xf32, #tpu.memory_space<vmem_shared>>
    tpu.enqueue_indirect_dma source(%arg16 : memref<40x128xf32, #tpu.memory_space<vmem>>) target(%dma_start3A_253 : memref<10112x128xf32, #tpu.memory_space<vmem_shared>>) offsets(%dma_start3A_250 : memref<40xi32, #tpu.memory_space<vmem>>) semaphore(%arg31 : memref<!tpu.dma_semaphore, #tpu.memory_space<semaphore_mem>>) {add = true}
    %dma_start3A_254 = arith.constant 0 : i32
    %dma_start3A_255 = arith.constant 48 : i32
    %dma_start3A_256 = arith.constant 0 : i32
    %dma_start3A_257 = tpu.memref_slice %arg13[%dma_start3A_254, %dma_start3A_255, %dma_start3A_256] : memref<2x50x40xi32, #tpu.memory_space<vmem>> -> memref<1x1x40xi32, #tpu.memory_space<vmem>>
    %dma_start3A_258 = tpu.memref_squeeze %dma_start3A_257 : memref<1x1x40xi32, #tpu.memory_space<vmem>> -> memref<40xi32, #tpu.memory_space<vmem>>
    %dma_start3A_259 = arith.constant 0 : i32
    %dma_start3A_260 = arith.constant 0 : i32
    %dma_start3A_261 = tpu.memref_slice %arg11[%dma_start3A_259, %dma_start3A_260] : memref<10112x16xf32, #tpu.memory_space<vmem_shared>> -> memref<10112x16xf32, #tpu.memory_space<vmem_shared>>
    tpu.enqueue_indirect_dma source(%arg20 : memref<40x16xf32, #tpu.memory_space<vmem>>) target(%dma_start3A_261 : memref<10112x16xf32, #tpu.memory_space<vmem_shared>>) offsets(%dma_start3A_258 : memref<40xi32, #tpu.memory_space<vmem>>) semaphore(%arg31 : memref<!tpu.dma_semaphore, #tpu.memory_space<semaphore_mem>>) {add = true}
    %dma_wait3A_262 = arith.constant 0 : i32
    %dma_wait3A_263 = arith.constant 0 : i32
    %dma_wait3A_264 = arith.constant 0 : i32
    %dma_wait3A_265 = tpu.memref_slice %arg12[%dma_wait3A_262, %dma_wait3A_263, %dma_wait3A_264] : memref<2x50x40xi32, #tpu.memory_space<vmem>> -> memref<1x1x40xi32, #tpu.memory_space<vmem>>
    %dma_wait3A_266 = tpu.memref_squeeze %dma_wait3A_265 : memref<1x1x40xi32, #tpu.memory_space<vmem>> -> memref<40xi32, #tpu.memory_space<vmem>>
    %dma_wait3A_267 = arith.constant 0 : i32
    %dma_wait3A_268 = arith.constant 0 : i32
    %dma_wait3A_269 = tpu.memref_slice %arg2[%dma_wait3A_267, %dma_wait3A_268] : memref<10000x128xf32, #tpu.memory_space<hbm>> -> memref<10000x128xf32, #tpu.memory_space<hbm>>
    tpu.wait_indirect_dma semaphore(%arg26 : memref<!tpu.dma_semaphore, #tpu.memory_space<semaphore_mem>>) src(%dma_wait3A_269 : memref<10000x128xf32, #tpu.memory_space<hbm>>) dst(%arg17 : memref<40x128xf32, #tpu.memory_space<vmem>>)
    %dma_start3A_270 = arith.constant 0 : i32
    %dma_start3A_271 = arith.constant 49 : i32
    %dma_start3A_272 = arith.constant 0 : i32
    %dma_start3A_273 = tpu.memref_slice %arg13[%dma_start3A_270, %dma_start3A_271, %dma_start3A_272] : memref<2x50x40xi32, #tpu.memory_space<vmem>> -> memref<1x1x40xi32, #tpu.memory_space<vmem>>
    %dma_start3A_274 = tpu.memref_squeeze %dma_start3A_273 : memref<1x1x40xi32, #tpu.memory_space<vmem>> -> memref<40xi32, #tpu.memory_space<vmem>>
    %dma_start3A_275 = arith.constant 0 : i32
    %dma_start3A_276 = arith.constant 0 : i32
    %dma_start3A_277 = tpu.memref_slice %arg10[%dma_start3A_275, %dma_start3A_276] : memref<10112x128xf32, #tpu.memory_space<vmem_shared>> -> memref<10112x128xf32, #tpu.memory_space<vmem_shared>>
    tpu.enqueue_indirect_dma source(%arg17 : memref<40x128xf32, #tpu.memory_space<vmem>>) target(%dma_start3A_277 : memref<10112x128xf32, #tpu.memory_space<vmem_shared>>) offsets(%dma_start3A_274 : memref<40xi32, #tpu.memory_space<vmem>>) semaphore(%arg32 : memref<!tpu.dma_semaphore, #tpu.memory_space<semaphore_mem>>) {add = true}
    %dma_start3A_278 = arith.constant 0 : i32
    %dma_start3A_279 = arith.constant 49 : i32
    %dma_start3A_280 = arith.constant 0 : i32
    %dma_start3A_281 = tpu.memref_slice %arg13[%dma_start3A_278, %dma_start3A_279, %dma_start3A_280] : memref<2x50x40xi32, #tpu.memory_space<vmem>> -> memref<1x1x40xi32, #tpu.memory_space<vmem>>
    %dma_start3A_282 = tpu.memref_squeeze %dma_start3A_281 : memref<1x1x40xi32, #tpu.memory_space<vmem>> -> memref<40xi32, #tpu.memory_space<vmem>>
    %dma_start3A_283 = arith.constant 0 : i32
    %dma_start3A_284 = arith.constant 0 : i32
    %dma_start3A_285 = tpu.memref_slice %arg11[%dma_start3A_283, %dma_start3A_284] : memref<10112x16xf32, #tpu.memory_space<vmem_shared>> -> memref<10112x16xf32, #tpu.memory_space<vmem_shared>>
    tpu.enqueue_indirect_dma source(%arg20 : memref<40x16xf32, #tpu.memory_space<vmem>>) target(%dma_start3A_285 : memref<10112x16xf32, #tpu.memory_space<vmem_shared>>) offsets(%dma_start3A_282 : memref<40xi32, #tpu.memory_space<vmem>>) semaphore(%arg32 : memref<!tpu.dma_semaphore, #tpu.memory_space<semaphore_mem>>) {add = true}
    %dma_wait3A_286 = arith.constant 0 : i32
    %dma_wait3A_287 = arith.constant 0 : i32
    %dma_wait3A_288 = arith.constant 0 : i32
    %dma_wait3A_289 = tpu.memref_slice %arg13[%dma_wait3A_286, %dma_wait3A_287, %dma_wait3A_288] : memref<2x50x40xi32, #tpu.memory_space<vmem>> -> memref<1x1x40xi32, #tpu.memory_space<vmem>>
    %dma_wait3A_290 = tpu.memref_squeeze %dma_wait3A_289 : memref<1x1x40xi32, #tpu.memory_space<vmem>> -> memref<40xi32, #tpu.memory_space<vmem>>
    %dma_wait3A_291 = arith.constant 0 : i32
    %dma_wait3A_292 = arith.constant 0 : i32
    %dma_wait3A_293 = tpu.memref_slice %arg10[%dma_wait3A_291, %dma_wait3A_292] : memref<10112x128xf32, #tpu.memory_space<vmem_shared>> -> memref<10112x128xf32, #tpu.memory_space<vmem_shared>>
    tpu.wait_indirect_dma semaphore(%arg29 : memref<!tpu.dma_semaphore, #tpu.memory_space<semaphore_mem>>) src(%arg14 : memref<40x128xf32, #tpu.memory_space<vmem>>) dst(%dma_wait3A_293 : memref<10112x128xf32, #tpu.memory_space<vmem_shared>>)
    %dma_wait3A_294 = arith.constant 0 : i32
    %dma_wait3A_295 = arith.constant 0 : i32
    %dma_wait3A_296 = arith.constant 0 : i32
    %dma_wait3A_297 = tpu.memref_slice %arg13[%dma_wait3A_294, %dma_wait3A_295, %dma_wait3A_296] : memref<2x50x40xi32, #tpu.memory_space<vmem>> -> memref<1x1x40xi32, #tpu.memory_space<vmem>>
    %dma_wait3A_298 = tpu.memref_squeeze %dma_wait3A_297 : memref<1x1x40xi32, #tpu.memory_space<vmem>> -> memref<40xi32, #tpu.memory_space<vmem>>
    %dma_wait3A_299 = arith.constant 0 : i32
    %dma_wait3A_300 = arith.constant 0 : i32
    %dma_wait3A_301 = tpu.memref_slice %arg11[%dma_wait3A_299, %dma_wait3A_300] : memref<10112x16xf32, #tpu.memory_space<vmem_shared>> -> memref<10112x16xf32, #tpu.memory_space<vmem_shared>>
    tpu.wait_indirect_dma semaphore(%arg29 : memref<!tpu.dma_semaphore, #tpu.memory_space<semaphore_mem>>) src(%arg20 : memref<40x16xf32, #tpu.memory_space<vmem>>) dst(%dma_wait3A_301 : memref<10112x16xf32, #tpu.memory_space<vmem_shared>>)
    %dma_wait3A_302 = arith.constant 0 : i32
    %dma_wait3A_303 = arith.constant 0 : i32
    %dma_wait3A_304 = arith.constant 0 : i32
    %dma_wait3A_305 = tpu.memref_slice %arg13[%dma_wait3A_302, %dma_wait3A_303, %dma_wait3A_304] : memref<2x50x40xi32, #tpu.memory_space<vmem>> -> memref<1x1x40xi32, #tpu.memory_space<vmem>>
    %dma_wait3A_306 = tpu.memref_squeeze %dma_wait3A_305 : memref<1x1x40xi32, #tpu.memory_space<vmem>> -> memref<40xi32, #tpu.memory_space<vmem>>
    %dma_wait3A_307 = arith.constant 0 : i32
    %dma_wait3A_308 = arith.constant 0 : i32
    %dma_wait3A_309 = tpu.memref_slice %arg10[%dma_wait3A_307, %dma_wait3A_308] : memref<10112x128xf32, #tpu.memory_space<vmem_shared>> -> memref<10112x128xf32, #tpu.memory_space<vmem_shared>>
    tpu.wait_indirect_dma semaphore(%arg30 : memref<!tpu.dma_semaphore, #tpu.memory_space<semaphore_mem>>) src(%arg15 : memref<40x128xf32, #tpu.memory_space<vmem>>) dst(%dma_wait3A_309 : memref<10112x128xf32, #tpu.memory_space<vmem_shared>>)
    %dma_wait3A_310 = arith.constant 0 : i32
    %dma_wait3A_311 = arith.constant 0 : i32
    %dma_wait3A_312 = arith.constant 0 : i32
    %dma_wait3A_313 = tpu.memref_slice %arg13[%dma_wait3A_310, %dma_wait3A_311, %dma_wait3A_312] : memref<2x50x40xi32, #tpu.memory_space<vmem>> -> memref<1x1x40xi32, #tpu.memory_space<vmem>>
    %dma_wait3A_314 = tpu.memref_squeeze %dma_wait3A_313 : memref<1x1x40xi32, #tpu.memory_space<vmem>> -> memref<40xi32, #tpu.memory_space<vmem>>
    %dma_wait3A_315 = arith.constant 0 : i32
    %dma_wait3A_316 = arith.constant 0 : i32
    %dma_wait3A_317 = tpu.memref_slice %arg11[%dma_wait3A_315, %dma_wait3A_316] : memref<10112x16xf32, #tpu.memory_space<vmem_shared>> -> memref<10112x16xf32, #tpu.memory_space<vmem_shared>>
    tpu.wait_indirect_dma semaphore(%arg30 : memref<!tpu.dma_semaphore, #tpu.memory_space<semaphore_mem>>) src(%arg20 : memref<40x16xf32, #tpu.memory_space<vmem>>) dst(%dma_wait3A_317 : memref<10112x16xf32, #tpu.memory_space<vmem_shared>>)
    %dma_wait3A_318 = arith.constant 0 : i32
    %dma_wait3A_319 = arith.constant 0 : i32
    %dma_wait3A_320 = arith.constant 0 : i32
    %dma_wait3A_321 = tpu.memref_slice %arg13[%dma_wait3A_318, %dma_wait3A_319, %dma_wait3A_320] : memref<2x50x40xi32, #tpu.memory_space<vmem>> -> memref<1x1x40xi32, #tpu.memory_space<vmem>>
    %dma_wait3A_322 = tpu.memref_squeeze %dma_wait3A_321 : memref<1x1x40xi32, #tpu.memory_space<vmem>> -> memref<40xi32, #tpu.memory_space<vmem>>
    %dma_wait3A_323 = arith.constant 0 : i32
    %dma_wait3A_324 = arith.constant 0 : i32
    %dma_wait3A_325 = tpu.memref_slice %arg10[%dma_wait3A_323, %dma_wait3A_324] : memref<10112x128xf32, #tpu.memory_space<vmem_shared>> -> memref<10112x128xf32, #tpu.memory_space<vmem_shared>>
    tpu.wait_indirect_dma semaphore(%arg31 : memref<!tpu.dma_semaphore, #tpu.memory_space<semaphore_mem>>) src(%arg16 : memref<40x128xf32, #tpu.memory_space<vmem>>) dst(%dma_wait3A_325 : memref<10112x128xf32, #tpu.memory_space<vmem_shared>>)
    %dma_wait3A_326 = arith.constant 0 : i32
    %dma_wait3A_327 = arith.constant 0 : i32
    %dma_wait3A_328 = arith.constant 0 : i32
    %dma_wait3A_329 = tpu.memref_slice %arg13[%dma_wait3A_326, %dma_wait3A_327, %dma_wait3A_328] : memref<2x50x40xi32, #tpu.memory_space<vmem>> -> memref<1x1x40xi32, #tpu.memory_space<vmem>>
    %dma_wait3A_330 = tpu.memref_squeeze %dma_wait3A_329 : memref<1x1x40xi32, #tpu.memory_space<vmem>> -> memref<40xi32, #tpu.memory_space<vmem>>
    %dma_wait3A_331 = arith.constant 0 : i32
    %dma_wait3A_332 = arith.constant 0 : i32
    %dma_wait3A_333 = tpu.memref_slice %arg11[%dma_wait3A_331, %dma_wait3A_332] : memref<10112x16xf32, #tpu.memory_space<vmem_shared>> -> memref<10112x16xf32, #tpu.memory_space<vmem_shared>>
    tpu.wait_indirect_dma semaphore(%arg31 : memref<!tpu.dma_semaphore, #tpu.memory_space<semaphore_mem>>) src(%arg20 : memref<40x16xf32, #tpu.memory_space<vmem>>) dst(%dma_wait3A_333 : memref<10112x16xf32, #tpu.memory_space<vmem_shared>>)
    %dma_wait3A_334 = arith.constant 0 : i32
    %dma_wait3A_335 = arith.constant 0 : i32
    %dma_wait3A_336 = arith.constant 0 : i32
    %dma_wait3A_337 = tpu.memref_slice %arg13[%dma_wait3A_334, %dma_wait3A_335, %dma_wait3A_336] : memref<2x50x40xi32, #tpu.memory_space<vmem>> -> memref<1x1x40xi32, #tpu.memory_space<vmem>>
    %dma_wait3A_338 = tpu.memref_squeeze %dma_wait3A_337 : memref<1x1x40xi32, #tpu.memory_space<vmem>> -> memref<40xi32, #tpu.memory_space<vmem>>
    %dma_wait3A_339 = arith.constant 0 : i32
    %dma_wait3A_340 = arith.constant 0 : i32
    %dma_wait3A_341 = tpu.memref_slice %arg10[%dma_wait3A_339, %dma_wait3A_340] : memref<10112x128xf32, #tpu.memory_space<vmem_shared>> -> memref<10112x128xf32, #tpu.memory_space<vmem_shared>>
    tpu.wait_indirect_dma semaphore(%arg32 : memref<!tpu.dma_semaphore, #tpu.memory_space<semaphore_mem>>) src(%arg17 : memref<40x128xf32, #tpu.memory_space<vmem>>) dst(%dma_wait3A_341 : memref<10112x128xf32, #tpu.memory_space<vmem_shared>>)
    %dma_wait3A_342 = arith.constant 0 : i32
    %dma_wait3A_343 = arith.constant 0 : i32
    %dma_wait3A_344 = arith.constant 0 : i32
    %dma_wait3A_345 = tpu.memref_slice %arg13[%dma_wait3A_342, %dma_wait3A_343, %dma_wait3A_344] : memref<2x50x40xi32, #tpu.memory_space<vmem>> -> memref<1x1x40xi32, #tpu.memory_space<vmem>>
    %dma_wait3A_346 = tpu.memref_squeeze %dma_wait3A_345 : memref<1x1x40xi32, #tpu.memory_space<vmem>> -> memref<40xi32, #tpu.memory_space<vmem>>
    %dma_wait3A_347 = arith.constant 0 : i32
    %dma_wait3A_348 = arith.constant 0 : i32
    %dma_wait3A_349 = tpu.memref_slice %arg11[%dma_wait3A_347, %dma_wait3A_348] : memref<10112x16xf32, #tpu.memory_space<vmem_shared>> -> memref<10112x16xf32, #tpu.memory_space<vmem_shared>>
    tpu.wait_indirect_dma semaphore(%arg32 : memref<!tpu.dma_semaphore, #tpu.memory_space<semaphore_mem>>) src(%arg20 : memref<40x16xf32, #tpu.memory_space<vmem>>) dst(%dma_wait3A_349 : memref<10112x16xf32, #tpu.memory_space<vmem_shared>>)
    %dma_wait3A_350 = arith.constant 0 : i32
    %dma_wait3A_351 = arith.constant 0 : i32
    %dma_wait3A_352 = arith.constant 0 : i32
    %dma_wait3A_353 = tpu.memref_slice %arg13[%dma_wait3A_350, %dma_wait3A_351, %dma_wait3A_352] : memref<2x50x40xi32, #tpu.memory_space<vmem>> -> memref<1x1x40xi32, #tpu.memory_space<vmem>>
    %dma_wait3A_354 = tpu.memref_squeeze %dma_wait3A_353 : memref<1x1x40xi32, #tpu.memory_space<vmem>> -> memref<40xi32, #tpu.memory_space<vmem>>
    %dma_wait3A_355 = arith.constant 0 : i32
    %dma_wait3A_356 = arith.constant 0 : i32
    %dma_wait3A_357 = tpu.memref_slice %arg10[%dma_wait3A_355, %dma_wait3A_356] : memref<10112x128xf32, #tpu.memory_space<vmem_shared>> -> memref<10112x128xf32, #tpu.memory_space<vmem_shared>>
    tpu.wait_indirect_dma semaphore(%arg33 : memref<!tpu.dma_semaphore, #tpu.memory_space<semaphore_mem>>) src(%arg18 : memref<40x128xf32, #tpu.memory_space<vmem>>) dst(%dma_wait3A_357 : memref<10112x128xf32, #tpu.memory_space<vmem_shared>>)
    %dma_wait3A_358 = arith.constant 0 : i32
    %dma_wait3A_359 = arith.constant 0 : i32
    %dma_wait3A_360 = arith.constant 0 : i32
    %dma_wait3A_361 = tpu.memref_slice %arg13[%dma_wait3A_358, %dma_wait3A_359, %dma_wait3A_360] : memref<2x50x40xi32, #tpu.memory_space<vmem>> -> memref<1x1x40xi32, #tpu.memory_space<vmem>>
    %dma_wait3A_362 = tpu.memref_squeeze %dma_wait3A_361 : memref<1x1x40xi32, #tpu.memory_space<vmem>> -> memref<40xi32, #tpu.memory_space<vmem>>
    %dma_wait3A_363 = arith.constant 0 : i32
    %dma_wait3A_364 = arith.constant 0 : i32
    %dma_wait3A_365 = tpu.memref_slice %arg11[%dma_wait3A_363, %dma_wait3A_364] : memref<10112x16xf32, #tpu.memory_space<vmem_shared>> -> memref<10112x16xf32, #tpu.memory_space<vmem_shared>>
    tpu.wait_indirect_dma semaphore(%arg33 : memref<!tpu.dma_semaphore, #tpu.memory_space<semaphore_mem>>) src(%arg20 : memref<40x16xf32, #tpu.memory_space<vmem>>) dst(%dma_wait3A_365 : memref<10112x16xf32, #tpu.memory_space<vmem_shared>>)
    %dma_wait3A_366 = arith.constant 0 : i32
    %dma_wait3A_367 = arith.constant 0 : i32
    %dma_wait3A_368 = arith.constant 0 : i32
    %dma_wait3A_369 = tpu.memref_slice %arg13[%dma_wait3A_366, %dma_wait3A_367, %dma_wait3A_368] : memref<2x50x40xi32, #tpu.memory_space<vmem>> -> memref<1x1x40xi32, #tpu.memory_space<vmem>>
    %dma_wait3A_370 = tpu.memref_squeeze %dma_wait3A_369 : memref<1x1x40xi32, #tpu.memory_space<vmem>> -> memref<40xi32, #tpu.memory_space<vmem>>
    %dma_wait3A_371 = arith.constant 0 : i32
    %dma_wait3A_372 = arith.constant 0 : i32
    %dma_wait3A_373 = tpu.memref_slice %arg10[%dma_wait3A_371, %dma_wait3A_372] : memref<10112x128xf32, #tpu.memory_space<vmem_shared>> -> memref<10112x128xf32, #tpu.memory_space<vmem_shared>>
    tpu.wait_indirect_dma semaphore(%arg34 : memref<!tpu.dma_semaphore, #tpu.memory_space<semaphore_mem>>) src(%arg19 : memref<40x128xf32, #tpu.memory_space<vmem>>) dst(%dma_wait3A_373 : memref<10112x128xf32, #tpu.memory_space<vmem_shared>>)
    %dma_wait3A_374 = arith.constant 0 : i32
    %dma_wait3A_375 = arith.constant 0 : i32
    %dma_wait3A_376 = arith.constant 0 : i32
    %dma_wait3A_377 = tpu.memref_slice %arg13[%dma_wait3A_374, %dma_wait3A_375, %dma_wait3A_376] : memref<2x50x40xi32, #tpu.memory_space<vmem>> -> memref<1x1x40xi32, #tpu.memory_space<vmem>>
    %dma_wait3A_378 = tpu.memref_squeeze %dma_wait3A_377 : memref<1x1x40xi32, #tpu.memory_space<vmem>> -> memref<40xi32, #tpu.memory_space<vmem>>
    %dma_wait3A_379 = arith.constant 0 : i32
    %dma_wait3A_380 = arith.constant 0 : i32
    %dma_wait3A_381 = tpu.memref_slice %arg11[%dma_wait3A_379, %dma_wait3A_380] : memref<10112x16xf32, #tpu.memory_space<vmem_shared>> -> memref<10112x16xf32, #tpu.memory_space<vmem_shared>>
    tpu.wait_indirect_dma semaphore(%arg34 : memref<!tpu.dma_semaphore, #tpu.memory_space<semaphore_mem>>) src(%arg20 : memref<40x16xf32, #tpu.memory_space<vmem>>) dst(%dma_wait3A_381 : memref<10112x16xf32, #tpu.memory_space<vmem_shared>>)
    %barrier3A_382 = arith.constant 0 : index
    tpu.barrier barrier_id(%barrier3A_382)
    %mul3A_383 = arith.constant 10112 : i32
    %mul3A_384 = arith.muli %arg0, %mul3A_383 : i32
    %add3A_385 = arith.addi %mul3A_384, %mul3A_2 : i32
    "tpu.region"() ({
      %run_scoped3A = tpu.sem_alloc : memref<!tpu.dma_semaphore, #tpu.memory_space<semaphore_mem>>
      %dma_start3A_386 = arith.constant 0 : i32
      %dma_start3A_387 = tpu.memref_slice %arg8[%add3A_385, %dma_start3A_386] : memref<20224x128xf32, #tpu.memory_space<hbm>> -> memref<632x128xf32, #tpu.memory_space<hbm>>
      %dma_start3A_388 = arith.constant 0 : i32
      %dma_start3A_389 = tpu.memref_slice %arg10[%mul3A_2, %dma_start3A_388] : memref<10112x128xf32, #tpu.memory_space<vmem_shared>> -> memref<632x128xf32, #tpu.memory_space<vmem_shared>>
      tpu.enqueue_dma source(%dma_start3A_389 : memref<632x128xf32, #tpu.memory_space<vmem_shared>>) target(%dma_start3A_387 : memref<632x128xf32, #tpu.memory_space<hbm>>) target_semaphore(%run_scoped3A : memref<!tpu.dma_semaphore, #tpu.memory_space<semaphore_mem>>)
      %dma_wait3A_390 = arith.constant 0 : i32
      %dma_wait3A_391 = tpu.memref_slice %arg8[%add3A_385, %dma_wait3A_390] : memref<20224x128xf32, #tpu.memory_space<hbm>> -> memref<632x128xf32, #tpu.memory_space<hbm>>
      %dma_wait3A_392 = arith.constant 0 : i32
      %dma_wait3A_393 = tpu.memref_slice %arg10[%mul3A_2, %dma_wait3A_392] : memref<10112x128xf32, #tpu.memory_space<vmem_shared>> -> memref<632x128xf32, #tpu.memory_space<vmem_shared>>
      tpu.wait_dma2 semaphore(%run_scoped3A : memref<!tpu.dma_semaphore, #tpu.memory_space<semaphore_mem>>) src(%dma_wait3A_393 : memref<632x128xf32, #tpu.memory_space<vmem_shared>>) dst(%dma_wait3A_391 : memref<632x128xf32, #tpu.memory_space<hbm>>)
      tpu.yield
    }) : () -> ()
    "tpu.region"() ({
      %run_scoped3A = tpu.sem_alloc : memref<!tpu.dma_semaphore, #tpu.memory_space<semaphore_mem>>
      %dma_start3A_386 = arith.constant 0 : i32
      %dma_start3A_387 = tpu.memref_slice %arg9[%add3A_385, %dma_start3A_386] : memref<20224x16xf32, #tpu.memory_space<hbm>> -> memref<632x16xf32, #tpu.memory_space<hbm>>
      %dma_start3A_388 = arith.constant 0 : i32
      %dma_start3A_389 = tpu.memref_slice %arg11[%mul3A_2, %dma_start3A_388] : memref<10112x16xf32, #tpu.memory_space<vmem_shared>> -> memref<632x16xf32, #tpu.memory_space<vmem_shared>>
      tpu.enqueue_dma source(%dma_start3A_389 : memref<632x16xf32, #tpu.memory_space<vmem_shared>>) target(%dma_start3A_387 : memref<632x16xf32, #tpu.memory_space<hbm>>) target_semaphore(%run_scoped3A : memref<!tpu.dma_semaphore, #tpu.memory_space<semaphore_mem>>)
      %dma_wait3A_390 = arith.constant 0 : i32
      %dma_wait3A_391 = tpu.memref_slice %arg9[%add3A_385, %dma_wait3A_390] : memref<20224x16xf32, #tpu.memory_space<hbm>> -> memref<632x16xf32, #tpu.memory_space<hbm>>
      %dma_wait3A_392 = arith.constant 0 : i32
      %dma_wait3A_393 = tpu.memref_slice %arg11[%mul3A_2, %dma_wait3A_392] : memref<10112x16xf32, #tpu.memory_space<vmem_shared>> -> memref<632x16xf32, #tpu.memory_space<vmem_shared>>
      tpu.wait_dma2 semaphore(%run_scoped3A : memref<!tpu.dma_semaphore, #tpu.memory_space<semaphore_mem>>) src(%dma_wait3A_393 : memref<632x16xf32, #tpu.memory_space<vmem_shared>>) dst(%dma_wait3A_391 : memref<632x16xf32, #tpu.memory_space<hbm>>)
      tpu.yield
    }) : () -> ()
    return
  }
}

module attributes {stable_mosaic.version = 14 : i64} {
  func.func @_tc_body(%arg0: i32, %arg1: memref<2000x128xf32, #tpu.memory_space<vmem>>, %arg2: memref<2000x128xf32, #tpu.memory_space<vmem>>, %arg3: memref<2000x16xf32, #tpu.memory_space<vmem>>, %arg4: memref<2000x16xf32, #tpu.memory_space<vmem>>, %arg5: memref<2000x128xf32, #tpu.memory_space<vmem>>, %arg6: memref<384x256xf32, #tpu.memory_space<vmem>>, %arg7: memref<384x384xf32, #tpu.memory_space<vmem>>, %arg8: memref<384x128xf32, #tpu.memory_space<vmem>>, %arg9: memref<1x384xf32, #tpu.memory_space<vmem>>, %arg10: memref<1x384xf32, #tpu.memory_space<vmem>>, %arg11: memref<1x384xf32, #tpu.memory_space<vmem>>, %arg12: memref<2000x128xf32, #tpu.memory_space<vmem>>) attributes {dimension_semantics = [#tpu.dimension_semantics<arbitrary>], iteration_bounds = array<i64: 5>, scalar_prefetch = 0 : i64, scratch_operands = 0 : i64, tpu.core_type = #tpu.core_type<tc>, window_params = [{transform_indices = @transform_0, window_bounds = array<i64: 2000, 128>}, {transform_indices = @transform_1, window_bounds = array<i64: 2000, 128>}, {transform_indices = @transform_2, window_bounds = array<i64: 2000, 16>}, {transform_indices = @transform_3, window_bounds = array<i64: 2000, 16>}, {transform_indices = @transform_4, window_bounds = array<i64: 2000, 128>}, {pipeline_mode = #tpu.pipeline_mode<synchronous>, transform_indices = @transform_5, window_bounds = array<i64: 384, 256>}, {pipeline_mode = #tpu.pipeline_mode<synchronous>, transform_indices = @transform_6, window_bounds = array<i64: 384, 384>}, {pipeline_mode = #tpu.pipeline_mode<synchronous>, transform_indices = @transform_7, window_bounds = array<i64: 384, 128>}, {pipeline_mode = #tpu.pipeline_mode<synchronous>, transform_indices = @transform_8, window_bounds = array<i64: 1, 384>}, {pipeline_mode = #tpu.pipeline_mode<synchronous>, transform_indices = @transform_9, window_bounds = array<i64: 1, 384>}, {pipeline_mode = #tpu.pipeline_mode<synchronous>, transform_indices = @transform_10, window_bounds = array<i64: 1, 384>}, {transform_indices = @transform_11, window_bounds = array<i64: 2000, 128>}]} {
    %get3A = arith.constant 0 : index
    %get3A_0 = arith.constant 0 : index
    %get3A_1 = vector.load %arg1[%get3A, %get3A_0] : memref<2000x128xf32, #tpu.memory_space<vmem>>, vector<2000x128xf32>
    %get3A_2 = arith.constant 0 : index
    %get3A_3 = arith.constant 0 : index
    %get3A_4 = vector.load %arg2[%get3A_2, %get3A_3] : memref<2000x128xf32, #tpu.memory_space<vmem>>, vector<2000x128xf32>
    %add3A = arith.addf %get3A_1, %get3A_4 : vector<2000x128xf32>
    %get3A_5 = arith.constant 0 : index
    %get3A_6 = arith.constant 0 : index
    %get3A_7 = vector.load %arg3[%get3A_5, %get3A_6] : memref<2000x16xf32, #tpu.memory_space<vmem>>, vector<2000x16xf32>
    %get3A_8 = arith.constant 0 : index
    %get3A_9 = arith.constant 0 : index
    %get3A_10 = vector.load %arg4[%get3A_8, %get3A_9] : memref<2000x16xf32, #tpu.memory_space<vmem>>, vector<2000x16xf32>
    %add3A_11 = arith.addf %get3A_7, %get3A_10 : vector<2000x16xf32>
    %slice3A = vector.extract_strided_slice %add3A_11 {offsets = [0, 0], sizes = [2000, 1], strides = [1, 1]} : vector<2000x16xf32> to vector<2000x1xf32>
    %get3A_12 = arith.constant 0 : index
    %get3A_13 = arith.constant 0 : index
    %get3A_14 = vector.load %arg5[%get3A_12, %get3A_13] : memref<2000x128xf32, #tpu.memory_space<vmem>>, vector<2000x128xf32>
    %get3A_15 = arith.constant 0 : index
    %get3A_16 = arith.constant 0 : index
    %get3A_17 = vector.load %arg6[%get3A_15, %get3A_16] : memref<384x256xf32, #tpu.memory_space<vmem>>, vector<384x128xf32>
    %get3A_18 = arith.constant 0 : index
    %get3A_19 = arith.constant 128 : index
    %get3A_20 = vector.load %arg6[%get3A_18, %get3A_19] : memref<384x256xf32, #tpu.memory_space<vmem>>, vector<384x128xf32>
    %dot_general3A = arith.constant dense<0.000000e+00> : vector<2000x384xf32>
    %dot_general3A_21 = tpu.matmul %get3A_14, %get3A_20, %dot_general3A {dimension_numbers = #tpu.dot_dimension_numbers<[1], [1], [0], [0], [0, 0, 1, 0], [], []>, transpose_lhs_hint = false} : vector<2000x128xf32>, vector<384x128xf32>, vector<2000x384xf32> -> vector<2000x384xf32>
    %get3A_22 = arith.constant 0 : index
    %get3A_23 = arith.constant 0 : index
    %get3A_24 = vector.load %arg9[%get3A_22, %get3A_23] : memref<1x384xf32, #tpu.memory_space<vmem>>, vector<1x384xf32>
    %add3A_25 = vector.broadcast %get3A_24 : vector<1x384xf32> to vector<2000x384xf32>
    %add3A_26 = arith.addf %dot_general3A_21, %add3A_25 : vector<2000x384xf32>
    %dot_general3A_27 = arith.constant dense<0.000000e+00> : vector<2000x384xf32>
    %dot_general3A_28 = tpu.matmul %add3A, %get3A_17, %dot_general3A_27 {dimension_numbers = #tpu.dot_dimension_numbers<[1], [1], [0], [0], [0, 0, 1, 0], [], []>, transpose_lhs_hint = false} : vector<2000x128xf32>, vector<384x128xf32>, vector<2000x384xf32> -> vector<2000x384xf32>
    %mul3A = vector.broadcast %slice3A : vector<2000x1xf32> to vector<2000x384xf32>
    %mul3A_29 = arith.mulf %mul3A, %add3A_26 : vector<2000x384xf32>
    %add3A_30 = arith.addf %dot_general3A_28, %mul3A_29 : vector<2000x384xf32>
    %get3A_31 = arith.constant 0 : index
    %get3A_32 = arith.constant 0 : index
    %get3A_33 = vector.load %arg7[%get3A_31, %get3A_32] : memref<384x384xf32, #tpu.memory_space<vmem>>, vector<384x384xf32>
    %dot_general3A_34 = arith.constant dense<0.000000e+00> : vector<2000x384xf32>
    %dot_general3A_35 = tpu.matmul %add3A_30, %get3A_33, %dot_general3A_34 {dimension_numbers = #tpu.dot_dimension_numbers<[1], [1], [0], [0], [0, 0, 1, 0], [], []>, transpose_lhs_hint = false} : vector<2000x384xf32>, vector<384x384xf32>, vector<2000x384xf32> -> vector<2000x384xf32>
    %get3A_36 = arith.constant 0 : index
    %get3A_37 = arith.constant 0 : index
    %get3A_38 = vector.load %arg10[%get3A_36, %get3A_37] : memref<1x384xf32, #tpu.memory_space<vmem>>, vector<1x384xf32>
    %add3A_39 = vector.broadcast %get3A_38 : vector<1x384xf32> to vector<2000x384xf32>
    %add3A_40 = arith.addf %dot_general3A_35, %add3A_39 : vector<2000x384xf32>
    %get3A_41 = arith.constant 0 : index
    %get3A_42 = arith.constant 0 : index
    %get3A_43 = vector.load %arg8[%get3A_41, %get3A_42] : memref<384x128xf32, #tpu.memory_space<vmem>>, vector<384x128xf32>
    %dot_general3A_44 = arith.constant dense<0.000000e+00> : vector<2000x384xf32>
    %dot_general3A_45 = tpu.matmul %get3A_14, %get3A_43, %dot_general3A_44 {dimension_numbers = #tpu.dot_dimension_numbers<[1], [1], [0], [0], [0, 0, 1, 0], [], []>, transpose_lhs_hint = false} : vector<2000x128xf32>, vector<384x128xf32>, vector<2000x384xf32> -> vector<2000x384xf32>
    %get3A_46 = arith.constant 0 : index
    %get3A_47 = arith.constant 0 : index
    %get3A_48 = vector.load %arg11[%get3A_46, %get3A_47] : memref<1x384xf32, #tpu.memory_space<vmem>>, vector<1x384xf32>
    %add3A_49 = vector.broadcast %get3A_48 : vector<1x384xf32> to vector<2000x384xf32>
    %add3A_50 = arith.addf %dot_general3A_45, %add3A_49 : vector<2000x384xf32>
    %slice3A_51 = vector.extract_strided_slice %add3A_40 {offsets = [0, 0], sizes = [2000, 128], strides = [1, 1]} : vector<2000x384xf32> to vector<2000x128xf32>
    %slice3A_52 = vector.extract_strided_slice %add3A_50 {offsets = [0, 0], sizes = [2000, 128], strides = [1, 1]} : vector<2000x384xf32> to vector<2000x128xf32>
    %add3A_53 = arith.addf %slice3A_51, %slice3A_52 : vector<2000x128xf32>
    %logistic3A = arith.negf %add3A_53 : vector<2000x128xf32>
    %logistic3A_54 = math.exp %logistic3A : vector<2000x128xf32>
    %logistic3A_55 = arith.constant 1.000000e+00 : f32
    %logistic3A_56 = vector.broadcast %logistic3A_55 : f32 to vector<2000x128xf32>
    %logistic3A_57 = arith.addf %logistic3A_56, %logistic3A_54 : vector<2000x128xf32>
    %logistic3A_58 = arith.divf %logistic3A_56, %logistic3A_57 : vector<2000x128xf32>
    %slice3A_59 = vector.extract_strided_slice %add3A_40 {offsets = [0, 128], sizes = [2000, 128], strides = [1, 1]} : vector<2000x384xf32> to vector<2000x128xf32>
    %slice3A_60 = vector.extract_strided_slice %add3A_50 {offsets = [0, 128], sizes = [2000, 128], strides = [1, 1]} : vector<2000x384xf32> to vector<2000x128xf32>
    %add3A_61 = arith.addf %slice3A_59, %slice3A_60 : vector<2000x128xf32>
    %logistic3A_62 = arith.negf %add3A_61 : vector<2000x128xf32>
    %logistic3A_63 = math.exp %logistic3A_62 : vector<2000x128xf32>
    %logistic3A_64 = arith.constant 1.000000e+00 : f32
    %logistic3A_65 = vector.broadcast %logistic3A_64 : f32 to vector<2000x128xf32>
    %logistic3A_66 = arith.addf %logistic3A_65, %logistic3A_63 : vector<2000x128xf32>
    %logistic3A_67 = arith.divf %logistic3A_65, %logistic3A_66 : vector<2000x128xf32>
    %slice3A_68 = vector.extract_strided_slice %add3A_40 {offsets = [0, 256], sizes = [2000, 128], strides = [1, 1]} : vector<2000x384xf32> to vector<2000x128xf32>
    %slice3A_69 = vector.extract_strided_slice %add3A_50 {offsets = [0, 256], sizes = [2000, 128], strides = [1, 1]} : vector<2000x384xf32> to vector<2000x128xf32>
    %mul3A_70 = arith.mulf %logistic3A_58, %slice3A_69 : vector<2000x128xf32>
    %add3A_71 = arith.addf %slice3A_68, %mul3A_70 : vector<2000x128xf32>
    %tanh3A = math.tanh %add3A_71 : vector<2000x128xf32>
    %sub3A = arith.constant 1.000000e+00 : f32
    %sub3A_72 = vector.broadcast %sub3A : f32 to vector<2000x128xf32>
    %sub3A_73 = arith.subf %sub3A_72, %logistic3A_67 : vector<2000x128xf32>
    %mul3A_74 = arith.mulf %sub3A_73, %tanh3A : vector<2000x128xf32>
    %mul3A_75 = arith.mulf %logistic3A_67, %get3A_14 : vector<2000x128xf32>
    %add3A_76 = arith.addf %mul3A_74, %mul3A_75 : vector<2000x128xf32>
    %swap3A = arith.constant 0 : index
    %swap3A_77 = arith.constant 0 : index
    %swap3A_78 = vector.load %arg12[%swap3A, %swap3A_77] : memref<2000x128xf32, #tpu.memory_space<vmem>>, vector<2000x128xf32>
    tpu.vector_store %arg12[%swap3A, %swap3A_77], %add3A_76 {strides = array<i32>} : memref<2000x128xf32, #tpu.memory_space<vmem>>, vector<2000x128xf32>,
    return
  }
  func.func @transform_0(%arg0: i32) -> (i32, i32) {
    %c0_i32 = arith.constant 0 : i32
    %c0_i32_0 = arith.constant 0 : i32
    return %arg0, %c0_i32 : i32, i32
  }
  func.func @transform_1(%arg0: i32) -> (i32, i32) {
    %c0_i32 = arith.constant 0 : i32
    %c0_i32_0 = arith.constant 0 : i32
    return %arg0, %c0_i32 : i32, i32
  }
  func.func @transform_2(%arg0: i32) -> (i32, i32) {
    %c0_i32 = arith.constant 0 : i32
    %c0_i32_0 = arith.constant 0 : i32
    return %arg0, %c0_i32 : i32, i32
  }
  func.func @transform_3(%arg0: i32) -> (i32, i32) {
    %c0_i32 = arith.constant 0 : i32
    %c0_i32_0 = arith.constant 0 : i32
    return %arg0, %c0_i32 : i32, i32
  }
  func.func @transform_4(%arg0: i32) -> (i32, i32) {
    %c0_i32 = arith.constant 0 : i32
    %c0_i32_0 = arith.constant 0 : i32
    return %arg0, %c0_i32 : i32, i32
  }
  func.func @transform_5(%arg0: i32) -> (i32, i32) {
    %c0_i32 = arith.constant 0 : i32
    %c0_i32_0 = arith.constant 0 : i32
    %c0_i32_1 = arith.constant 0 : i32
    return %c0_i32, %c0_i32_0 : i32, i32
  }
  func.func @transform_6(%arg0: i32) -> (i32, i32) {
    %c0_i32 = arith.constant 0 : i32
    %c0_i32_0 = arith.constant 0 : i32
    %c0_i32_1 = arith.constant 0 : i32
    return %c0_i32, %c0_i32_0 : i32, i32
  }
  func.func @transform_7(%arg0: i32) -> (i32, i32) {
    %c0_i32 = arith.constant 0 : i32
    %c0_i32_0 = arith.constant 0 : i32
    %c0_i32_1 = arith.constant 0 : i32
    return %c0_i32, %c0_i32_0 : i32, i32
  }
  func.func @transform_8(%arg0: i32) -> (i32, i32) {
    %c0_i32 = arith.constant 0 : i32
    %c0_i32_0 = arith.constant 0 : i32
    %c0_i32_1 = arith.constant 0 : i32
    return %c0_i32, %c0_i32_0 : i32, i32
  }
  func.func @transform_9(%arg0: i32) -> (i32, i32) {
    %c0_i32 = arith.constant 0 : i32
    %c0_i32_0 = arith.constant 0 : i32
    %c0_i32_1 = arith.constant 0 : i32
    return %c0_i32, %c0_i32_0 : i32, i32
  }
  func.func @transform_10(%arg0: i32) -> (i32, i32) {
    %c0_i32 = arith.constant 0 : i32
    %c0_i32_0 = arith.constant 0 : i32
    %c0_i32_1 = arith.constant 0 : i32
    return %c0_i32, %c0_i32_0 : i32, i32
  }
  func.func @transform_11(%arg0: i32) -> (i32, i32) {
    %c0_i32 = arith.constant 0 : i32
    %c0_i32_0 = arith.constant 0 : i32
    return %arg0, %c0_i32 : i32, i32
  }
}

</mosaic_0001>

<sc_bundles>
// kernel: kernel.4.cloned.1.call-start
scs
__scs_entry_jumppad:
0x0: {  	(pc) =	sbr.rel $0x88, $3  }
0x1: {  	(tag) =	ssettag $0x0;
	lr =	simm.s32 $0x1  }
0x2: {  	[smem:$0x3F98] =	sst lr;
	_ =	strace $0xD0000000  }
0x3: {  	_ = 	snop  }
0x4: {  	_ = 	snop  }
0x5: {  	_ = 	snop  }
0x6: {  	_ = 	snop  }
0x7: {  	_ = 	snop  }
__scs_overlays_trampoline_lowered:
0x8: {  	[smem:$0x3FA7] =	sst s0  }
0x9: {  	[smem:$0x3FA8] =	sst s1  }
0xa: {  	[smem:$0x3FA9] =	sst s2  }
0xb: {  	[smem:$0x3FAA] =	sst s3  }
0xc: {  	[smem:$0x3FAB] =	sst s4  }
0xd: {  	[smem:$0x3FAC] =	sst s5  }
0xe: {  	[smem:$0x3FAD] =	sst s6  }
0xf: {  	[smem:$0x3FAE] =	sst s7  }
0x10: {  	[smem:$0x3FAF] =	sst s8  }
0x11: {  	[smem:$0x3FB0] =	sst s9;
	s0 =	simm.s32 @!p0 $0x0  }
0x12: {  	s1 =	sld [smem:$0x3F96];
	s0 =	simm.s32 @p0 $0x1  }
0x13: {  	[smem:$0x3FB1] =	sst s0;
	s0 =	simm.s32 @!p1 $0x0  }
0x14: {  	s2 =	sld [smem:$0x3F95];
	s0 =	simm.s32 @p1 $0x1  }
0x15: {  	[smem:$0x3FB2] =	sst s0;
	s0 =	simm.s32 @!p2 $0x0  }
0x16: {  	s3 =	sld [smem:$0x3FDB];
	s0 =	simm.s32 @p2 $0x1  }
0x17: {  	s4 =	simm.s32 $0x1BF5;
	[smem:$0x3FB4] =	sst s0  }
0x18: {  	s0 =	sld [smem:$0x3F97];
	_ =	swait.ge [sflag:s4], $0x0  }
0x19: {  	s7 =	sld [smem:$0x3F98]  }
0x1a: {  	s8 =	sadd.s32 $0xFFFFE003, lr  }
0x1b: {  	s9 =	sadd.s32 $0xFFFFFEF7, lr;
	s5 =	simm.s32 $0xFFFFFFFF;
	p2 =	slt.u32 s8, $0xFFFFF086  }
0x1c: {  	p1 =	slt.u32 s9, $0xF7A;
	s5 =	simm.s32 @!p2 $0x0  }
0x1d: {  	s5 =	simm.s32 @p1 $0x1;
	p0 =	seq.s32 s7, s2  }
0x1e: {  	s7 =	smul.u32 @!p0 $0xF7A, s2;
	p2 =	seq.s32 @!p0 s5, $0x0  }
0x1f: {  	s9 =	smul.u32 $0xF7A, s1;
	s8 =	simm.s32 @!p0 $0x1BF5;
	p2 =	por !p2, p0  }
0x20: {  	[sflag:s8] =	ssyncset.s32 @!p0 $0xFFFFF086;
	s6 =	sadd.s32 @!p0 s3, s7;
	s7 =	simm.s32 @!p0 $0x108  }
0x21: {  	s3 =	sadd.s32 s3, s9;
	s6 =	sadd.s32 @!p0 $0x88, s6;
	s7 =	simm.s32 @p2 $0x1082  }
0x22: {  	[simem:s7], [sflag:s8] =	dma.local @!p0 [hbm:s6], $0xF7A  }
0x23: {  	s9 =	sor.u32 $0xD0000000, s2;
	s6 =	simm.s32 $0x108;
	_ =	swait.ge @!p0 [sflag:s8], $0x0  }
0x24: {  	s3 =	sadd.s32 $0x88, s3;
	s6 =	simm.s32 @!p1 $0x1082;
	[sflag:s4] =	ssyncset.s32 $0xFFFFF086  }
0x25: {  	[simem:s6], [sflag:s4] =	dma.local [hbm:s3], $0xF7A  }
0x26: {  	[smem:$0x3F98] =	sst s1;
	(tag) =	ssettag s2;
	_ =	strace s9  }
0x27: {  	s1 =	sld [smem:$0x3FA8]  }
0x28: {  	s2 =	sld [smem:$0x3FA9]  }
0x29: {  	s4 =	sld [smem:$0x3FAB]  }
0x2a: {  	p0 =	seq.s32 s5, $0x0;
	s5 =	sld [smem:$0x3FAC]  }
0x2b: {  	s6 =	sld [smem:$0x3FAD]  }
0x2c: {  	s7 =	sld [smem:$0x3FAE]  }
0x2d: {  	s3 =	simm.s32 $0x108;
	s8 =	sld [smem:$0x3FAF]  }
0x2e: {  	s3 =	simm.s32 @!p0 $0x1082;
	s9 =	sld [smem:$0x3FB0]  }
0x2f: {  	lr =	sadd.s32 s0, s3;
	s0 =	sld [smem:$0x3FA7]  }
0x30: {  	s3 =	sld [smem:$0x3FAA]  }
0x31: {  	[smem:$0x3FB3] =	sst s10  }
0x32: {  	s10 =	sld [smem:$0x3FB1];
	_ =	sdelay $0x3  }
0x33: {  	p0 =	seq.s32 s10, $0x1;
	s10 =	sld [smem:$0x3FB3];
	_ =	sdelay $0x3  }
0x34: {  	[smem:$0x3FB3] =	sst s10  }
0x35: {  	s10 =	sld [smem:$0x3FB2];
	_ =	sdelay $0x3  }
0x36: {  	p1 =	seq.s32 s10, $0x1;
	s10 =	sld [smem:$0x3FB3];
	_ =	sdelay $0x3  }
0x37: {  	[smem:$0x3FB3] =	sst s10  }
0x38: {  	s10 =	sld [smem:$0x3FB4]  }
0x39: {  	_ = 	snop;
	(pc) =	sbr.ind lr, $3  }
0x3a: {  	_ = 	snop  }
0x3b: {  	_ = 	snop  }
0x3c: {  	p2 =	seq.s32 s10, $0x1;
	s10 =	sld [smem:$0x3FB3]  }
0x3d: {  	_ =	shalt  }
0x3e: {  	_ =	shalt  }
0x3f: {  	_ =	shalt  }
0x40: {  	_ =	shalt  }
0x41: {  	_ =	shalt  }
0x42: {  	_ =	shalt  }
0x43: {  	_ =	shalt  }
0x44: {  	_ =	shalt  }
0x45: {  	_ =	shalt  }
0x46: {  	_ =	shalt  }
0x47: {  	_ =	shalt  }
0x48: {  	_ =	shalt  }
0x49: {  	_ =	shalt  }
0x4a: {  	_ =	shalt  }
0x4b: {  	_ =	shalt  }
0x4c: {  	_ =	shalt  }
0x4d: {  	_ =	shalt  }
0x4e: {  	_ =	shalt  }
0x4f: {  	_ =	shalt  }
0x50: {  	_ =	shalt  }
0x51: {  	_ =	shalt  }
0x52: {  	_ =	shalt  }
0x53: {  	_ =	shalt  }
0x54: {  	_ =	shalt  }
0x55: {  	_ =	shalt  }
0x56: {  	_ =	shalt  }
0x57: {  	_ =	shalt  }
0x58: {  	_ =	shalt  }
0x59: {  	_ =	shalt  }
0x5a: {  	_ =	shalt  }
0x5b: {  	_ =	shalt  }
0x5c: {  	_ =	shalt  }
0x5d: {  	_ =	shalt  }
0x5e: {  	_ =	shalt  }
0x5f: {  	_ =	shalt  }
0x60: {  	_ =	shalt  }
0x61: {  	_ =	shalt  }
0x62: {  	_ =	shalt  }
0x63: {  	_ =	shalt  }
0x64: {  	_ =	shalt  }
0x65: {  	_ =	shalt  }
0x66: {  	_ =	shalt  }
0x67: {  	_ =	shalt  }
0x68: {  	_ =	shalt  }
0x69: {  	_ =	shalt  }
0x6a: {  	_ =	shalt  }
0x6b: {  	_ =	shalt  }
0x6c: {  	_ =	shalt  }
0x6d: {  	_ =	shalt  }
0x6e: {  	_ =	shalt  }
0x6f: {  	_ =	shalt  }
0x70: {  	_ =	shalt  }
0x71: {  	_ =	shalt  }
0x72: {  	_ =	shalt  }
0x73: {  	_ =	shalt  }
0x74: {  	_ =	shalt  }
0x75: {  	_ =	shalt  }
0x76: {  	_ =	shalt  }
0x77: {  	_ =	shalt  }
0x78: {  	_ =	shalt  }
0x79: {  	_ =	shalt  }
0x7a: {  	_ =	shalt  }
0x7b: {  	_ =	shalt  }
0x7c: {  	_ =	shalt  }
0x7d: {  	_ =	shalt  }
0x7e: {  	_ =	shalt  }
0x7f: {  	_ =	shalt  }
0x80: {  	_ =	shalt  }
0x81: {  	_ =	shalt  }
0x82: {  	_ =	shalt  }
0x83: {  	_ =	shalt  }
0x84: {  	_ =	shalt  }
0x85: {  	_ =	shalt  }
0x86: {  	_ =	shalt  }
0x87: {  	_ =	shalt  }
.Lfunc_end0:
.L_simem_size_0:
called_computation_lowered:
.L_overlay_start_0:
0x88: {  	s2 =	sld [smem:$0x3FD9]  }
0x89: {  	s3 =	sld [smem:$0x3FFE];
	_ =	sdelay $0x1  }
0x8a: {  	s1 =	srdreg.scid  }
0x8b: {  	s0 =	sand.u32 $0x1, s1  }
0x8c: {  	s17 =	sshll.u32 s0, $0xA;
	s2 =	sadd.s32 s3, s2  }
0x8d: {  	s2 =	sadd.s32 s2, s17  }
0x8e: {  	[smem:$0x3FBF] =	sst s2  }
0x8f: {  	_ = 	snop  }
0x90: {  	s2 =	sld [smem:$0x3FC9]  }
0x91: {  	s18 =	sld [smem:$0x3FC8]  }
0x92: {  	s4 =	sld [smem:$0x3FC7]  }
0x93: {  	s5 =	sld [smem:$0x3FD0];
	(tm) =	ssettm $0x1  }
0x94: {  	s6 =	sld [smem:$0x3FFB];
	_ =	sdelay $0x3  }
0x95: {  	_ =	strace s6  }
0x96: {  	s6 =	sld [smem:$0x3FFC];
	_ =	sdelay $0x3  }
0x97: {  	_ =	strace s6  }
0x98: {  	s6 =	sld [smem:$0x3FFD];
	_ =	sdelay $0x3  }
0x99: {  	_ =	strace s6  }
0x9a: {  	_ =	strace $0x8FFFFFFF  }
0x9b: {  	s19 =	sld [smem:$0x3FDB];
	_ =	sdelay $0x1  }
0x9c: {  	s7 =	simm.s32 $_scs_section_size  }
0x9d: {  	s8 =	simm.s32 $_size__tile_overlayer_lowered;
	s9 =	simm.s32 $_tile_overlayer_lowered  }
0x9e: {  	s22 =	simm.s32 $0x1BFF;
	s21 =	sshll.u32 s9, $0x1;
	s6 =	sadd.s32 s7, s19  }
0x9f: {  	s10 =	simm.s32 $0x0;
	s20 =	sshll.u32 s8, $0x1;
	s8 =	sadd.s32 s21, s6  }
0xa0: {  	[timem:s10], [sflag:s22] =	dma.local [hbm:s8], s20  }
0xa1: {  	_ =	swait.ge [sflag:s22], s20  }
0xa2: {  	s7 =	ssub.s32 $0x0, s20;
	[sflag:s22] =	ssyncset.done $0x0  }
0xa3: {  	[sflag:s22] =	ssyncadd.s32 s7;
	_ =	sdelay $0x1  }
0xa4: {  	s23 =	simm.s32 $0x1B8B  }
0xa5: {  	_ =	swait.ge [sflag:s23], $0x1  }
0xa6: {  	[sflag:s23] =	ssyncset.done $0x0  }
0xa7: {  	s25 =	simm.s32 $0x1B8E;
	s24 =	sld [smem:$0x3FFE];
	[sflag:s23] =	ssyncadd.s32 $0xFFFFFFFF  }
0xa8: {  	s26 =	simm.s32 $execute0_lowered;
	[smem:$0x3FD2] =	sst s25  }
0xa9: {  	s8 =	sshll.u32 s26, $0x1;
	_ =	strace $0x80000046;
	[dreg:$0x1] =	wrdreg $0xFFFFFFFF  }
0xaa: {  	s28 =	simm.s32 $_size_execute0_lowered;
	s6 =	sadd.s32 s6, s8;
	[dreg:$0x0] =	wrdreg $0x0  }
0xab: {  	s8 =	sshll.u32 s28, $0x1;
	[dreg:$0x2] =	wrdreg s6  }
0xac: {  	[dreg:$0x3] =	wrdreg s8  }
0xad: {  	[dreg:$0x4] =	wrdreg $0xC0  }
0xae: {  	_ =	task [dreg:s10], $0x5FFFF  }
0xaf: {  	[dreg:$0x1] =	wrdreg $0xFFFFFFFF  }
0xb0: {  	[dreg:$0x0] =	wrdreg $0x60  }
0xb1: {  	[dreg:$0x2] =	wrdreg s2  }
0xb2: {  	[dreg:$0x3] =	wrdreg s18  }
0xb3: {  	[dreg:$0x4] =	wrdreg s4  }
0xb4: {  	[dreg:$0x5] =	wrdreg s24  }
0xb5: {  	[dreg:$0x6] =	wrdreg s5  }
0xb6: {  	[dreg:$0x7] =	wrdreg $0x0  }
0xb7: {  	[dreg:$0x8] =	wrdreg $0x13C000  }
0xb8: {  	[dreg:$0x9] =	wrdreg $0x9  }
0xb9: {  	_ =	task.clear_ibuf [dreg:s10], $0xAFFFF;
	_ =	strace $0x90000046  }
0xba: {  	s29 =	simm.s32 $0x9;
	_ =	strace $0x80000048  }
0xbb: {  	_ =	swait.ge [sflag:s29], $0x1  }
0xbc: {  	[sflag:s29] =	ssyncadd.s32 $0xFFFFFFFF  }
0xbd: {  	_ =	strace $0x90000048  }
0xbe: {  	_ =	sfence  }
0xbf: {  	s30 =	sld [smem:$0x0];
	_ =	sdelay $0x2  }
0xc0: {  	s31 =	sshll.u32 s1, $0xD;
	s1 =	sshrl.u32 s1, $0x2  }
0xc1: {  	s3 =	sand.u32 $0x4000, s31;
	s1 =	sadd.s32 s1, s30  }
0xc2: {  	s0 =	sor.u32 s3, s0;
	s1 =	sshll.u32 s1, $0x11  }
0xc3: {  	s0 =	sor.u32 s1, s0  }
0xc4: {  	s0 =	sadd.s32 $0x8F2B, s0  }
0xc5: {  	[sflag:s0] =	ssyncadd.remote.s32 $0x1  }
0xc6: {  	_ =	sfence.sel $0xFFFF  }
0xc7: {  	[dreg:$0x0] =	wrdreg $0xFFFFFFFF;
	(pc) =	sbr.abs _section_cstart, $3  }
0xc8: {  	[dreg:$0x1] =	wrdreg $0xFFFFFFFF  }
0xc9: {  	_ =	task.clear_ibuf [dreg:s10], $0x2FFFF;
	_ =	strace $0x9FFFFFFF  }
0xca: {  	(tm) =	ssettm $0x7FFFFFFF  }
0xcb: {  	_ =	shalt  }
tec
execute0_lowered:
.L_overlay_start_1:
0x0: {  	(tag) =	ssettag $0x1  }
0x1: {  	s30 =	rddreg [dreg:$0x1]  }
0x2: {  	s6 =	rddreg [dreg:$0x2]  }
0x3: {  	s2 =	rddreg [dreg:$0x3]  }
0x4: {  	s4 =	rddreg [dreg:$0x4]  }
0x5: {  	s0 =	rddreg [dreg:$0x5];
	s1 =	stileid.u32  }
0x6: {  	s5 =	rddreg [dreg:$0x6];
	s7 =	smul.u32 $0x13C00, s1  }
0x7: {  	s9 =	srdreg.scid;
	s3 =	simm.s32 $0x0;
	s8 =	smul.u32 $0x2780, s1  }
0x8: {  	s31 =	simm.s32 $0x1E6C0;
	s9 =	sand.u32 $0x1, s9;
	s10 =	smul.u32 $0x278, s1  }
0x9: {  	[smem:$0x7FF] =	sst s3;
	s14 =	sadd.s32 $0x2800, s2;
	s3 =	sshll.u32 s1, $0x6  }
0xa: {  	s12 =	smul.u32 $0x2780, s9;
	_ =	strace $0x80000047;
	[dreg:$0x9] =	wrdreg s14  }
0xb: {  	s14 =	ssub.s32 $0x2, s9;
	s9 =	sshll.u32 s9, $0x4;
	s17 =	sor.u32 $0x1C03, s3  }
0xc: {  	[dreg:$0xa] =	wrdreg s3;
	s11 =	sshrl.u32 s7, $0x3;
	s13 =	sshrl.u32 s8, $0x3  }
0xd: {  	s15 =	sshrl.u32 s14, $0x1;
	s9 =	sor.u32 s1, s9;
	[dreg:$0xc] =	wrdreg s17  }
0xe: {  	s18 =	sadd.s32 s8, s5;
	s11 =	sadd.s32 s11, s2;
	s13 =	sadd.s32 s13, s2  }
0xf: {  	s12 =	sadd.s32 s10, s12;
	[dreg:$0xd] =	wrdreg s18;
	s16 =	sadd.s32 $0x2A00, s11  }
0x10: {  	s14 =	ssub.s32 s14, s15;
	s19 =	sadd.s32 $0x2A200, s13;
	[dreg:$0xb] =	wrdreg s16  }
0x11: {  	s15 =	smul.u32 $0x2710, s9;
	s29 =	smax.u32 s14, $0x1;
	[dreg:$0xe] =	wrdreg s19  }
0x12: {  	s7 =	sadd.s32 s7, s0;
	s25 =	sshll.u32 s12, $0x1;
	[dreg:$0x15] =	wrdreg s29  }
0x13: {  	s17 =	simm.s32 $0x7;
	s28 =	sadd.s32 s4, s25;
	[dreg:$0x8] =	wrdreg s15  }
0x14: {  	s20 =	sshrl.u32 s15, $0x3;
	s4 =	sshrl.u32 s7, $0x3;
	[dreg:$0x14] =	wrdreg s28  }
0x15: {  	s10 =	sshll.u32 s12, $0x4;
	s21 =	sadd.s32 s30, s20;
	[dreg:$0x16] =	wrdreg s4  }
0x16: {  	s2 =	sadd.s32 s10, s2;
	s22 =	sadd.s32 s6, s20;
	[dreg:$0xf] =	wrdreg s21  }
0x17: {  	s8 =	sadd.s32 $0xFA, s20;
	s26 =	sadd.s32 $0x2F200, s2;
	[dreg:$0x10] =	wrdreg s22  }
0x18: {  	s13 =	simm.s32 $0x1D2C0;
	s23 =	sadd.s32 s30, s8;
	[dreg:$0x13] =	wrdreg s26  }
0x19: {  	s25 =	simm.s32 $0x28;
	s24 =	sadd.s32 s6, s8;
	[dreg:$0x11] =	wrdreg s23  }
0x1a: {  	s19 =	simm.s32 $0x8;
	s2 =	simm.s32 $0x0;
	[dreg:$0x12] =	wrdreg s24  }
.LBB2_1:
0x1b: {  	[dreg:$0x17] =	wrdreg s2  }
0x1c: {  	s1 =	rddreg [dreg:$0xb]  }
0x1d: {  	s6 =	rddreg [dreg:$0xc]  }
0x1e: {  	[spmem:s4], [sflag:s6] =	dma.local [hbm:s1], $0x2780  }
0x1f: {  	s1 =	rddreg [dreg:$0xd]  }
0x20: {  	s8 =	rddreg [dreg:$0xe];
	s0 =	sshrl.u32 s1, $0x3  }
0x21: {  	s7 =	sor.u32 $0x1C04, s3;
	[dreg:$0x18] =	wrdreg s0  }
0x22: {  	[spmem:s0], [sflag:s7] =	dma.local [hbm:s8], $0x4F0  }
0x23: {  	s9 =	simm.s32 $0x0;
	s5 =	simm.s32 $0x1FAC0;
	s2 =	rddreg [dreg:$0x9]  }
0x24: {  	[tilespmem:s5], [sflag:$0x5] =	stream.linear.gather [hbm4b:s2+s9], $0x280, $0x38;
	[tilespmem:$0x1FD40] =	vst v63  }
0x25: {  	s11 =	simm.s32 $0x16380;
	s10 =	rddreg [dreg:$0xf]  }
0x26: {  	[tilespmem:s11], [sflag:$0x1] =	stream.linear.gather [hbm4b:s10+s9], $0x7D0, $0x38;
	[tilespmem:$0x1FD40] =	vst v63  }
0x27: {  	s18 =	simm.s32 $0x17320;
	s16 =	rddreg [dreg:$0x10]  }
0x28: {  	[tilespmem:s18], [sflag:$0x2] =	stream.linear.gather [hbm4b:s16+s9], $0x7D0, $0x38;
	[tilespmem:$0x1FD40] =	vst v63  }
0x29: {  	s21 =	simm.s32 $0x16B50;
	s20 =	rddreg [dreg:$0x11]  }
0x2a: {  	[tilespmem:s21], [sflag:$0x1] =	stream.linear.gather [hbm4b:s20+s9], $0x7D0, $0x38;
	[tilespmem:$0x1FD40] =	vst v63  }
0x2b: {  	s23 =	simm.s32 $0x17AF0;
	s22 =	rddreg [dreg:$0x12];
	s2 =	simm.s32 $0x3  }
0x2c: {  	[tilespmem:s23], [sflag:$0x2] =	stream.linear.gather [hbm4b:s22+s9], $0x7D0, $0x38;
	[tilespmem:$0x1FD40] =	vst v63  }
0x2d: {  	_ =	swait.ge [sflag:s2], $0x2780  }
0x2e: {  	[sflag:s2] =	ssyncset.done $0x0  }
0x2f: {  	s12 =	simm.s32 $0x4;
	[sflag:s2] =	ssyncadd.s32 $0xFFFFD880  }
0x30: {  	_ =	swait.ge [sflag:s12], $0x4F0  }
0x31: {  	[sflag:s12] =	ssyncset.done $0x0  }
0x32: {  	s14 =	simm.s32 $0x5;
	[sflag:s12] =	ssyncadd.s32 $0xFFFFFB10  }
0x33: {  	_ =	swait.ge [sflag:s14], $0x280  }
0x34: {  	[sflag:s14] =	ssyncset.done $0x0  }
0x35: {  	s24 =	simm.s32 $0x1;
	[sflag:s14] =	ssyncadd.s32 $0xFFFFFD80  }
0x36: {  	_ =	swait.ge [sflag:s24], $0x7D0  }
0x37: {  	[sflag:s24] =	ssyncset.done $0x0  }
0x38: {  	s7 =	simm.s32 $0x2;
	[sflag:s24] =	ssyncadd.s32 $0xFFFFF830  }
0x39: {  	_ =	swait.ge [sflag:s7], $0x7D0  }
0x3a: {  	[sflag:s7] =	ssyncset.done $0x0  }
0x3b: {  	[sflag:s7] =	ssyncadd.s32 $0xFFFFF830  }
0x3c: {  	s26 =	simm.s32 $0x163A8;
	s28 =	simm.s32 $0x163D0;
	_ =	swait.ge [sflag:s24], $0x7D0  }
0x3d: {  	s29 =	simm.s32 $0x163F8;
	s8 =	smul.u32 $0x6, s9;
	[sflag:s24] =	ssyncset.done $0x0  }
0x3e: {  	p1 =	por $0x0, $0x0;
	s6 =	simm.s32 $0x1AAC0;
	[sflag:s24] =	ssyncadd.s32 $0xFFFFF830  }
0x3f: {  	s1 =	sand.u32 $0xFE, s8;
	s3 =	sadd.s32 $0x4, s8;
	_ =	swait.ge [sflag:s7], $0x7D0  }
0x40: {  	s4 =	smul.u32 $0x29, s1;
	s9 =	sand.u32 $0xFF, s3;
	[sflag:s7] =	ssyncset.done $0x0  }
0x41: {  	s23 =	sor.u32 $0x1, s8;
	s9 =	smul.u32 $0x29, s9;
	[sflag:s7] =	ssyncadd.s32 $0xFFFFF830  }
0x42: {  	s16 =	simm.s32 $0x182C0;
	s24 =	sand.u32 $0xFF, s23;
	[bflag:$0x0] =	sbarrier.arrive $0xFFFF  }
0x43: {  	s22 =	smul.u32 $0x29, s24;
	s24 =	sshrl.u32 s9, $0xB;
	s0 =	rddreg [dreg:$0x0]  }
0x44: {  	[tilespmem:s16], [sflag:$0x3] =	stream.indirect.gather [hbm4b:s0+s25], $0x80, s11, s25, $0xb8;
	[tilespmem:$0x1FD40] =	vst v63  }
0x45: {  	s10 =	simm.s32 $0x1BEC0;
	s9 =	smul.u32 $0x32, s24;
	s11 =	sshrl.u32 s4, $0xB  }
0x46: {  	s18 =	simm.s32 $0x196C0;
	s20 =	smul.u32 $0x32, s11;
	s21 =	sand.u32 $0x1, s11  }
0x47: {  	[tilespmem:s18], [sflag:$0x4] =	stream.indirect.gather [hbm4b:s0+s25], $0x80, s26, s25, $0xb8;
	[tilespmem:$0x1FD40] =	vst v63  }
0x48: {  	s4 =	sshrl.u32 s22, $0xB;
	p0 =	seq.s32 s21, $0x1;
	s26 =	sand.u32 $0x1, s24  }
0x49: {  	s20 =	ssub.s32 s8, s20;
	p2 =	seq.s32 s26, $0x1;
	s26 =	simm.s32 $0x7D0  }
0x4a: {  	[tilespmem:s6], [sflag:$0x5] =	stream.indirect.gather [hbm4b:s0+s25], $0x80, s28, s25, $0xb8;
	[tilespmem:$0x1FD40] =	vst v63  }
0x4b: {  	s28 =	sand.u32 $0xFE, s20;
	s26 =	simm.s32 @!p2 $0x0;
	p2 =	por $0x1, $0x1  }
0x4c: {  	s1 =	smul.u32 $0xA0, s28;
	s28 =	simm.s32 $0x17AF0;
	s22 =	simm.s32 @!p2 $0xD  }
0x4d: {  	[tilespmem:s10], [sflag:$0x6] =	stream.indirect.gather [hbm4b:s0+s25], $0x80, s29, s25, $0xb8;
	[tilespmem:$0x1FD40] =	vst v63  }
0x4e: {  	s29 =	ssub.s32 s3, s9;
	s9 =	sand.u32 @!p1 $0xFF, s20;
	s28 =	simm.s32 @!p0 $0x17320  }
0x4f: {  	s3 =	sand.u32 $0xFF, s29;
	_ =	swait.ge [sflag:s2], $0x1400;
	s20 =	sshrl.u32 s1, $0x2  }
0x50: {  	p0 =	sne.s32 @!p1 s9, $0x1E;
	s21 =	smul.u32 $0xA0, s3;
	[sflag:s2] =	ssyncset.done $0x0  }
0x51: {  	s20 =	sadd.s32 s20, s28;
	p3 =	por p0, p1;
	[sflag:s2] =	ssyncadd.s32 $0xFFFFEC00  }
0x52: {  	s11 =	sadd.s32 @!p3 $0x1, s11;
	s21 =	sshrl.u32 s21, $0x2;
	s1 =	rddreg [dreg:$0x5]  }
0x53: {  	[spmem:s1] =	stream.indirect.scatter.add.f32 [tilespmem:s16], [sflag:$0x9], $0x80, s20, s25, $0xb8;
	[tilespmem:$0x1FD40] =	vst v63  }
0x54: {  	s3 =	rddreg [dreg:$0x6];
	s2 =	sand.u32 @!p3 $0x1, s11;
	s11 =	smul.u32 @!p3 $0x7D0, s11  }
0x55: {  	[spmem:s3] =	stream.indirect.scatter.add.f32 [tilespmem:s5], [sflag:$0x9], $0x10, s20, s25, $0xb8;
	[tilespmem:$0x1FD40] =	vst v63  }
0x56: {  	s9 =	sadd.s32 s21, s26;
	s26 =	simm.s32 @!p3 $0x0;
	_ =	swait.ge @!p2 [sflag:s22], $0x1400  }
0x57: {  	p4 =	seq.s32 @!p3 s2, $0x1;
	s2 =	simm.s32 @!p3 $0x7D0;
	[sflag:s22] =	ssyncset.done @!p2 $0x0  }
0x58: {  	s21 =	smul.u32 $0x32, s4;
	s7 =	sadd.s32 $0x16380, s9;
	[sflag:s22] =	ssyncadd.s32 @!p2 $0xFFFFEC00  }
0x59: {  	p0 =	por @!p1 !p4, p0;
	s11 =	sadd.s32 @!p3 s15, s11;
	_ =	swait.ge @!p2 [sflag:s22], $0x280  }
0x5a: {  	p0 =	por !p0, p1;
	s11 =	sshrl.u32 @!p3 s11, $0x3;
	[sflag:s22] =	ssyncset.done @!p2 $0x0  }
0x5b: {  	s21 =	ssub.s32 s23, s21;
	s2 =	simm.s32 @!p0 $0x0;
	[sflag:s22] =	ssyncadd.s32 @!p2 $0xFFFFFD80  }
0x5c: {  	[tilespmem:s13], [sflag:$0x7] =	stream.indirect.gather [hbm4b:s0+s25], $0x80, s7, s25, $0xb8;
	[tilespmem:$0x1FD40] =	vst v63  }
0x5d: {  	s22 =	sadd.s32 @!p3 $0x16380, s2;
	s7 =	sadd.s32 @!p3 $0x17320, s2;
	s2 =	sand.u32 $0xFF, s21  }
0x5e: {  	s20 =	sadd.s32 @!p3 s30, s11;
	s23 =	rddreg [dreg:$0x2];
	s2 =	smul.u32 $0xA0, s2  }
0x5f: {  	[tilespmem:s22], [sflag:$0x1] =	stream.linear.gather @!p3 [hbm4b:s20+s26], $0x7D0, $0x38;
	[tilespmem:$0x1FD40] =	vst v63  }
0x60: {  	p0 =	por $0x0, $0x0;
	s11 =	sadd.s32 @!p3 s23, s11;
	s20 =	sadd.s32 $0x5, s8  }
0x61: {  	s22 =	sadd.s32 $0x2, s8;
	s4 =	sand.u32 $0xFF, s20;
	s2 =	sshrl.u32 s2, $0x2  }
0x62: {  	[tilespmem:s7], [sflag:$0x2] =	stream.linear.gather @!p3 [hbm4b:s11+s26], $0x7D0, $0x38;
	[tilespmem:$0x1FD40] =	vst v63  }
0x63: {  	s4 =	smul.u32 $0x29, s4;
	s7 =	sand.u32 $0xFF, s22;
	s11 =	sand.u32 @!p1 $0xFF, s21  }
0x64: {  	s2 =	sadd.s32 s2, s28;
	p3 =	sne.s32 @!p1 s11, $0x2D;
	_ =	swait.ge [sflag:s12], $0x1400  }
0x65: {  	s7 =	smul.u32 $0x29, s7;
	s4 =	sshrl.u32 s4, $0xB;
	[sflag:s12] =	ssyncset.done $0x0  }
0x66: {  	s26 =	smul.u32 $0x32, s4;
	s4 =	sand.u32 $0x1, s4;
	[sflag:s12] =	ssyncadd.s32 $0xFFFFEC00  }
0x67: {  	[spmem:s1] =	stream.indirect.scatter.add.f32 [tilespmem:s18], [sflag:$0xA], $0x80, s2, s25, $0xb8;
	[tilespmem:$0x1FD40] =	vst v63  }
0x68: {  	p4 =	seq.s32 s4, $0x1;
	s4 =	sshrl.u32 s7, $0xB;
	s20 =	ssub.s32 s20, s26  }
0x69: {  	[spmem:s3] =	stream.indirect.scatter.add.f32 [tilespmem:s5], [sflag:$0xA], $0x10, s2, s25, $0xb8;
	[tilespmem:$0x1FD40] =	vst v63  }
0x6a: {  	s11 =	simm.s32 @!p2 $0xE;
	s7 =	smul.u32 $0x32, s4;
	s21 =	sand.u32 $0xFF, s20  }
0x6b: {  	p1 =	por p3, p1;
	_ =	swait.ge @!p2 [sflag:s11], $0x1400;
	s2 =	smul.u32 $0xA0, s21  }
0x6c: {  	s26 =	sand.u32 $0x1, s4;
	s21 =	simm.s32 $0x7D0;
	[sflag:s11] =	ssyncset.done @!p2 $0x0  }
0x6d: {  	s21 =	simm.s32 @!p4 $0x0;
	[sflag:s11] =	ssyncadd.s32 @!p2 $0xFFFFEC00;
	s2 =	sshrl.u32 s2, $0x2  }
0x6e: {  	_ =	swait.ge @!p2 [sflag:s11], $0x280;
	s21 =	sadd.s32 s2, s21;
	s2 =	ssub.s32 s22, s7  }
0x6f: {  	[sflag:s11] =	ssyncset.done @!p2 $0x0;
	s22 =	sadd.s32 $0x16380, s21;
	s28 =	sand.u32 $0xFF, s2  }
0x70: {  	s2 =	sand.u32 @!p0 $0xFF, s2;
	[sflag:s11] =	ssyncadd.s32 @!p2 $0xFFFFFD80;
	p2 =	seq.s32 s26, $0x1  }
0x71: {  	[tilespmem:s31], [sflag:$0x8] =	stream.indirect.gather [hbm4b:s0+s25], $0x80, s22, s25, $0xb8;
	[tilespmem:$0x1FD40] =	vst v63  }
0x72: {  	s7 =	smul.u32 $0xA0, s28;
	s11 =	simm.s32 $0x7D0;
	s22 =	simm.s32 @!p1 $0x1  }
0x73: {  	s26 =	simm.s32 @!p1 $0x2;
	s11 =	simm.s32 @!p2 $0x0;
	_ =	swait.ge @!p1 [sflag:s22], $0x7D0  }
0x74: {  	p2 =	sne.s32 @!p0 s2, $0x1E;
	s7 =	sshrl.u32 s7, $0x2;
	[sflag:s22] =	ssyncset.done @!p1 $0x0  }
0x75: {  	s2 =	sadd.s32 s7, s11;
	[sflag:s22] =	ssyncadd.s32 @!p1 $0xFFFFF830;
	s22 =	sadd.s32 $0x6, s8  }
0x76: {  	s7 =	sadd.s32 $0x3, s8;
	_ =	swait.ge @!p1 [sflag:s26], $0x7D0;
	s12 =	sand.u32 $0xFF, s22  }
0x77: {  	[sflag:s26] =	ssyncset.done @!p1 $0x0;
	s28 =	smul.u32 $0x29, s12;
	s12 =	sand.u32 $0xFF, s7  }
0x78: {  	s2 =	sadd.s32 $0x17320, s2;
	[sflag:s26] =	ssyncadd.s32 @!p1 $0xFFFFF830;
	s26 =	smul.u32 $0x29, s12  }
0x79: {  	p1 =	por p2, p0;
	s12 =	simm.s32 $0x9;
	_ =	swait.ge [sflag:s14], $0x1400  }
0x7a: {  	s11 =	sshrl.u32 s28, $0xB;
	s4 =	sadd.s32 @!p1 $0x1, s4;
	[sflag:s14] =	ssyncset.done $0x0  }
0x7b: {  	s28 =	smul.u32 $0x32, s11;
	s11 =	sand.u32 $0x1, s11;
	s26 =	sshrl.u32 s26, $0xB  }
0x7c: {  	[sflag:s14] =	ssyncadd.s32 $0xFFFFEC00;
	p3 =	seq.s32 s11, $0x1;
	s11 =	simm.s32 $0x7D0  }
0x7d: {  	[spmem:s1] =	stream.indirect.scatter.add.f32 [tilespmem:s6], [sflag:$0xB], $0x80, s2, s25, $0xb8;
	[tilespmem:$0x1FD40] =	vst v63  }
0x7e: {  	s22 =	ssub.s32 s22, s28;
	s28 =	smul.u32 @!p1 $0x7D0, s4;
	s4 =	sand.u32 @!p1 $0x1, s4  }
0x7f: {  	s11 =	simm.s32 @!p3 $0x0;
	s22 =	sand.u32 $0xFF, s22;
	p3 =	seq.s32 @!p1 s4, $0x1  }
0x80: {  	[spmem:s3] =	stream.indirect.scatter.add.f32 [tilespmem:s5], [sflag:$0xB], $0x10, s2, s25, $0xb8;
	[tilespmem:$0x1FD40] =	vst v63  }
0x81: {  	s2 =	simm.s32 @!p1 $0x7D0;
	s14 =	smul.u32 $0xA0, s22;
	_ =	swait.ge [sflag:s12], $0x1400  }
0x82: {  	s22 =	sadd.s32 @!p1 s15, s28;
	p2 =	por @!p0 !p3, p2;
	[sflag:s12] =	ssyncset.done $0x0  }
0x83: {  	s28 =	simm.s32 @!p1 $0x0;
	p2 =	por !p2, p0;
	[sflag:s12] =	ssyncadd.s32 $0xFFFFEC00  }
0x84: {  	s22 =	sshrl.u32 @!p1 s22, $0x3;
	s4 =	sshrl.u32 s14, $0x2;
	_ =	swait.ge [sflag:s12], $0x280  }
0x85: {  	s2 =	simm.s32 @!p2 $0x0;
	s4 =	sadd.s32 s4, s11;
	[sflag:s12] =	ssyncset.done $0x0  }
0x86: {  	s4 =	sadd.s32 $0x16380, s4;
	[sflag:s12] =	ssyncadd.s32 $0xFFFFFD80;
	s12 =	smul.u32 $0x32, s26  }
0x87: {  	[tilespmem:s16], [sflag:$0x3] =	stream.indirect.gather [hbm4b:s0+s25], $0x80, s4, s25, $0xb8;
	[tilespmem:$0x1FD40] =	vst v63  }
0x88: {  	s11 =	sadd.s32 @!p1 $0x16380, s2;
	s4 =	sadd.s32 @!p1 s30, s22;
	s7 =	ssub.s32 s7, s12  }
0x89: {  	[tilespmem:s11], [sflag:$0x1] =	stream.linear.gather @!p1 [hbm4b:s4+s28], $0x7D0, $0x38;
	[tilespmem:$0x1FD40] =	vst v63  }
0x8a: {  	s2 =	sadd.s32 @!p1 $0x17320, s2;
	s16 =	sand.u32 $0xFF, s7  }
0x8b: {  	s22 =	sadd.s32 @!p1 s23, s22;
	s4 =	sand.u32 $0x1, s26;
	s26 =	smul.u32 $0xA0, s16  }
0x8c: {  	[tilespmem:s2], [sflag:$0x2] =	stream.linear.gather @!p1 [hbm4b:s22+s28], $0x7D0, $0x38;
	[tilespmem:$0x1FD40] =	vst v63  }
0x8d: {  	s2 =	sadd.s32 $0x7, s8;
	p1 =	seq.s32 s4, $0x1;
	s22 =	simm.s32 $0x7D0  }
0x8e: {  	s28 =	simm.s32 $0x6;
	s14 =	sand.u32 $0xFF, s2;
	s22 =	simm.s32 @!p1 $0x0  }
0x8f: {  	s4 =	sshrl.u32 s26, $0x2;
	_ =	swait.ge [sflag:s28], $0x1400;
	s11 =	smul.u32 $0x29, s14  }
0x90: {  	s7 =	sand.u32 @!p0 $0xFF, s7;
	s4 =	sadd.s32 s4, s22;
	[sflag:s28] =	ssyncset.done $0x0  }
0x91: {  	s4 =	sadd.s32 $0x17320, s4;
	[sflag:s28] =	ssyncadd.s32 $0xFFFFEC00;
	s11 =	sshrl.u32 s11, $0xB  }
0x92: {  	[spmem:s1] =	stream.indirect.scatter.add.f32 [tilespmem:s10], [sflag:$0xC], $0x80, s4, s25, $0xb8;
	[tilespmem:$0x1FD40] =	vst v63  }
0x93: {  	p1 =	sne.s32 @!p0 s7, $0x2D;
	s26 =	sadd.s32 $0x8, s8;
	s14 =	smul.u32 $0x32, s11  }
0x94: {  	[spmem:s3] =	stream.indirect.scatter.add.f32 [tilespmem:s5], [sflag:$0xC], $0x10, s4, s25, $0xb8;
	[tilespmem:$0x1FD40] =	vst v63  }
0x95: {  	s22 =	simm.s32 $0xA;
	s28 =	sand.u32 $0xFF, s26;
	s2 =	ssub.s32 s2, s14  }
0x96: {  	s12 =	smul.u32 $0x29, s28;
	_ =	swait.ge [sflag:s22], $0x1400;
	s2 =	sand.u32 $0xFF, s2  }
0x97: {  	s16 =	sand.u32 $0x1, s11;
	[sflag:s22] =	ssyncset.done $0x0;
	s2 =	smul.u32 $0xA0, s2  }
0x98: {  	p2 =	seq.s32 s16, $0x1;
	s4 =	simm.s32 $0x7D0;
	[sflag:s22] =	ssyncadd.s32 $0xFFFFEC00  }
0x99: {  	s4 =	simm.s32 @!p2 $0x0;
	_ =	swait.ge [sflag:s22], $0x280;
	s2 =	sshrl.u32 s2, $0x2  }
0x9a: {  	p2 =	por p1, p0;
	[sflag:s22] =	ssyncset.done $0x0;
	s2 =	sadd.s32 s2, s4  }
0x9b: {  	[sflag:s22] =	ssyncadd.s32 $0xFFFFFD80;
	s4 =	simm.s32 @!p2 $0x1;
	s2 =	sadd.s32 $0x16380, s2  }
0x9c: {  	[tilespmem:s18], [sflag:$0x4] =	stream.indirect.gather [hbm4b:s0+s25], $0x80, s2, s25, $0xb8;
	[tilespmem:$0x1FD40] =	vst v63  }
0x9d: {  	s2 =	sshrl.u32 s12, $0xB;
	_ =	swait.ge @!p2 [sflag:s4], $0x7D0  }
0x9e: {  	s14 =	smul.u32 $0x32, s2;
	[sflag:s4] =	ssyncset.done @!p2 $0x0  }
0x9f: {  	s11 =	simm.s32 @!p2 $0x2;
	[sflag:s4] =	ssyncadd.s32 @!p2 $0xFFFFF830  }
0xa0: {  	s22 =	sand.u32 @!p0 $0xFF, s29;
	s4 =	ssub.s32 s26, s14;
	_ =	swait.ge @!p2 [sflag:s11], $0x7D0  }
0xa1: {  	p1 =	sne.s32 @!p0 s22, $0x1E;
	s4 =	sand.u32 $0xFF, s4;
	[sflag:s11] =	ssyncset.done @!p2 $0x0  }
0xa2: {  	s2 =	sand.u32 $0x1, s2;
	s16 =	smul.u32 $0xA0, s4;
	[sflag:s11] =	ssyncadd.s32 @!p2 $0xFFFFF830  }
0xa3: {  	s4 =	simm.s32 $0x7D0;
	p2 =	seq.s32 s2, $0x1;
	_ =	swait.ge [sflag:s17], $0x1400  }
0xa4: {  	s18 =	sadd.s32 $0x17320, s9;
	s4 =	simm.s32 @!p2 $0x0;
	[sflag:s17] =	ssyncset.done $0x0  }
0xa5: {  	s2 =	sshrl.u32 s16, $0x2;
	p2 =	por p1, p0;
	[sflag:s17] =	ssyncadd.s32 $0xFFFFEC00  }
0xa6: {  	[spmem:s1] =	stream.indirect.scatter.add.f32 [tilespmem:s13], [sflag:$0xD], $0x80, s18, s25, $0xb8;
	[tilespmem:$0x1FD40] =	vst v63  }
0xa7: {  	s22 =	simm.s32 $0xB;
	s2 =	sadd.s32 s2, s4;
	s4 =	sadd.s32 @!p2 $0x1, s24  }
0xa8: {  	[spmem:s3] =	stream.indirect.scatter.add.f32 [tilespmem:s5], [sflag:$0xD], $0x10, s18, s25, $0xb8;
	[tilespmem:$0x1FD40] =	vst v63  }
0xa9: {  	s2 =	sadd.s32 $0x16380, s2;
	s7 =	sand.u32 @!p2 $0x1, s4;
	_ =	swait.ge [sflag:s22], $0x1400  }
0xaa: {  	s4 =	smul.u32 @!p2 $0x7D0, s4;
	p3 =	seq.s32 @!p2 s7, $0x1;
	[sflag:s22] =	ssyncset.done $0x0  }
0xab: {  	s7 =	simm.s32 @!p2 $0x7D0;
	p1 =	por @!p0 !p3, p1;
	[sflag:s22] =	ssyncadd.s32 $0xFFFFEC00  }
0xac: {  	s4 =	sadd.s32 @!p2 s15, s4;
	p1 =	por !p1, p0;
	_ =	swait.ge [sflag:s22], $0x280  }
0xad: {  	s4 =	sshrl.u32 @!p2 s4, $0x3;
	s7 =	simm.s32 @!p1 $0x0;
	[sflag:s22] =	ssyncset.done $0x0  }
0xae: {  	s9 =	sadd.s32 @!p2 s30, s4;
	s4 =	sadd.s32 @!p2 s23, s4;
	[sflag:s22] =	ssyncadd.s32 $0xFFFFFD80  }
0xaf: {  	[tilespmem:s6], [sflag:$0x5] =	stream.indirect.gather [hbm4b:s0+s25], $0x80, s2, s25, $0xb8;
	[tilespmem:$0x1FD40] =	vst v63  }
0xb0: {  	s23 =	sadd.s32 $0x9, s8;
	s11 =	sadd.s32 @!p2 $0x16380, s7;
	s2 =	simm.s32 @!p2 $0x0  }
0xb1: {  	[tilespmem:s11], [sflag:$0x1] =	stream.linear.gather @!p2 [hbm4b:s9+s2], $0x7D0, $0x38;
	[tilespmem:$0x1FD40] =	vst v63  }
0xb2: {  	s7 =	sadd.s32 @!p2 $0x17320, s7;
	s24 =	sand.u32 $0xFF, s23  }
0xb3: {  	[tilespmem:s7], [sflag:$0x2] =	stream.linear.gather @!p2 [hbm4b:s4+s2], $0x7D0, $0x38;
	[tilespmem:$0x1FD40] =	vst v63  }
0xb4: {  	s4 =	smul.u32 $0x29, s24  }
0xb5: {  	_ =	swait.ge [sflag:s19], $0x1400  }
0xb6: {  	s4 =	sshrl.u32 s4, $0xB;
	[sflag:s19] =	ssyncset.done $0x0  }
0xb7: {  	s28 =	sadd.s32 $0x17320, s21;
	s26 =	smul.u32 $0x32, s4;
	[sflag:s19] =	ssyncadd.s32 $0xFFFFEC00  }
0xb8: {  	[spmem:s1] =	stream.indirect.scatter.add.f32 [tilespmem:s31], [sflag:$0xE], $0x80, s28, s25, $0xb8;
	[tilespmem:$0x1FD40] =	vst v63  }
0xb9: {  	s2 =	ssub.s32 s23, s26  }
0xba: {  	[spmem:s3] =	stream.indirect.scatter.add.f32 [tilespmem:s5], [sflag:$0xE], $0x10, s28, s25, $0xb8;
	[tilespmem:$0x1FD40] =	vst v63  }
0xbb: {  	s29 =	simm.s32 $0xC;
	s7 =	sand.u32 @!p0 $0xFF, s20;
	s2 =	sand.u32 $0xFF, s2  }
0xbc: {  	p2 =	sne.s32 @!p0 s7, $0x2D;
	s4 =	sand.u32 $0x1, s4;
	s2 =	smul.u32 $0xA0, s2  }
0xbd: {  	p1 =	seq.s32 s4, $0x1;
	s4 =	simm.s32 $0x7D0;
	_ =	swait.ge [sflag:s29], $0x1400  }
0xbe: {  	s4 =	simm.s32 @!p1 $0x0;
	[sflag:s29] =	ssyncset.done $0x0;
	s2 =	sshrl.u32 s2, $0x2  }
0xbf: {  	[sflag:s29] =	ssyncadd.s32 $0xFFFFEC00;
	s4 =	sadd.s32 s2, s4;
	s2 =	simm.s32 $0x1  }
.LBB2_2:
0xc0: {  	s15 =	simm.s32 $0xC;
	s21 =	smov.u32 s2;
	s2 =	sadd.s32 $0x1, s2  }
0xc1: {  	s4 =	sadd.s32 $0x16380, s4;
	p2 =	por p2, p0;
	_ =	swait.ge [sflag:s15], $0x280  }
0xc2: {  	s17 =	simm.s32 $0x1BEC0;
	s14 =	simm.s32 $0x3;
	[sflag:s15] =	ssyncset.done $0x0  }
0xc3: {  	s18 =	simm.s32 $0x182C0;
	p1 =	sne.s32 s2, $0x29;
	[sflag:s15] =	ssyncadd.s32 $0xFFFFFD80  }
0xc4: {  	s7 =	simm.s32 @!p2 $0x1;
	s20 =	smul.u32 $0x6, s21;
	s5 =	rddreg [dreg:$0x0]  }
0xc5: {  	[tilespmem:s17], [sflag:$0x6] =	stream.indirect.gather [hbm4b:s5+s25], $0x80, s4, s25, $0xb8;
	[tilespmem:$0x1FD40] =	vst v63  }
0xc6: {  	s29 =	sand.u32 $0xFE, s20;
	s22 =	sor.u32 $0x1, s20;
	_ =	swait.ge @!p2 [sflag:s7], $0x7D0  }
0xc7: {  	s9 =	sadd.s32 $0x5, s20;
	s11 =	sand.u32 $0xFF, s22;
	[sflag:s7] =	ssyncset.done @!p2 $0x0  }
0xc8: {  	s4 =	simm.s32 @!p2 $0x2;
	s11 =	smul.u32 $0x29, s11;
	[sflag:s7] =	ssyncadd.s32 @!p2 $0xFFFFF830  }
0xc9: {  	s0 =	sadd.s32 $0x4, s20;
	s28 =	sand.u32 $0xFF, s9;
	_ =	swait.ge @!p2 [sflag:s4], $0x7D0  }
0xca: {  	s16 =	sshrl.u32 s11, $0xB;
	s11 =	smul.u32 $0x29, s28;
	[sflag:s4] =	ssyncset.done @!p2 $0x0  }
0xcb: {  	s8 =	sand.u32 $0xFF, s0;
	[sflag:s4] =	ssyncadd.s32 @!p2 $0xFFFFF830;
	s4 =	smul.u32 $0x29, s29  }
0xcc: {  	p0 =	sgt.u32 s21, $0x20;
	s26 =	sadd.s32 $0x2, s20;
	s8 =	smul.u32 $0x29, s8  }
0xcd: {  	s11 =	sshrl.u32 s11, $0xB;
	p2 =	sgt.u32 s21, $0x21;
	s12 =	sshrl.u32 s4, $0xB  }
0xce: {  	_ =	swait.ge [sflag:s14], $0x1400;
	s4 =	sshrl.u32 s8, $0xB;
	s24 =	smul.u32 $0x32, s12  }
0xcf: {  	[sflag:s14] =	ssyncset.done $0x0;
	s1 =	sand.u32 $0x1, s12;
	s3 =	smul.u32 $0x32, s4  }
0xd0: {  	s8 =	sand.u32 $0x1, s4;
	[sflag:s14] =	ssyncadd.s32 $0xFFFFEC00;
	s14 =	smov.u32 s30  }
0xd1: {  	p3 =	seq.s32 s1, $0x1;
	p4 =	seq.s32 s8, $0x1;
	s8 =	simm.s32 $0x17AF0  }
0xd2: {  	s24 =	ssub.s32 s20, s24;
	s7 =	ssub.s32 s0, s3;
	s8 =	simm.s32 @!p3 $0x17320  }
0xd3: {  	p3 =	seq.s32 s21, $0x0;
	s0 =	simm.s32 $0x1D2C0;
	s6 =	sand.u32 $0xFE, s24  }
0xd4: {  	s1 =	sand.u32 @!p2 $0xFF, s24;
	s13 =	sand.u32 $0xFF, s7;
	s7 =	sand.u32 @!p0 $0xFF, s7  }
0xd5: {  	s10 =	smul.u32 $0xA0, s6;
	p5 =	sne.s32 @!p2 s1, $0x1E;
	s1 =	simm.s32 $0x7D0  }
0xd6: {  	s3 =	smul.u32 $0xA0, s13;
	s6 =	rddreg [dreg:$0x5];
	s13 =	simm.s32 $0x1FAC0  }
0xd7: {  	s1 =	simm.s32 @!p4 $0x0;
	p4 =	por p5, p2;
	s24 =	sshrl.u32 s10, $0x2  }
0xd8: {  	s3 =	sshrl.u32 s3, $0x2;
	s10 =	rddreg [dreg:$0x6];
	s12 =	sadd.s32 @!p4 $0x1, s12  }
0xd9: {  	s24 =	sadd.s32 s24, s8;
	s21 =	sadd.s32 s3, s1;
	s29 =	smul.u32 @!p4 $0x7D0, s12  }
0xda: {  	s3 =	simm.s32 @!p3 $0xD;
	s12 =	sand.u32 @!p4 $0x1, s12;
	s1 =	smul.u32 $0x32, s16  }
0xdb: {  	[spmem:s6] =	stream.indirect.scatter.add.f32 [tilespmem:s18], [sflag:$0x9], $0x80, s24, s25, $0xb8;
	[tilespmem:$0x1FD40] =	vst v63  }
0xdc: {  	s19 =	sadd.s32 $0x16380, s21;
	p6 =	seq.s32 @!p4 s12, $0x1;
	s12 =	simm.s32 @!p4 $0x7D0  }
0xdd: {  	[spmem:s10] =	stream.indirect.scatter.add.f32 [tilespmem:s13], [sflag:$0x9], $0x10, s24, s25, $0xb8;
	[tilespmem:$0x1FD40] =	vst v63  }
0xde: {  	p5 =	por @!p2 !p6, p5;
	s1 =	ssub.s32 s22, s1;
	_ =	swait.ge @!p3 [sflag:s3], $0x1400  }
0xdf: {  	s22 =	sand.u32 $0xFF, s26;
	s24 =	simm.s32 @!p4 $0x0;
	[sflag:s3] =	ssyncset.done @!p3 $0x0  }
0xe0: {  	p5 =	por !p5, p2;
	s16 =	sand.u32 $0xFF, s1;
	[sflag:s3] =	ssyncadd.s32 @!p3 $0xFFFFEC00  }
0xe1: {  	s1 =	sand.u32 @!p2 $0xFF, s1;
	s12 =	simm.s32 @!p5 $0x0;
	_ =	swait.ge @!p3 [sflag:s3], $0x280  }
0xe2: {  	p5 =	sne.s32 @!p2 s1, $0x2D;
	s23 =	rddreg [dreg:$0x8];
	[sflag:s3] =	ssyncset.done @!p3 $0x0  }
0xe3: {  	p2 =	por p5, p2;
	s29 =	sadd.s32 @!p4 s23, s29;
	[sflag:s3] =	ssyncadd.s32 @!p3 $0xFFFFFD80  }
0xe4: {  	[tilespmem:s0], [sflag:$0x7] =	stream.indirect.gather [hbm4b:s5+s25], $0x80, s19, s25, $0xb8;
	[tilespmem:$0x1FD40] =	vst v63  }
0xe5: {  	s29 =	sshrl.u32 @!p4 s29, $0x3;
	s19 =	rddreg [dreg:$0x2];
	s0 =	smul.u32 $0xA0, s16  }
0xe6: {  	s16 =	simm.s32 $0x4;
	s3 =	sadd.s32 @!p4 s30, s29;
	s30 =	sadd.s32 @!p4 $0x16380, s12  }
0xe7: {  	[tilespmem:s30], [sflag:$0x1] =	stream.linear.gather @!p4 [hbm4b:s3+s24], $0x7D0, $0x38;
	[tilespmem:$0x1FD40] =	vst v63  }
0xe8: {  	s12 =	sadd.s32 @!p4 $0x17320, s12;
	s28 =	sadd.s32 @!p4 s19, s29;
	s29 =	smul.u32 $0x29, s22  }
0xe9: {  	[tilespmem:s12], [sflag:$0x2] =	stream.linear.gather @!p4 [hbm4b:s28+s24], $0x7D0, $0x38;
	[tilespmem:$0x1FD40] =	vst v63  }
0xea: {  	s3 =	simm.s32 @!p3 $0xE;
	s30 =	simm.s32 $0x7D0;
	s24 =	sshrl.u32 s0, $0x2  }
0xeb: {  	s28 =	smul.u32 $0x32, s11;
	s11 =	sand.u32 $0x1, s11;
	s0 =	simm.s32 $0x196C0  }
0xec: {  	s12 =	sadd.s32 $0x6, s20;
	_ =	swait.ge [sflag:s16], $0x1400;
	s1 =	sadd.s32 s24, s8  }
0xed: {  	p4 =	seq.s32 s11, $0x1;
	[sflag:s16] =	ssyncset.done $0x0;
	s22 =	ssub.s32 s9, s28  }
0xee: {  	s28 =	sshrl.u32 s29, $0xB;
	[sflag:s16] =	ssyncadd.s32 $0xFFFFEC00;
	s9 =	sand.u32 $0xFF, s22  }
0xef: {  	[spmem:s6] =	stream.indirect.scatter.add.f32 [tilespmem:s0], [sflag:$0xA], $0x80, s1, s25, $0xb8;
	[tilespmem:$0x1FD40] =	vst v63  }
0xf0: {  	s24 =	sand.u32 $0x1, s28;
	s11 =	smul.u32 $0xA0, s9;
	s9 =	simm.s32 $0x7D0  }
0xf1: {  	s16 =	smul.u32 $0x32, s28;
	s9 =	simm.s32 @!p4 $0x0;
	p4 =	seq.s32 s24, $0x1  }
0xf2: {  	[spmem:s10] =	stream.indirect.scatter.add.f32 [tilespmem:s13], [sflag:$0xA], $0x10, s1, s25, $0xb8;
	[tilespmem:$0x1FD40] =	vst v63  }
0xf3: {  	s24 =	sand.u32 $0xFF, s12;
	s1 =	sshrl.u32 s11, $0x2;
	_ =	swait.ge @!p3 [sflag:s3], $0x1400  }
0xf4: {  	s9 =	sadd.s32 s1, s9;
	s1 =	ssub.s32 s26, s16;
	[sflag:s3] =	ssyncset.done @!p3 $0x0  }
0xf5: {  	s11 =	simm.s32 $0x7D0;
	s8 =	sand.u32 $0xFF, s1;
	[sflag:s3] =	ssyncadd.s32 @!p3 $0xFFFFEC00  }
0xf6: {  	s11 =	simm.s32 @!p4 $0x0;
	s8 =	smul.u32 $0xA0, s8;
	_ =	swait.ge @!p3 [sflag:s3], $0x280  }
0xf7: {  	s16 =	simm.s32 $0x5;
	s26 =	sadd.s32 $0x16380, s9;
	[sflag:s3] =	ssyncset.done @!p3 $0x0  }
0xf8: {  	s1 =	sand.u32 @!p0 $0xFF, s1;
	s8 =	sshrl.u32 s8, $0x2;
	[sflag:s3] =	ssyncadd.s32 @!p3 $0xFFFFFD80  }
0xf9: {  	s3 =	simm.s32 @!p2 $0x1;
	s29 =	sadd.s32 s8, s11;
	s8 =	smul.u32 $0x29, s24  }
0xfa: {  	[tilespmem:s31], [sflag:$0x8] =	stream.indirect.gather [hbm4b:s5+s25], $0x80, s26, s25, $0xb8;
	[tilespmem:$0x1FD40] =	vst v63  }
0xfb: {  	p3 =	sne.s32 @!p0 s1, $0x1E;
	s1 =	simm.s32 @!p2 $0x2;
	_ =	swait.ge @!p2 [sflag:s3], $0x7D0  }
0xfc: {  	s11 =	sadd.s32 $0x3, s20;
	s24 =	sshrl.u32 s8, $0xB;
	[sflag:s3] =	ssyncset.done @!p2 $0x0  }
0xfd: {  	[sflag:s3] =	ssyncadd.s32 @!p2 $0xFFFFF830;
	s3 =	sadd.s32 $0x17320, s29;
	s29 =	smul.u32 $0x32, s24  }
0xfe: {  	s26 =	sand.u32 $0xFF, s11;
	s24 =	sand.u32 $0x1, s24;
	_ =	swait.ge @!p2 [sflag:s1], $0x7D0  }
0xff: {  	p4 =	seq.s32 s24, $0x1;
	[sflag:s1] =	ssyncset.done @!p2 $0x0;
	s12 =	ssub.s32 s12, s29  }
0x100: {  	s29 =	simm.s32 $0x1AAC0;
	s30 =	simm.s32 @!p4 $0x0;
	[sflag:s1] =	ssyncadd.s32 @!p2 $0xFFFFF830  }
0x101: {  	s1 =	smul.u32 $0x29, s26;
	s26 =	sadd.s32 $0x7, s20;
	p2 =	por p3, p0  }
0x102: {  	_ =	swait.ge [sflag:s16], $0x1400;
	s8 =	sand.u32 $0xFF, s26;
	s24 =	sadd.s32 @!p2 $0x1, s28  }
0x103: {  	s28 =	simm.s32 @!p2 $0x7D0;
	[sflag:s16] =	ssyncset.done $0x0;
	s1 =	sshrl.u32 s1, $0xB  }
0x104: {  	s31 =	smul.u32 @!p2 $0x7D0, s24;
	s24 =	sand.u32 @!p2 $0x1, s24;
	[sflag:s16] =	ssyncadd.s32 $0xFFFFEC00  }
0x105: {  	s16 =	smov.u32 s19;
	s19 =	simm.s32 $0x9;
	p4 =	seq.s32 @!p2 s24, $0x1  }
0x106: {  	[spmem:s6] =	stream.indirect.scatter.add.f32 [tilespmem:s29], [sflag:$0xB], $0x80, s3, s25, $0xb8;
	[tilespmem:$0x1FD40] =	vst v63  }
0x107: {  	s29 =	smul.u32 $0x32, s1;
	p3 =	por @!p0 !p4, p3;
	s1 =	sand.u32 $0x1, s1  }
0x108: {  	[spmem:s10] =	stream.indirect.scatter.add.f32 [tilespmem:s13], [sflag:$0xB], $0x10, s3, s25, $0xb8;
	[tilespmem:$0x1FD40] =	vst v63  }
0x109: {  	p3 =	por !p3, p0;
	s3 =	sand.u32 $0xFF, s12;
	s12 =	sadd.s32 @!p2 s23, s31  }
0x10a: {  	s28 =	simm.s32 @!p3 $0x0;
	s11 =	ssub.s32 s11, s29;
	s29 =	simm.s32 @!p2 $0x0  }
0x10b: {  	p3 =	seq.s32 s1, $0x1;
	_ =	swait.ge [sflag:s19], $0x1400;
	s12 =	sshrl.u32 @!p2 s12, $0x3  }
0x10c: {  	s3 =	smul.u32 $0xA0, s3;
	s31 =	sadd.s32 @!p2 $0x16380, s28;
	[sflag:s19] =	ssyncset.done $0x0  }
0x10d: {  	s28 =	sadd.s32 @!p2 $0x17320, s28;
	s24 =	sadd.s32 @!p2 s14, s12;
	[sflag:s19] =	ssyncadd.s32 $0xFFFFEC00  }
0x10e: {  	s12 =	sadd.s32 @!p2 s16, s12;
	s3 =	sshrl.u32 s3, $0x2;
	_ =	swait.ge [sflag:s19], $0x280  }
0x10f: {  	s3 =	sadd.s32 s3, s30;
	s30 =	sand.u32 $0xFF, s11;
	s11 =	sand.u32 @!p0 $0xFF, s11  }
0x110: {  	[sflag:s19] =	ssyncset.done $0x0;
	s3 =	sadd.s32 $0x16380, s3;
	s1 =	smul.u32 $0xA0, s30  }
0x111: {  	s30 =	smov.u32 s14;
	p4 =	sne.s32 @!p0 s11, $0x2D;
	[sflag:s19] =	ssyncadd.s32 $0xFFFFFD80  }
0x112: {  	[tilespmem:s18], [sflag:$0x3] =	stream.indirect.gather [hbm4b:s5+s25], $0x80, s3, s25, $0xb8;
	[tilespmem:$0x1FD40] =	vst v63  }
0x113: {  	s19 =	simm.s32 $0x8;
	p4 =	por p4, p0;
	s3 =	simm.s32 $0x7D0  }
0x114: {  	[tilespmem:s31], [sflag:$0x1] =	stream.linear.gather @!p2 [hbm4b:s24+s29], $0x7D0, $0x38;
	[tilespmem:$0x1FD40] =	vst v63  }
0x115: {  	s1 =	sshrl.u32 s1, $0x2;
	s18 =	smul.u32 $0x29, s8;
	s11 =	simm.s32 @!p4 $0x2  }
0x116: {  	[tilespmem:s28], [sflag:$0x2] =	stream.linear.gather @!p2 [hbm4b:s12+s29], $0x7D0, $0x38;
	[tilespmem:$0x1FD40] =	vst v63  }
0x117: {  	s3 =	simm.s32 @!p3 $0x0;
	p3 =	sne.s32 @!p0 s7, $0x1E;
	s28 =	simm.s32 $0x6  }
0x118: {  	s7 =	simm.s32 $0x7D0;
	s24 =	smov.u32 s16;
	_ =	swait.ge [sflag:s28], $0x1400  }
0x119: {  	s1 =	sadd.s32 s1, s3;
	s3 =	sshrl.u32 s18, $0xB;
	[sflag:s28] =	ssyncset.done $0x0  }
0x11a: {  	s1 =	sadd.s32 $0x17320, s1;
	s29 =	smul.u32 $0x32, s3;
	[sflag:s28] =	ssyncadd.s32 $0xFFFFEC00  }
0x11b: {  	[spmem:s6] =	stream.indirect.scatter.add.f32 [tilespmem:s17], [sflag:$0xC], $0x80, s1, s25, $0xb8;
	[tilespmem:$0x1FD40] =	vst v63  }
0x11c: {  	s18 =	sadd.s32 $0x8, s20;
	s12 =	simm.s32 $0xA;
	s8 =	ssub.s32 s26, s29  }
0x11d: {  	[spmem:s10] =	stream.indirect.scatter.add.f32 [tilespmem:s13], [sflag:$0xC], $0x10, s1, s25, $0xb8;
	[tilespmem:$0x1FD40] =	vst v63  }
0x11e: {  	s3 =	sand.u32 $0x1, s3;
	s16 =	sand.u32 $0xFF, s8;
	_ =	swait.ge [sflag:s12], $0x1400  }
0x11f: {  	p5 =	seq.s32 s3, $0x1;
	s1 =	smul.u32 $0xA0, s16;
	[sflag:s12] =	ssyncset.done $0x0  }
0x120: {  	s3 =	sand.u32 @!p0 $0xFF, s22;
	s22 =	sand.u32 $0xFF, s18;
	[sflag:s12] =	ssyncadd.s32 $0xFFFFEC00  }
0x121: {  	s7 =	simm.s32 @!p5 $0x0;
	s1 =	sshrl.u32 s1, $0x2;
	_ =	swait.ge [sflag:s12], $0x280  }
0x122: {  	s8 =	smul.u32 $0x29, s22;
	s1 =	sadd.s32 s1, s7;
	[sflag:s12] =	ssyncset.done $0x0  }
0x123: {  	s7 =	simm.s32 @!p4 $0x1;
	s1 =	sadd.s32 $0x16380, s1;
	[sflag:s12] =	ssyncadd.s32 $0xFFFFFD80  }
0x124: {  	[tilespmem:s0], [sflag:$0x4] =	stream.indirect.gather [hbm4b:s5+s25], $0x80, s1, s25, $0xb8;
	[tilespmem:$0x1FD40] =	vst v63  }
0x125: {  	p2 =	sne.s32 @!p0 s3, $0x2D;
	s26 =	sshrl.u32 s8, $0xB;
	_ =	swait.ge @!p4 [sflag:s7], $0x7D0  }
0x126: {  	s28 =	sadd.s32 $0x9, s20;
	s29 =	smul.u32 $0x32, s26;
	[sflag:s7] =	ssyncset.done @!p4 $0x0  }
0x127: {  	s22 =	simm.s32 $0xB;
	s17 =	simm.s32 $0x7;
	[sflag:s7] =	ssyncadd.s32 @!p4 $0xFFFFF830  }
0x128: {  	s3 =	ssub.s32 s18, s29;
	s18 =	sadd.s32 $0x17320, s21;
	_ =	swait.ge @!p4 [sflag:s11], $0x7D0  }
0x129: {  	s21 =	simm.s32 $0x1D2C0;
	s3 =	sand.u32 $0xFF, s3;
	[sflag:s11] =	ssyncset.done @!p4 $0x0  }
0x12a: {  	s1 =	sand.u32 $0x1, s26;
	s0 =	sand.u32 $0xFF, s28;
	[sflag:s11] =	ssyncadd.s32 @!p4 $0xFFFFF830  }
0x12b: {  	s26 =	simm.s32 $0x1AAC0;
	s12 =	smul.u32 $0x29, s0;
	_ =	swait.ge [sflag:s17], $0x1400  }
0x12c: {  	p5 =	seq.s32 s1, $0x1;
	s1 =	smul.u32 $0xA0, s3;
	[sflag:s17] =	ssyncset.done $0x0  }
0x12d: {  	s7 =	simm.s32 $0x7D0;
	s3 =	sshrl.u32 s12, $0xB;
	[sflag:s17] =	ssyncadd.s32 $0xFFFFEC00  }
0x12e: {  	[spmem:s6] =	stream.indirect.scatter.add.f32 [tilespmem:s21], [sflag:$0xD], $0x80, s18, s25, $0xb8;
	[tilespmem:$0x1FD40] =	vst v63  }
0x12f: {  	s1 =	sshrl.u32 s1, $0x2;
	s7 =	simm.s32 @!p5 $0x0;
	p4 =	por p3, p0  }
0x130: {  	[spmem:s10] =	stream.indirect.scatter.add.f32 [tilespmem:s13], [sflag:$0xD], $0x10, s18, s25, $0xb8;
	[tilespmem:$0x1FD40] =	vst v63  }
0x131: {  	s1 =	sadd.s32 s1, s7;
	s4 =	sadd.s32 @!p4 $0x1, s4;
	_ =	swait.ge [sflag:s22], $0x1400  }
0x132: {  	s11 =	smul.u32 @!p4 $0x7D0, s4;
	s4 =	sand.u32 @!p4 $0x1, s4;
	[sflag:s22] =	ssyncset.done $0x0  }
0x133: {  	s1 =	sadd.s32 $0x16380, s1;
	p5 =	seq.s32 @!p4 s4, $0x1;
	[sflag:s22] =	ssyncadd.s32 $0xFFFFEC00  }
0x134: {  	s4 =	simm.s32 @!p4 $0x7D0;
	p3 =	por @!p0 !p5, p3;
	_ =	swait.ge [sflag:s22], $0x280  }
0x135: {  	s11 =	sadd.s32 @!p4 s23, s11;
	p3 =	por !p3, p0;
	[sflag:s22] =	ssyncset.done $0x0  }
0x136: {  	s11 =	sshrl.u32 @!p4 s11, $0x3;
	s4 =	simm.s32 @!p3 $0x0;
	[sflag:s22] =	ssyncadd.s32 $0xFFFFFD80  }
0x137: {  	[tilespmem:s26], [sflag:$0x5] =	stream.indirect.gather [hbm4b:s5+s25], $0x80, s1, s25, $0xb8;
	[tilespmem:$0x1FD40] =	vst v63  }
0x138: {  	s8 =	simm.s32 @!p4 $0x0;
	s12 =	sadd.s32 @!p4 s30, s11;
	s1 =	sadd.s32 @!p4 $0x16380, s4  }
0x139: {  	[tilespmem:s1], [sflag:$0x1] =	stream.linear.gather @!p4 [hbm4b:s12+s8], $0x7D0, $0x38;
	[tilespmem:$0x1FD40] =	vst v63  }
0x13a: {  	s20 =	smul.u32 $0x32, s3;
	s11 =	sadd.s32 @!p4 s24, s11;
	s4 =	sadd.s32 @!p4 $0x17320, s4  }
0x13b: {  	[tilespmem:s4], [sflag:$0x2] =	stream.linear.gather @!p4 [hbm4b:s11+s8], $0x7D0, $0x38;
	[tilespmem:$0x1FD40] =	vst v63  }
0x13c: {  	s14 =	simm.s32 $0x182C0;
	s7 =	ssub.s32 s28, s20;
	_ =	swait.ge [sflag:s19], $0x1400  }
0x13d: {  	s31 =	simm.s32 $0x1E6C0;
	s28 =	sand.u32 $0xFF, s7;
	[sflag:s19] =	ssyncset.done $0x0  }
0x13e: {  	s29 =	sadd.s32 $0x17320, s9;
	s1 =	smul.u32 $0xA0, s28;
	[sflag:s19] =	ssyncadd.s32 $0xFFFFEC00  }
0x13f: {  	[spmem:s6] =	stream.indirect.scatter.add.f32 [tilespmem:s31], [sflag:$0xE], $0x80, s29, s25, $0xb8;
	[tilespmem:$0x1FD40] =	vst v63  }
.Ltmp0:
0x140: {  	s16 =	simm.s32 $0x196C0;
	s3 =	sand.u32 $0x1, s3;
	(pc) =	sbr.rel @p1 .LBB2_2-.Ltmp0, $4  }
0x141: {  	[spmem:s10] =	stream.indirect.scatter.add.f32 [tilespmem:s13], [sflag:$0xE], $0x10, s29, s25, $0xb8;
	[tilespmem:$0x1FD40] =	vst v63  }
0x142: {  	p3 =	seq.s32 s3, $0x1;
	s4 =	simm.s32 $0x7D0;
	_ =	swait.ge [sflag:s15], $0x1400  }
0x143: {  	s1 =	sshrl.u32 s1, $0x2;
	s4 =	simm.s32 @!p3 $0x0;
	[sflag:s15] =	ssyncset.done $0x0  }
0x144: {  	s18 =	simm.s32 $0x1AAC0;
	s4 =	sadd.s32 s1, s4;
	[sflag:s15] =	ssyncadd.s32 $0xFFFFEC00  }
0x145: {  	s5 =	simm.s32 $0xC  }
0x146: {  	_ =	swait.ge [sflag:s5], $0x280  }
0x147: {  	[sflag:s5] =	ssyncset.done $0x0  }
0x148: {  	s1 =	sadd.s32 $0x16380, s4;
	[sflag:s5] =	ssyncadd.s32 $0xFFFFFD80  }
0x149: {  	p0 =	por p2, p0;
	s29 =	simm.s32 $0x1BEC0;
	s0 =	rddreg [dreg:$0x0]  }
0x14a: {  	[tilespmem:s29], [sflag:$0x6] =	stream.indirect.gather [hbm4b:s0+s25], $0x80, s1, s25, $0xb8;
	[tilespmem:$0x1FD40] =	vst v63  }
0x14b: {  	s1 =	simm.s32 @!p0 $0x1  }
0x14c: {  	_ =	swait.ge @!p0 [sflag:s1], $0x7D0  }
0x14d: {  	[sflag:s1] =	ssyncset.done @!p0 $0x0  }
0x14e: {  	[sflag:s1] =	ssyncadd.s32 @!p0 $0xFFFFF830;
	s1 =	simm.s32 @!p0 $0x2  }
0x14f: {  	_ =	swait.ge @!p0 [sflag:s1], $0x7D0  }
0x150: {  	[sflag:s1] =	ssyncset.done @!p0 $0x0  }
0x151: {  	s6 =	simm.s32 $0x3;
	[sflag:s1] =	ssyncadd.s32 @!p0 $0xFFFFF830  }
0x152: {  	_ =	swait.ge [sflag:s6], $0x1400  }
0x153: {  	[sflag:s6] =	ssyncset.done $0x0  }
0x154: {  	[sflag:s6] =	ssyncadd.s32 $0xFFFFEC00  }
0x155: {  	s6 =	simm.s32 $0x17A50;
	s7 =	rddreg [dreg:$0x5]  }
0x156: {  	[spmem:s7] =	stream.indirect.scatter.add.f32 [tilespmem:s14], [sflag:$0x9], $0x80, s6, s25, $0xb8;
	[tilespmem:$0x1FD40] =	vst v63  }
0x157: {  	s3 =	simm.s32 $0x1FAC0;
	s8 =	simm.s32 $0x4;
	s2 =	rddreg [dreg:$0x6]  }
0x158: {  	[spmem:s2] =	stream.indirect.scatter.add.f32 [tilespmem:s3], [sflag:$0x9], $0x10, s6, s25, $0xb8;
	[tilespmem:$0x1FD40] =	vst v63  }
0x159: {  	_ =	swait.ge [sflag:s8], $0x1400  }
0x15a: {  	[sflag:s8] =	ssyncset.done $0x0  }
0x15b: {  	s9 =	simm.s32 $0x17A78;
	[sflag:s8] =	ssyncadd.s32 $0xFFFFEC00  }
0x15c: {  	[spmem:s7] =	stream.indirect.scatter.add.f32 [tilespmem:s16], [sflag:$0xA], $0x80, s9, s25, $0xb8;
	[tilespmem:$0x1FD40] =	vst v63  }
0x15d: {  	s10 =	simm.s32 $0x5  }
0x15e: {  	[spmem:s2] =	stream.indirect.scatter.add.f32 [tilespmem:s3], [sflag:$0xA], $0x10, s9, s25, $0xb8;
	[tilespmem:$0x1FD40] =	vst v63  }
0x15f: {  	_ =	swait.ge [sflag:s10], $0x1400  }
0x160: {  	[sflag:s10] =	ssyncset.done $0x0  }
0x161: {  	s11 =	simm.s32 $0x17AA0;
	[sflag:s10] =	ssyncadd.s32 $0xFFFFEC00  }
0x162: {  	[spmem:s7] =	stream.indirect.scatter.add.f32 [tilespmem:s18], [sflag:$0xB], $0x80, s11, s25, $0xb8;
	[tilespmem:$0x1FD40] =	vst v63  }
0x163: {  	s12 =	simm.s32 $0x6  }
0x164: {  	[spmem:s2] =	stream.indirect.scatter.add.f32 [tilespmem:s3], [sflag:$0xB], $0x10, s11, s25, $0xb8;
	[tilespmem:$0x1FD40] =	vst v63  }
0x165: {  	_ =	swait.ge [sflag:s12], $0x1400  }
0x166: {  	[sflag:s12] =	ssyncset.done $0x0  }
0x167: {  	s13 =	simm.s32 $0x17AC8;
	[sflag:s12] =	ssyncadd.s32 $0xFFFFEC00  }
0x168: {  	[spmem:s7] =	stream.indirect.scatter.add.f32 [tilespmem:s29], [sflag:$0xC], $0x80, s13, s25, $0xb8;
	[tilespmem:$0x1FD40] =	vst v63  }
0x169: {  	s14 =	simm.s32 $0x9  }
0x16a: {  	[spmem:s2] =	stream.indirect.scatter.add.f32 [tilespmem:s3], [sflag:$0xC], $0x10, s13, s25, $0xb8;
	[tilespmem:$0x1FD40] =	vst v63  }
0x16b: {  	_ =	swait.ge [sflag:s14], $0x1400  }
0x16c: {  	[sflag:s14] =	ssyncset.done $0x0  }
0x16d: {  	[sflag:s14] =	ssyncadd.s32 $0xFFFFEC00  }
0x16e: {  	_ =	swait.ge [sflag:s14], $0x280  }
0x16f: {  	[sflag:s14] =	ssyncset.done $0x0  }
0x170: {  	s15 =	simm.s32 $0xA;
	[sflag:s14] =	ssyncadd.s32 $0xFFFFFD80  }
0x171: {  	_ =	swait.ge [sflag:s15], $0x1400  }
0x172: {  	[sflag:s15] =	ssyncset.done $0x0  }
0x173: {  	[sflag:s15] =	ssyncadd.s32 $0xFFFFEC00  }
0x174: {  	_ =	swait.ge [sflag:s15], $0x280  }
0x175: {  	[sflag:s15] =	ssyncset.done $0x0  }
0x176: {  	s16 =	simm.s32 $0xB;
	[sflag:s15] =	ssyncadd.s32 $0xFFFFFD80  }
0x177: {  	_ =	swait.ge [sflag:s16], $0x1400  }
0x178: {  	[sflag:s16] =	ssyncset.done $0x0  }
0x179: {  	[sflag:s16] =	ssyncadd.s32 $0xFFFFEC00  }
0x17a: {  	_ =	swait.ge [sflag:s16], $0x280  }
0x17b: {  	[sflag:s16] =	ssyncset.done $0x0  }
0x17c: {  	[sflag:s16] =	ssyncadd.s32 $0xFFFFFD80  }
0x17d: {  	_ =	swait.ge [sflag:s5], $0x1400  }
0x17e: {  	[sflag:s5] =	ssyncset.done $0x0  }
0x17f: {  	[sflag:s5] =	ssyncadd.s32 $0xFFFFEC00  }
0x180: {  	_ =	swait.ge [sflag:s5], $0x280  }
0x181: {  	[sflag:s5] =	ssyncset.done $0x0  }
0x182: {  	s18 =	simm.s32 $0xD;
	[sflag:s5] =	ssyncadd.s32 $0xFFFFFD80  }
0x183: {  	_ =	swait.ge [sflag:s18], $0x1400  }
0x184: {  	[sflag:s18] =	ssyncset.done $0x0  }
0x185: {  	[sflag:s18] =	ssyncadd.s32 $0xFFFFEC00  }
0x186: {  	_ =	swait.ge [sflag:s18], $0x280  }
0x187: {  	[sflag:s18] =	ssyncset.done $0x0  }
0x188: {  	s20 =	simm.s32 $0xE;
	[sflag:s18] =	ssyncadd.s32 $0xFFFFFD80  }
0x189: {  	_ =	swait.ge [sflag:s20], $0x1400  }
0x18a: {  	[sflag:s20] =	ssyncset.done $0x0  }
0x18b: {  	[sflag:s20] =	ssyncadd.s32 $0xFFFFEC00  }
0x18c: {  	_ =	swait.ge [sflag:s20], $0x280  }
0x18d: {  	[sflag:s20] =	ssyncset.done $0x0  }
0x18e: {  	[sflag:s20] =	ssyncadd.s32 $0xFFFFFD80  }
0x18f: {  	[bflag:$0x0] =	sbarrier.arrive $0xFFFF  }
0x190: {  	s3 =	rddreg [dreg:$0xa]  }
0x191: {  	s22 =	rddreg [dreg:$0x13]  }
0x192: {  	s23 =	simm.s32 $0xF;
	s4 =	rddreg [dreg:$0x16];
	s21 =	sor.u32 $0x1C0F, s3  }
0x193: {  	[hbm:s22], [sflag:s21] =	dma.local [spmem:s4], $0x2780  }
0x194: {  	_ =	swait.ge [sflag:s23], $0x2780  }
0x195: {  	[sflag:s23] =	ssyncset.done $0x0;
	s24 =	rddreg [dreg:$0x14]  }
0x196: {  	s26 =	rddreg [dreg:$0x18];
	[sflag:s23] =	ssyncadd.s32 $0xFFFFD880  }
0x197: {  	[hbm:s24], [sflag:s21] =	dma.local [spmem:s26], $0x4F0  }
0x198: {  	_ =	swait.ge [sflag:s23], $0x4F0  }
0x199: {  	s28 =	rddreg [dreg:$0x17]  }
0x19a: {  	s29 =	rddreg [dreg:$0x15];
	s2 =	sadd.s32 $0x1, s28  }
0x19b: {  	p0 =	sne.s32 s2, s29  }
.Ltmp1:
0x19c: {  	_ = 	snop;
	(pc) =	sbr.rel @p0 .LBB2_1-.Ltmp1, $3  }
0x19d: {  	_ =	sdelay $0x1  }
0x19e: {  	[sflag:s23] =	ssyncset.done $0x0  }
0x19f: {  	s13 =	simm.s32 $0x1D2C0;
	s15 =	rddreg [dreg:$0x8];
	[sflag:s23] =	ssyncadd.s32 $0xFFFFFB10  }
0x1a0: {  	_ =	sfence.sel $0x180000  }
0x1a1: {  	[bflag:$0x0] =	sbarrier.arrive $0xFFFF  }
0x1a2: {  	_ =	strace $0x90000047  }
0x1a3: {  	s0 =	stileid.u32;
	[bflag:$0x2] =	sbarrier.arrive $0xFFFF  }
0x1a4: {  	p0 =	sne.s32 s0, $0x0;
	s0 =	rddreg [dreg:$0x7]  }
0x1a5: {  	s0 =	sadd.s32 @!p0 $0x100000, s0  }
0x1a6: {  	[sflag:s0] =	ssyncadd.tile.s32 @!p0 $0x1;
	_ =	shalt  }
.Lfunc_end2:
_tile_overlayer_lowered:
.L_overlay_start_2:
0x1a7: {  	(tag) =	ssettag $0x2  }
0x1a8: {  	s0 =	rddreg [dreg:$0x0];
	s2 =	stileid.u32  }
0x1a9: {  	s1 =	rddreg [dreg:$0x1];
	p0 =	sne.s32 s2, $0x0  }
0x1aa: {  	s3 =	rddreg [dreg:$0x2];
	[bflag:$0x3] =	sbarrier.arrive $0xFFFF;
	s2 =	simm.s32 @!p0 $0x1C0F  }
0x1ab: {  	[timem:s3], [sflag:s2] =	dma.local @!p0 [hbm:s0], s1  }
0x1ac: {  	s0 =	simm.s32 @!p0 $0xF  }
0x1ad: {  	_ =	swait.ge @!p0 [sflag:s0], s1  }
0x1ae: {  	s1 =	ssub.s32 @!p0 $0x0, s1;
	[sflag:s0] =	ssyncset.done @!p0 $0x0  }
0x1af: {  	[sflag:s0] =	ssyncadd.s32 @!p0 s1  }
0x1b0: {  	[bflag:$0x3] =	sbarrier.arrive $0xFFFF  }
0x1b1: {  	_ =	shalt  }

</sc_bundles>
